<compile_context>
chip_gen: v7x
topology: tpu7x:2x2x1
jax: 0.10.2.dev20260603
libtpu: 0.0.44.dev20260713+nightly
codegen_flags: <defaults>
</compile_context>

<pallas_src>
import functools

import jax
import jax.numpy as jnp
from jax import lax
from jax.experimental import pallas as pl
from jax.experimental.pallas import tpu as pltpu
from jax.experimental.pallas import tpu_sc as plsc

NC = 2
NS = 16
NW = NC * NS
B = 128

_MESH = dict(core_axis_name="c", subcore_axis_name="s", num_cores=NC,
             num_subcores=NS)


def _deg_kernel(npad, cpt):
    stripe = npad // NS

    @functools.partial(
        pl.kernel,
        out_type=jax.ShapeDtypeStruct((NC, npad, 16), jnp.float32),
        mesh=plsc.VectorSubcoreMesh(**_MESH),
        scratch_types=[
            pltpu.VMEM((cpt, B), jnp.int32),
            pltpu.VMEM((B, 16), jnp.float32),
            pltpu.VMEM_SHARED((npad, 16), jnp.float32),
        ],
    )
    def deg(cols_hbm, zeros_hbm, ones_hbm, out_hbm, colsv, onesv, deg_sp):
        c = lax.axis_index("c")
        s = lax.axis_index("s")
        wid = s * NC + c
        base = s * stripe
        pltpu.sync_copy(cols_hbm.at[wid], colsv)
        pltpu.sync_copy(ones_hbm, onesv)
        pltpu.sync_copy(zeros_hbm.at[pl.ds(base, stripe)],
                        deg_sp.at[pl.ds(base, stripe)])
        plsc.subcore_barrier()

        def step(j, carry):
            pltpu.sync_copy(onesv, deg_sp.at[colsv.at[j]], add=True)
            return carry
        lax.fori_loop(0, cpt, step, 0)
        plsc.subcore_barrier()
        pltpu.sync_copy(deg_sp.at[pl.ds(base, stripe)],
                        out_hbm.at[c, pl.ds(base, stripe)])

    return deg


def _agg_kernel(npad, cpt, d):
    stripe = npad // NS

    @functools.partial(
        pl.kernel,
        out_type=jax.ShapeDtypeStruct((NC, npad, d), jnp.float32),
        mesh=plsc.VectorSubcoreMesh(**_MESH),
        scratch_types=[
            pltpu.VMEM_SHARED((npad, d), jnp.float32),
            pltpu.SemaphoreType.DMA,
            pltpu.SemaphoreType.DMA,
        ],
    )
    def agg(h_hbm, rows_hbm, cols_hbm, zeros_hbm, out_hbm,
            acc_sp, sem0, sem1):
        c = lax.axis_index("c")
        s = lax.axis_index("s")
        wid = s * NC + c
        base = s * stripe
        half = (cpt + 1) // 2
        spans = []
        j0 = 0
        while j0 < cpt:
            spans.append((j0, min(half, cpt - j0)))
            j0 += half

        def scoped(rowsv, colsv, gbuf0, gbuf1):
            sub = stripe // 8

            def init(k, carry):
                off = base + k * sub

                @pl.when(c == 0)
                def _():
                    pltpu.sync_copy(h_hbm.at[pl.ds(off, sub)],
                                    acc_sp.at[pl.ds(off, sub)])

                @pl.when(c == 1)
                def _():
                    pltpu.sync_copy(zeros_hbm.at[pl.ds(off, sub)],
                                    acc_sp.at[pl.ds(off, sub)])
                return carry
            lax.fori_loop(0, 8, init, 0, unroll=False)
            plsc.subcore_barrier()

            def gather(jl, buf, sem):
                pltpu.async_copy(h_hbm.at[rowsv.at[jl]], buf, sem)

            def wait_scatter(jl, buf, sem):
                pltpu.make_async_copy(h_hbm.at[rowsv.at[jl]], buf,
                                      sem).wait()
                pltpu.sync_copy(buf, acc_sp.at[colsv.at[jl]], add=True)

            for p0, cnt in spans:
                pltpu.sync_copy(rows_hbm.at[wid, pl.ds(p0, cnt)],
                                rowsv.at[pl.ds(0, cnt)])
                pltpu.sync_copy(cols_hbm.at[wid, pl.ds(p0, cnt)],
                                colsv.at[pl.ds(0, cnt)])
                gather(0, gbuf0, sem0)

                def step(i, carry):
                    gather(2 * i + 1, gbuf1, sem1)
                    wait_scatter(2 * i, gbuf0, sem0)
                    gather(2 * i + 2, gbuf0, sem0)
                    wait_scatter(2 * i + 1, gbuf1, sem1)
                    return carry
                lax.fori_loop(0, (cnt - 1) // 2, step, 0)
                if cnt % 2 == 1:
                    wait_scatter(cnt - 1, gbuf0, sem0)
                else:
                    gather(cnt - 1, gbuf1, sem1)
                    wait_scatter(cnt - 2, gbuf0, sem0)
                    wait_scatter(cnt - 1, gbuf1, sem1)
            plsc.subcore_barrier()

            def drain(k, carry):
                off = base + k * sub
                pltpu.sync_copy(acc_sp.at[pl.ds(off, sub)],
                                out_hbm.at[c, pl.ds(off, sub)])
                return carry
            lax.fori_loop(0, 8, drain, 0, unroll=False)
        pl.run_scoped(scoped,
                      pltpu.VMEM(((cpt + 1) // 2, B), jnp.int32),
                      pltpu.VMEM(((cpt + 1) // 2, B), jnp.int32),
                      pltpu.VMEM((B, d), jnp.float32),
                      pltpu.VMEM((B, d), jnp.float32))

    return agg


def _tc_first(degp, x, w0, n, npad, d):
    def body(degp_ref, x_ref, w_ref, dinv_ref, h_ref):
        cnt = (jnp.sum(degp_ref[0], axis=1, keepdims=True)
               + jnp.sum(degp_ref[1], axis=1, keepdims=True)) * (1.0 / 16.0)
        dinv = lax.rsqrt(cnt + 1.0)
        dinv_ref[...] = dinv
        xw = jnp.dot(x_ref[...], w_ref[...],
                     preferred_element_type=jnp.float32)
        h_ref[0:n, :] = dinv[0:n] * xw
        h_ref[n:npad, :] = jnp.zeros((npad - n, d), jnp.float32)

    return pl.pallas_call(
        body,
        out_shape=[jax.ShapeDtypeStruct((npad, 1), jnp.float32),
                   jax.ShapeDtypeStruct((npad, d), jnp.float32)],
    )(degp, x, w0)


def _tc_mid(p, dinv, bias, w, npad, d):
    def body(p_ref, dinv_ref, b_ref, w_ref, h_ref):
        dinv = dinv_ref[...]
        g = jnp.maximum(dinv * (p_ref[0] + p_ref[1]) + b_ref[...], 0.0)
        h_ref[...] = dinv * jnp.dot(g, w_ref[...],
                                    preferred_element_type=jnp.float32)

    return pl.pallas_call(
        body,
        out_shape=jax.ShapeDtypeStruct((npad, d), jnp.float32),
    )(p, dinv, bias, w)


def _tc_final(p, dinv, bias, npad, d):
    def body(p_ref, dinv_ref, b_ref, o_ref):
        o_ref[...] = dinv_ref[...] * (p_ref[0] + p_ref[1]) + b_ref[...]

    return pl.pallas_call(
        body,
        out_shape=jax.ShapeDtypeStruct((npad, d), jnp.float32),
    )(p, dinv, bias)


def kernel(x, edge_index, edge_weight, W0, b0, W1, b1, W2, b2):
    n, d = x.shape
    e = edge_index.shape[1]
    del edge_weight

    npad = (n // (NS * B) + 1) * NS * B
    epad = pl.cdiv(e, NW * B) * NW * B
    cpt = epad // (NW * B)
    pad = epad - e

    ar = jnp.arange(pad, dtype=jnp.int32)
    rows = jnp.concatenate([edge_index[0], ar % n]).reshape(NW, cpt, B)
    cols = jnp.concatenate(
        [edge_index[1], n + ar % (npad - n)]).reshape(NW, cpt, B)

    zeros_nd = jnp.zeros((npad, d), jnp.float32)
    zeros_16 = jnp.zeros((npad, 16), jnp.float32)
    ones_16 = jnp.ones((B, 16), jnp.float32)

    degp = _deg_kernel(npad, cpt)(cols, zeros_16, ones_16)
    dinv, h = _tc_first(degp, x, W0, n, npad, d)

    agg = _agg_kernel(npad, cpt, d)
    p = agg(h, rows, cols, zeros_nd)
    h = _tc_mid(p, dinv, jnp.reshape(b0, (1, d)), W1, npad, d)
    p = agg(h, rows, cols, zeros_nd)
    h = _tc_mid(p, dinv, jnp.reshape(b1, (1, d)), W2, npad, d)
    p = agg(h, rows, cols, zeros_nd)
    logits = _tc_final(p, dinv, jnp.reshape(b2, (1, d)), npad, d)
    return logits[:n]

# --- scband reference (transcript-rebuilt; emitter-appended) ---
"""Pipeline reference for scband-gcn-69097433858404 (READ-ONLY COPY).

The authoritative reference and input builder live on the scoring server;
editing this copy changes nothing except your own understanding.
"""

import jax, jax.numpy as jnp
import numpy as np

N, E, D = 10000, 320000, 128


def gcn_conv(x, edge_index, edge_weight, W, b):
    # Faithful PyG GCNConv with normalize=True: gcn_norm adds self-loops and
    # applies symmetric normalization, then linear transform + scatter-add aggregation.
    n = x.shape[0]
    loop = jnp.arange(n, dtype=edge_index.dtype)
    row = jnp.concatenate([edge_index[0], loop])
    col = jnp.concatenate([edge_index[1], loop])
    ew = jnp.concatenate([edge_weight, jnp.ones((n,), dtype=x.dtype)])
    deg = jax.ops.segment_sum(ew, col, num_segments=n)
    dinv = jnp.where(deg > 0, jax.lax.rsqrt(deg), 0.0)
    norm = dinv[row] * ew * dinv[col]
    h = x @ W
    msg = norm[:, None] * h[row]
    out = jax.ops.segment_sum(msg, col, num_segments=n)
    return out + b


def setup_inputs(seed: int = 0) -> dict:
    key = jax.random.key(seed)
    ks = jax.random.split(key, 12)
    x = jax.random.normal(ks[0], (N, D), dtype=jnp.float32)
    edge_index = jax.random.randint(ks[1], (2, E), 0, N, dtype=jnp.int32)
    edge_weight = jax.random.uniform(ks[2], (E,), dtype=jnp.float32)
    scale = 1.0 / np.sqrt(D)
    W0 = jax.random.normal(ks[3], (D, D), dtype=jnp.float32) * scale
    b0 = jnp.zeros((D,), dtype=jnp.float32)
    W1 = jax.random.normal(ks[4], (D, D), dtype=jnp.float32) * scale
    b1 = jnp.zeros((D,), dtype=jnp.float32)
    W2 = jax.random.normal(ks[5], (D, D), dtype=jnp.float32) * scale
    b2 = jnp.zeros((D,), dtype=jnp.float32)
    return {"x": x, "edge_index": edge_index, "edge_weight": edge_weight,
            "W0": W0, "b0": b0, "W1": W1, "b1": b1, "W2": W2, "b2": b2}


def reference(x, edge_index, edge_weight, W0, b0, W1, b1, W2, b2):
    # The torch forward overwrites the effective per-layer weight with ones
    # (weight = torch.ones_like(edges[0])), so each GCNConv receives all-ones
    # edge weights; the passed edge_weight / intermediate deg computations are dead.
    ones_w = jnp.ones((edge_index.shape[1],), dtype=x.dtype)
    h = x
    for W, b in ((W0, b0), (W1, b1)):
        h = jax.nn.relu(gcn_conv(h, edge_index, ones_w, W, b))
    logits = gcn_conv(h, edge_index, ones_w, W2, b2)
    return logits

if __name__ == "__main__":
    import jax
    _d = setup_inputs()
    print(jax.jit(kernel)(*tuple(_d.values())))

</pallas_src>

<mosaic_0001>
#map = affine_map<(d0, d1) -> (0, 0)>
#map1 = affine_map<(d0, d1) -> (0, 0, 0)>
module attributes {stable_mosaic.version = 14 : i64} {
  func.func @agg(%arg0: i32, %arg1: i32, %arg2: memref<10240x128xf32, #tpu.memory_space<hbm>>, %arg3: memref<32x79x128xi32, #tpu.memory_space<hbm>>, %arg4: memref<32x79x128xi32, #tpu.memory_space<hbm>>, %arg5: memref<10240x128xf32, #tpu.memory_space<hbm>>, %arg6: memref<2x10240x128xf32, #tpu.memory_space<hbm>>, %arg7: memref<10240x128xf32, #tpu.memory_space<vmem_shared>>, %arg8: memref<!tpu.dma_semaphore, #tpu.memory_space<semaphore_mem>>, %arg9: memref<!tpu.dma_semaphore, #tpu.memory_space<semaphore_mem>>) attributes {dimension_semantics = [#tpu.dimension_semantics<core_parallel>, #tpu.dimension_semantics<subcore_parallel>], iteration_bounds = array<i64: 2, 16>, scalar_prefetch = 0 : i64, scratch_operands = 3 : i64, tpu.core_type = #tpu.core_type<sc_vector_subcore>, window_params = [{transform_indices = #map}, {transform_indices = #map1}, {transform_indices = #map1}, {transform_indices = #map}, {transform_indices = #map1}]} {
    %mul3A = arith.constant 2 : i32
    %mul3A_0 = arith.muli %arg1, %mul3A : i32
    %add3A = arith.addi %mul3A_0, %arg0 : i32
    %mul3A_1 = arith.constant 640 : i32
    %mul3A_2 = arith.muli %arg1, %mul3A_1 : i32
    "tpu.region"() ({
      %run_scoped3A = memref.alloca() : memref<40x128xi32, #tpu.memory_space<vmem>>
      %run_scoped3A_3 = memref.alloca() : memref<40x128xi32, #tpu.memory_space<vmem>>
      %run_scoped3A_4 = memref.alloca() : memref<128x128xf32, #tpu.memory_space<vmem>>
      %run_scoped3A_5 = memref.alloca() : memref<128x128xf32, #tpu.memory_space<vmem>>
      %scan3A = arith.constant 0 : i32
      %scan3A_6 = arith.constant 0 : i32
      %scan3A_7 = arith.constant 8 : i32
      %scan3A_8 = arith.addi %scan3A_6, %scan3A_7 : i32
      %scan3A_9 = arith.constant 1 : i32
      scf.for %scan3A_73 = %scan3A_6 to %scan3A_8 step %scan3A_9  : i32 {
        %mul3A_74 = arith.constant 80 : i32
        %mul3A_75 = arith.muli %scan3A_73, %mul3A_74 : i32
        %add3A_76 = arith.addi %mul3A_2, %mul3A_75 : i32
        %eq3A = arith.constant 0 : i32
        %eq3A_77 = arith.cmpi eq, %arg0, %eq3A : i32
        %convert_element_type3A = arith.extui %eq3A_77 : i1 to i32
        %cond3A = arith.constant 0 : i32
        %cond3A_78 = arith.cmpi ne, %convert_element_type3A, %cond3A : i32
        scf.if %cond3A_78 {
          "tpu.region"() ({
            %run_scoped3A_84 = tpu.sem_alloc : memref<!tpu.dma_semaphore, #tpu.memory_space<semaphore_mem>>
            %dma_start3A_85 = arith.constant 0 : i32
            %dma_start3A_86 = tpu.memref_slice %arg7[%add3A_76, %dma_start3A_85] : memref<10240x128xf32, #tpu.memory_space<vmem_shared>> -> memref<80x128xf32, #tpu.memory_space<vmem_shared>>
            %dma_start3A_87 = arith.constant 0 : i32
            %dma_start3A_88 = tpu.memref_slice %arg2[%add3A_76, %dma_start3A_87] : memref<10240x128xf32, #tpu.memory_space<hbm>> -> memref<80x128xf32, #tpu.memory_space<hbm>>
            tpu.enqueue_dma source(%dma_start3A_88 : memref<80x128xf32, #tpu.memory_space<hbm>>) target(%dma_start3A_86 : memref<80x128xf32, #tpu.memory_space<vmem_shared>>) target_semaphore(%run_scoped3A_84 : memref<!tpu.dma_semaphore, #tpu.memory_space<semaphore_mem>>)
            %dma_wait3A_89 = arith.constant 0 : i32
            %dma_wait3A_90 = tpu.memref_slice %arg7[%add3A_76, %dma_wait3A_89] : memref<10240x128xf32, #tpu.memory_space<vmem_shared>> -> memref<80x128xf32, #tpu.memory_space<vmem_shared>>
            %dma_wait3A_91 = arith.constant 0 : i32
            %dma_wait3A_92 = tpu.memref_slice %arg2[%add3A_76, %dma_wait3A_91] : memref<10240x128xf32, #tpu.memory_space<hbm>> -> memref<80x128xf32, #tpu.memory_space<hbm>>
            tpu.wait_dma2 semaphore(%run_scoped3A_84 : memref<!tpu.dma_semaphore, #tpu.memory_space<semaphore_mem>>) src(%dma_wait3A_92 : memref<80x128xf32, #tpu.memory_space<hbm>>) dst(%dma_wait3A_90 : memref<80x128xf32, #tpu.memory_space<vmem_shared>>)
            tpu.yield
          }) : () -> ()
        } else {
        }
        %eq3A_79 = arith.constant 1 : i32
        %eq3A_80 = arith.cmpi eq, %arg0, %eq3A_79 : i32
        %convert_element_type3A_81 = arith.extui %eq3A_80 : i1 to i32
        %cond3A_82 = arith.constant 0 : i32
        %cond3A_83 = arith.cmpi ne, %convert_element_type3A_81, %cond3A_82 : i32
        scf.if %cond3A_83 {
          "tpu.region"() ({
            %run_scoped3A_84 = tpu.sem_alloc : memref<!tpu.dma_semaphore, #tpu.memory_space<semaphore_mem>>
            %dma_start3A_85 = arith.constant 0 : i32
            %dma_start3A_86 = tpu.memref_slice %arg7[%add3A_76, %dma_start3A_85] : memref<10240x128xf32, #tpu.memory_space<vmem_shared>> -> memref<80x128xf32, #tpu.memory_space<vmem_shared>>
            %dma_start3A_87 = arith.constant 0 : i32
            %dma_start3A_88 = tpu.memref_slice %arg5[%add3A_76, %dma_start3A_87] : memref<10240x128xf32, #tpu.memory_space<hbm>> -> memref<80x128xf32, #tpu.memory_space<hbm>>
            tpu.enqueue_dma source(%dma_start3A_88 : memref<80x128xf32, #tpu.memory_space<hbm>>) target(%dma_start3A_86 : memref<80x128xf32, #tpu.memory_space<vmem_shared>>) target_semaphore(%run_scoped3A_84 : memref<!tpu.dma_semaphore, #tpu.memory_space<semaphore_mem>>)
            %dma_wait3A_89 = arith.constant 0 : i32
            %dma_wait3A_90 = tpu.memref_slice %arg7[%add3A_76, %dma_wait3A_89] : memref<10240x128xf32, #tpu.memory_space<vmem_shared>> -> memref<80x128xf32, #tpu.memory_space<vmem_shared>>
            %dma_wait3A_91 = arith.constant 0 : i32
            %dma_wait3A_92 = tpu.memref_slice %arg5[%add3A_76, %dma_wait3A_91] : memref<10240x128xf32, #tpu.memory_space<hbm>> -> memref<80x128xf32, #tpu.memory_space<hbm>>
            tpu.wait_dma2 semaphore(%run_scoped3A_84 : memref<!tpu.dma_semaphore, #tpu.memory_space<semaphore_mem>>) src(%dma_wait3A_92 : memref<80x128xf32, #tpu.memory_space<hbm>>) dst(%dma_wait3A_90 : memref<80x128xf32, #tpu.memory_space<vmem_shared>>)
            tpu.yield
          }) : () -> ()
        } else {
        }
      }
      %scan3A_10 = arith.constant 8 : i32
      %barrier3A = arith.constant 0 : index
      tpu.barrier barrier_id(%barrier3A)
      "tpu.region"() ({
        %run_scoped3A_73 = tpu.sem_alloc : memref<!tpu.dma_semaphore, #tpu.memory_space<semaphore_mem>>
        %dma_start3A_74 = arith.constant 0 : i32
        %dma_start3A_75 = arith.constant 0 : i32
        %dma_start3A_76 = tpu.memref_slice %run_scoped3A[%dma_start3A_74, %dma_start3A_75] : memref<40x128xi32, #tpu.memory_space<vmem>> -> memref<40x128xi32, #tpu.memory_space<vmem>>
        %dma_start3A_77 = arith.constant 0 : i32
        %dma_start3A_78 = arith.constant 0 : i32
        %dma_start3A_79 = tpu.memref_slice %arg3[%add3A, %dma_start3A_77, %dma_start3A_78] : memref<32x79x128xi32, #tpu.memory_space<hbm>> -> memref<1x40x128xi32, #tpu.memory_space<hbm>>
        %dma_start3A_80 = tpu.memref_squeeze %dma_start3A_79 : memref<1x40x128xi32, #tpu.memory_space<hbm>> -> memref<40x128xi32, #tpu.memory_space<hbm>>
        %dma_start3A_81 = arith.constant 0 : i32
        %dma_start3A_82 = arith.constant 0 : i32
        %dma_start3A_83 = tpu.memref_slice %run_scoped3A[%dma_start3A_81, %dma_start3A_82] : memref<40x128xi32, #tpu.memory_space<vmem>> -> memref<40x128xi32, #tpu.memory_space<vmem>>
        %dma_start3A_84 = arith.constant 0 : i32
        %dma_start3A_85 = arith.constant 0 : i32
        %dma_start3A_86 = tpu.memref_slice %arg3[%add3A, %dma_start3A_84, %dma_start3A_85] : memref<32x79x128xi32, #tpu.memory_space<hbm>> -> memref<1x40x128xi32, #tpu.memory_space<hbm>>
        %dma_start3A_87 = tpu.memref_squeeze %dma_start3A_86 : memref<1x40x128xi32, #tpu.memory_space<hbm>> -> memref<40x128xi32, #tpu.memory_space<hbm>>
        tpu.enqueue_dma source(%dma_start3A_87 : memref<40x128xi32, #tpu.memory_space<hbm>>) target(%dma_start3A_83 : memref<40x128xi32, #tpu.memory_space<vmem>>) target_semaphore(%run_scoped3A_73 : memref<!tpu.dma_semaphore, #tpu.memory_space<semaphore_mem>>)
        %dma_wait3A_88 = arith.constant 0 : i32
        %dma_wait3A_89 = arith.constant 0 : i32
        %dma_wait3A_90 = tpu.memref_slice %run_scoped3A[%dma_wait3A_88, %dma_wait3A_89] : memref<40x128xi32, #tpu.memory_space<vmem>> -> memref<40x128xi32, #tpu.memory_space<vmem>>
        %dma_wait3A_91 = arith.constant 0 : i32
        %dma_wait3A_92 = arith.constant 0 : i32
        %dma_wait3A_93 = tpu.memref_slice %arg3[%add3A, %dma_wait3A_91, %dma_wait3A_92] : memref<32x79x128xi32, #tpu.memory_space<hbm>> -> memref<1x40x128xi32, #tpu.memory_space<hbm>>
        %dma_wait3A_94 = tpu.memref_squeeze %dma_wait3A_93 : memref<1x40x128xi32, #tpu.memory_space<hbm>> -> memref<40x128xi32, #tpu.memory_space<hbm>>
        %dma_wait3A_95 = arith.constant 0 : i32
        %dma_wait3A_96 = arith.constant 0 : i32
        %dma_wait3A_97 = tpu.memref_slice %run_scoped3A[%dma_wait3A_95, %dma_wait3A_96] : memref<40x128xi32, #tpu.memory_space<vmem>> -> memref<40x128xi32, #tpu.memory_space<vmem>>
        %dma_wait3A_98 = arith.constant 0 : i32
        %dma_wait3A_99 = arith.constant 0 : i32
        %dma_wait3A_100 = tpu.memref_slice %arg3[%add3A, %dma_wait3A_98, %dma_wait3A_99] : memref<32x79x128xi32, #tpu.memory_space<hbm>> -> memref<1x40x128xi32, #tpu.memory_space<hbm>>
        %dma_wait3A_101 = tpu.memref_squeeze %dma_wait3A_100 : memref<1x40x128xi32, #tpu.memory_space<hbm>> -> memref<40x128xi32, #tpu.memory_space<hbm>>
        tpu.wait_dma2 semaphore(%run_scoped3A_73 : memref<!tpu.dma_semaphore, #tpu.memory_space<semaphore_mem>>) src(%dma_wait3A_101 : memref<40x128xi32, #tpu.memory_space<hbm>>) dst(%dma_wait3A_97 : memref<40x128xi32, #tpu.memory_space<vmem>>)
        tpu.yield
      }) : () -> ()
      "tpu.region"() ({
        %run_scoped3A_73 = tpu.sem_alloc : memref<!tpu.dma_semaphore, #tpu.memory_space<semaphore_mem>>
        %dma_start3A_74 = arith.constant 0 : i32
        %dma_start3A_75 = arith.constant 0 : i32
        %dma_start3A_76 = tpu.memref_slice %run_scoped3A_3[%dma_start3A_74, %dma_start3A_75] : memref<40x128xi32, #tpu.memory_space<vmem>> -> memref<40x128xi32, #tpu.memory_space<vmem>>
        %dma_start3A_77 = arith.constant 0 : i32
        %dma_start3A_78 = arith.constant 0 : i32
        %dma_start3A_79 = tpu.memref_slice %arg4[%add3A, %dma_start3A_77, %dma_start3A_78] : memref<32x79x128xi32, #tpu.memory_space<hbm>> -> memref<1x40x128xi32, #tpu.memory_space<hbm>>
        %dma_start3A_80 = tpu.memref_squeeze %dma_start3A_79 : memref<1x40x128xi32, #tpu.memory_space<hbm>> -> memref<40x128xi32, #tpu.memory_space<hbm>>
        %dma_start3A_81 = arith.constant 0 : i32
        %dma_start3A_82 = arith.constant 0 : i32
        %dma_start3A_83 = tpu.memref_slice %run_scoped3A_3[%dma_start3A_81, %dma_start3A_82] : memref<40x128xi32, #tpu.memory_space<vmem>> -> memref<40x128xi32, #tpu.memory_space<vmem>>
        %dma_start3A_84 = arith.constant 0 : i32
        %dma_start3A_85 = arith.constant 0 : i32
        %dma_start3A_86 = tpu.memref_slice %arg4[%add3A, %dma_start3A_84, %dma_start3A_85] : memref<32x79x128xi32, #tpu.memory_space<hbm>> -> memref<1x40x128xi32, #tpu.memory_space<hbm>>
        %dma_start3A_87 = tpu.memref_squeeze %dma_start3A_86 : memref<1x40x128xi32, #tpu.memory_space<hbm>> -> memref<40x128xi32, #tpu.memory_space<hbm>>
        tpu.enqueue_dma source(%dma_start3A_87 : memref<40x128xi32, #tpu.memory_space<hbm>>) target(%dma_start3A_83 : memref<40x128xi32, #tpu.memory_space<vmem>>) target_semaphore(%run_scoped3A_73 : memref<!tpu.dma_semaphore, #tpu.memory_space<semaphore_mem>>)
        %dma_wait3A_88 = arith.constant 0 : i32
        %dma_wait3A_89 = arith.constant 0 : i32
        %dma_wait3A_90 = tpu.memref_slice %run_scoped3A_3[%dma_wait3A_88, %dma_wait3A_89] : memref<40x128xi32, #tpu.memory_space<vmem>> -> memref<40x128xi32, #tpu.memory_space<vmem>>
        %dma_wait3A_91 = arith.constant 0 : i32
        %dma_wait3A_92 = arith.constant 0 : i32
        %dma_wait3A_93 = tpu.memref_slice %arg4[%add3A, %dma_wait3A_91, %dma_wait3A_92] : memref<32x79x128xi32, #tpu.memory_space<hbm>> -> memref<1x40x128xi32, #tpu.memory_space<hbm>>
        %dma_wait3A_94 = tpu.memref_squeeze %dma_wait3A_93 : memref<1x40x128xi32, #tpu.memory_space<hbm>> -> memref<40x128xi32, #tpu.memory_space<hbm>>
        %dma_wait3A_95 = arith.constant 0 : i32
        %dma_wait3A_96 = arith.constant 0 : i32
        %dma_wait3A_97 = tpu.memref_slice %run_scoped3A_3[%dma_wait3A_95, %dma_wait3A_96] : memref<40x128xi32, #tpu.memory_space<vmem>> -> memref<40x128xi32, #tpu.memory_space<vmem>>
        %dma_wait3A_98 = arith.constant 0 : i32
        %dma_wait3A_99 = arith.constant 0 : i32
        %dma_wait3A_100 = tpu.memref_slice %arg4[%add3A, %dma_wait3A_98, %dma_wait3A_99] : memref<32x79x128xi32, #tpu.memory_space<hbm>> -> memref<1x40x128xi32, #tpu.memory_space<hbm>>
        %dma_wait3A_101 = tpu.memref_squeeze %dma_wait3A_100 : memref<1x40x128xi32, #tpu.memory_space<hbm>> -> memref<40x128xi32, #tpu.memory_space<hbm>>
        tpu.wait_dma2 semaphore(%run_scoped3A_73 : memref<!tpu.dma_semaphore, #tpu.memory_space<semaphore_mem>>) src(%dma_wait3A_101 : memref<40x128xi32, #tpu.memory_space<hbm>>) dst(%dma_wait3A_97 : memref<40x128xi32, #tpu.memory_space<vmem>>)
        tpu.yield
      }) : () -> ()
      %dma_start3A = arith.constant 0 : i32
      %dma_start3A_11 = arith.constant 0 : i32
      %dma_start3A_12 = tpu.memref_slice %run_scoped3A[%dma_start3A, %dma_start3A_11] : memref<40x128xi32, #tpu.memory_space<vmem>> -> memref<1x128xi32, #tpu.memory_space<vmem>>
      %dma_start3A_13 = tpu.memref_squeeze %dma_start3A_12 : memref<1x128xi32, #tpu.memory_space<vmem>> -> memref<128xi32, #tpu.memory_space<vmem>>
      %dma_start3A_14 = arith.constant 0 : i32
      %dma_start3A_15 = arith.constant 0 : i32
      %dma_start3A_16 = tpu.memref_slice %arg2[%dma_start3A_14, %dma_start3A_15] : memref<10240x128xf32, #tpu.memory_space<hbm>> -> memref<10240x128xf32, #tpu.memory_space<hbm>>
      tpu.enqueue_indirect_dma source(%dma_start3A_16 : memref<10240x128xf32, #tpu.memory_space<hbm>>) target(%run_scoped3A_4 : memref<128x128xf32, #tpu.memory_space<vmem>>) offsets(%dma_start3A_13 : memref<128xi32, #tpu.memory_space<vmem>>) semaphore(%arg8 : memref<!tpu.dma_semaphore, #tpu.memory_space<semaphore_mem>>)
      %scan3A_17 = arith.constant 0 : i32
      %scan3A_18 = arith.constant 0 : i32
      %scan3A_19 = arith.constant 19 : i32
      %scan3A_20 = arith.addi %scan3A_18, %scan3A_19 : i32
      %scan3A_21 = arith.constant 1 : i32
      scf.for %scan3A_73 = %scan3A_18 to %scan3A_20 step %scan3A_21  : i32 {
        %mul3A_74 = arith.constant 2 : i32
        %mul3A_75 = arith.muli %mul3A_74, %scan3A_73 : i32
        %add3A_76 = arith.constant 1 : i32
        %add3A_77 = arith.addi %mul3A_75, %add3A_76 : i32
        %dma_start3A_78 = arith.constant 0 : i32
        %dma_start3A_79 = tpu.memref_slice %run_scoped3A[%add3A_77, %dma_start3A_78] : memref<40x128xi32, #tpu.memory_space<vmem>> -> memref<1x128xi32, #tpu.memory_space<vmem>>
        %dma_start3A_80 = tpu.memref_squeeze %dma_start3A_79 : memref<1x128xi32, #tpu.memory_space<vmem>> -> memref<128xi32, #tpu.memory_space<vmem>>
        %dma_start3A_81 = arith.constant 0 : i32
        %dma_start3A_82 = arith.constant 0 : i32
        %dma_start3A_83 = tpu.memref_slice %arg2[%dma_start3A_81, %dma_start3A_82] : memref<10240x128xf32, #tpu.memory_space<hbm>> -> memref<10240x128xf32, #tpu.memory_space<hbm>>
        tpu.enqueue_indirect_dma source(%dma_start3A_83 : memref<10240x128xf32, #tpu.memory_space<hbm>>) target(%run_scoped3A_5 : memref<128x128xf32, #tpu.memory_space<vmem>>) offsets(%dma_start3A_80 : memref<128xi32, #tpu.memory_space<vmem>>) semaphore(%arg9 : memref<!tpu.dma_semaphore, #tpu.memory_space<semaphore_mem>>)
        %mul3A_84 = arith.constant 2 : i32
        %mul3A_85 = arith.muli %mul3A_84, %scan3A_73 : i32
        %dma_wait3A_86 = arith.constant 0 : i32
        %dma_wait3A_87 = tpu.memref_slice %run_scoped3A[%mul3A_85, %dma_wait3A_86] : memref<40x128xi32, #tpu.memory_space<vmem>> -> memref<1x128xi32, #tpu.memory_space<vmem>>
        %dma_wait3A_88 = tpu.memref_squeeze %dma_wait3A_87 : memref<1x128xi32, #tpu.memory_space<vmem>> -> memref<128xi32, #tpu.memory_space<vmem>>
        %dma_wait3A_89 = arith.constant 0 : i32
        %dma_wait3A_90 = arith.constant 0 : i32
        %dma_wait3A_91 = tpu.memref_slice %arg2[%dma_wait3A_89, %dma_wait3A_90] : memref<10240x128xf32, #tpu.memory_space<hbm>> -> memref<10240x128xf32, #tpu.memory_space<hbm>>
        tpu.wait_indirect_dma semaphore(%arg8 : memref<!tpu.dma_semaphore, #tpu.memory_space<semaphore_mem>>) src(%dma_wait3A_91 : memref<10240x128xf32, #tpu.memory_space<hbm>>) dst(%run_scoped3A_4 : memref<128x128xf32, #tpu.memory_space<vmem>>)
        "tpu.region"() ({
          %run_scoped3A_112 = tpu.sem_alloc : memref<!tpu.dma_semaphore, #tpu.memory_space<semaphore_mem>>
          %dma_start3A_113 = arith.constant 0 : i32
          %dma_start3A_114 = tpu.memref_slice %run_scoped3A_3[%mul3A_85, %dma_start3A_113] : memref<40x128xi32, #tpu.memory_space<vmem>> -> memref<1x128xi32, #tpu.memory_space<vmem>>
          %dma_start3A_115 = tpu.memref_squeeze %dma_start3A_114 : memref<1x128xi32, #tpu.memory_space<vmem>> -> memref<128xi32, #tpu.memory_space<vmem>>
          %dma_start3A_116 = arith.constant 0 : i32
          %dma_start3A_117 = arith.constant 0 : i32
          %dma_start3A_118 = tpu.memref_slice %arg7[%dma_start3A_116, %dma_start3A_117] : memref<10240x128xf32, #tpu.memory_space<vmem_shared>> -> memref<10240x128xf32, #tpu.memory_space<vmem_shared>>
          tpu.enqueue_indirect_dma source(%run_scoped3A_4 : memref<128x128xf32, #tpu.memory_space<vmem>>) target(%dma_start3A_118 : memref<10240x128xf32, #tpu.memory_space<vmem_shared>>) offsets(%dma_start3A_115 : memref<128xi32, #tpu.memory_space<vmem>>) semaphore(%run_scoped3A_112 : memref<!tpu.dma_semaphore, #tpu.memory_space<semaphore_mem>>) {add = true}
          %dma_wait3A_119 = arith.constant 0 : i32
          %dma_wait3A_120 = tpu.memref_slice %run_scoped3A_3[%mul3A_85, %dma_wait3A_119] : memref<40x128xi32, #tpu.memory_space<vmem>> -> memref<1x128xi32, #tpu.memory_space<vmem>>
          %dma_wait3A_121 = tpu.memref_squeeze %dma_wait3A_120 : memref<1x128xi32, #tpu.memory_space<vmem>> -> memref<128xi32, #tpu.memory_space<vmem>>
          %dma_wait3A_122 = arith.constant 0 : i32
          %dma_wait3A_123 = arith.constant 0 : i32
          %dma_wait3A_124 = tpu.memref_slice %arg7[%dma_wait3A_122, %dma_wait3A_123] : memref<10240x128xf32, #tpu.memory_space<vmem_shared>> -> memref<10240x128xf32, #tpu.memory_space<vmem_shared>>
          tpu.wait_indirect_dma semaphore(%run_scoped3A_112 : memref<!tpu.dma_semaphore, #tpu.memory_space<semaphore_mem>>) src(%run_scoped3A_4 : memref<128x128xf32, #tpu.memory_space<vmem>>) dst(%dma_wait3A_124 : memref<10240x128xf32, #tpu.memory_space<vmem_shared>>)
          tpu.yield
        }) : () -> ()
        %mul3A_92 = arith.constant 2 : i32
        %mul3A_93 = arith.muli %mul3A_92, %scan3A_73 : i32
        %add3A_94 = arith.constant 2 : i32
        %add3A_95 = arith.addi %mul3A_93, %add3A_94 : i32
        %dma_start3A_96 = arith.constant 0 : i32
        %dma_start3A_97 = tpu.memref_slice %run_scoped3A[%add3A_95, %dma_start3A_96] : memref<40x128xi32, #tpu.memory_space<vmem>> -> memref<1x128xi32, #tpu.memory_space<vmem>>
        %dma_start3A_98 = tpu.memref_squeeze %dma_start3A_97 : memref<1x128xi32, #tpu.memory_space<vmem>> -> memref<128xi32, #tpu.memory_space<vmem>>
        %dma_start3A_99 = arith.constant 0 : i32
        %dma_start3A_100 = arith.constant 0 : i32
        %dma_start3A_101 = tpu.memref_slice %arg2[%dma_start3A_99, %dma_start3A_100] : memref<10240x128xf32, #tpu.memory_space<hbm>> -> memref<10240x128xf32, #tpu.memory_space<hbm>>
        tpu.enqueue_indirect_dma source(%dma_start3A_101 : memref<10240x128xf32, #tpu.memory_space<hbm>>) target(%run_scoped3A_4 : memref<128x128xf32, #tpu.memory_space<vmem>>) offsets(%dma_start3A_98 : memref<128xi32, #tpu.memory_space<vmem>>) semaphore(%arg8 : memref<!tpu.dma_semaphore, #tpu.memory_space<semaphore_mem>>)
        %mul3A_102 = arith.constant 2 : i32
        %mul3A_103 = arith.muli %mul3A_102, %scan3A_73 : i32
        %add3A_104 = arith.constant 1 : i32
        %add3A_105 = arith.addi %mul3A_103, %add3A_104 : i32
        %dma_wait3A_106 = arith.constant 0 : i32
        %dma_wait3A_107 = tpu.memref_slice %run_scoped3A[%add3A_105, %dma_wait3A_106] : memref<40x128xi32, #tpu.memory_space<vmem>> -> memref<1x128xi32, #tpu.memory_space<vmem>>
        %dma_wait3A_108 = tpu.memref_squeeze %dma_wait3A_107 : memref<1x128xi32, #tpu.memory_space<vmem>> -> memref<128xi32, #tpu.memory_space<vmem>>
        %dma_wait3A_109 = arith.constant 0 : i32
        %dma_wait3A_110 = arith.constant 0 : i32
        %dma_wait3A_111 = tpu.memref_slice %arg2[%dma_wait3A_109, %dma_wait3A_110] : memref<10240x128xf32, #tpu.memory_space<hbm>> -> memref<10240x128xf32, #tpu.memory_space<hbm>>
        tpu.wait_indirect_dma semaphore(%arg9 : memref<!tpu.dma_semaphore, #tpu.memory_space<semaphore_mem>>) src(%dma_wait3A_111 : memref<10240x128xf32, #tpu.memory_space<hbm>>) dst(%run_scoped3A_5 : memref<128x128xf32, #tpu.memory_space<vmem>>)
        "tpu.region"() ({
          %run_scoped3A_112 = tpu.sem_alloc : memref<!tpu.dma_semaphore, #tpu.memory_space<semaphore_mem>>
          %dma_start3A_113 = arith.constant 0 : i32
          %dma_start3A_114 = tpu.memref_slice %run_scoped3A_3[%add3A_105, %dma_start3A_113] : memref<40x128xi32, #tpu.memory_space<vmem>> -> memref<1x128xi32, #tpu.memory_space<vmem>>
          %dma_start3A_115 = tpu.memref_squeeze %dma_start3A_114 : memref<1x128xi32, #tpu.memory_space<vmem>> -> memref<128xi32, #tpu.memory_space<vmem>>
          %dma_start3A_116 = arith.constant 0 : i32
          %dma_start3A_117 = arith.constant 0 : i32
          %dma_start3A_118 = tpu.memref_slice %arg7[%dma_start3A_116, %dma_start3A_117] : memref<10240x128xf32, #tpu.memory_space<vmem_shared>> -> memref<10240x128xf32, #tpu.memory_space<vmem_shared>>
          tpu.enqueue_indirect_dma source(%run_scoped3A_5 : memref<128x128xf32, #tpu.memory_space<vmem>>) target(%dma_start3A_118 : memref<10240x128xf32, #tpu.memory_space<vmem_shared>>) offsets(%dma_start3A_115 : memref<128xi32, #tpu.memory_space<vmem>>) semaphore(%run_scoped3A_112 : memref<!tpu.dma_semaphore, #tpu.memory_space<semaphore_mem>>) {add = true}
          %dma_wait3A_119 = arith.constant 0 : i32
          %dma_wait3A_120 = tpu.memref_slice %run_scoped3A_3[%add3A_105, %dma_wait3A_119] : memref<40x128xi32, #tpu.memory_space<vmem>> -> memref<1x128xi32, #tpu.memory_space<vmem>>
          %dma_wait3A_121 = tpu.memref_squeeze %dma_wait3A_120 : memref<1x128xi32, #tpu.memory_space<vmem>> -> memref<128xi32, #tpu.memory_space<vmem>>
          %dma_wait3A_122 = arith.constant 0 : i32
          %dma_wait3A_123 = arith.constant 0 : i32
          %dma_wait3A_124 = tpu.memref_slice %arg7[%dma_wait3A_122, %dma_wait3A_123] : memref<10240x128xf32, #tpu.memory_space<vmem_shared>> -> memref<10240x128xf32, #tpu.memory_space<vmem_shared>>
          tpu.wait_indirect_dma semaphore(%run_scoped3A_112 : memref<!tpu.dma_semaphore, #tpu.memory_space<semaphore_mem>>) src(%run_scoped3A_5 : memref<128x128xf32, #tpu.memory_space<vmem>>) dst(%dma_wait3A_124 : memref<10240x128xf32, #tpu.memory_space<vmem_shared>>)
          tpu.yield
        }) : () -> ()
      }
      %scan3A_22 = arith.constant 19 : i32
      %dma_start3A_23 = arith.constant 39 : i32
      %dma_start3A_24 = arith.constant 0 : i32
      %dma_start3A_25 = tpu.memref_slice %run_scoped3A[%dma_start3A_23, %dma_start3A_24] : memref<40x128xi32, #tpu.memory_space<vmem>> -> memref<1x128xi32, #tpu.memory_space<vmem>>
      %dma_start3A_26 = tpu.memref_squeeze %dma_start3A_25 : memref<1x128xi32, #tpu.memory_space<vmem>> -> memref<128xi32, #tpu.memory_space<vmem>>
      %dma_start3A_27 = arith.constant 0 : i32
      %dma_start3A_28 = arith.constant 0 : i32
      %dma_start3A_29 = tpu.memref_slice %arg2[%dma_start3A_27, %dma_start3A_28] : memref<10240x128xf32, #tpu.memory_space<hbm>> -> memref<10240x128xf32, #tpu.memory_space<hbm>>
      tpu.enqueue_indirect_dma source(%dma_start3A_29 : memref<10240x128xf32, #tpu.memory_space<hbm>>) target(%run_scoped3A_5 : memref<128x128xf32, #tpu.memory_space<vmem>>) offsets(%dma_start3A_26 : memref<128xi32, #tpu.memory_space<vmem>>) semaphore(%arg9 : memref<!tpu.dma_semaphore, #tpu.memory_space<semaphore_mem>>)
      %dma_wait3A = arith.constant 38 : i32
      %dma_wait3A_30 = arith.constant 0 : i32
      %dma_wait3A_31 = tpu.memref_slice %run_scoped3A[%dma_wait3A, %dma_wait3A_30] : memref<40x128xi32, #tpu.memory_space<vmem>> -> memref<1x128xi32, #tpu.memory_space<vmem>>
      %dma_wait3A_32 = tpu.memref_squeeze %dma_wait3A_31 : memref<1x128xi32, #tpu.memory_space<vmem>> -> memref<128xi32, #tpu.memory_space<vmem>>
      %dma_wait3A_33 = arith.constant 0 : i32
      %dma_wait3A_34 = arith.constant 0 : i32
      %dma_wait3A_35 = tpu.memref_slice %arg2[%dma_wait3A_33, %dma_wait3A_34] : memref<10240x128xf32, #tpu.memory_space<hbm>> -> memref<10240x128xf32, #tpu.memory_space<hbm>>
      tpu.wait_indirect_dma semaphore(%arg8 : memref<!tpu.dma_semaphore, #tpu.memory_space<semaphore_mem>>) src(%dma_wait3A_35 : memref<10240x128xf32, #tpu.memory_space<hbm>>) dst(%run_scoped3A_4 : memref<128x128xf32, #tpu.memory_space<vmem>>)
      %run_scoped3A_36 = arith.constant 38 : i32
      "tpu.region"() ({
        %run_scoped3A_73 = tpu.sem_alloc : memref<!tpu.dma_semaphore, #tpu.memory_space<semaphore_mem>>
        %dma_start3A_74 = arith.constant 0 : i32
        %dma_start3A_75 = tpu.memref_slice %run_scoped3A_3[%run_scoped3A_36, %dma_start3A_74] : memref<40x128xi32, #tpu.memory_space<vmem>> -> memref<1x128xi32, #tpu.memory_space<vmem>>
        %dma_start3A_76 = tpu.memref_squeeze %dma_start3A_75 : memref<1x128xi32, #tpu.memory_space<vmem>> -> memref<128xi32, #tpu.memory_space<vmem>>
        %dma_start3A_77 = arith.constant 0 : i32
        %dma_start3A_78 = arith.constant 0 : i32
        %dma_start3A_79 = tpu.memref_slice %arg7[%dma_start3A_77, %dma_start3A_78] : memref<10240x128xf32, #tpu.memory_space<vmem_shared>> -> memref<10240x128xf32, #tpu.memory_space<vmem_shared>>
        tpu.enqueue_indirect_dma source(%run_scoped3A_4 : memref<128x128xf32, #tpu.memory_space<vmem>>) target(%dma_start3A_79 : memref<10240x128xf32, #tpu.memory_space<vmem_shared>>) offsets(%dma_start3A_76 : memref<128xi32, #tpu.memory_space<vmem>>) semaphore(%run_scoped3A_73 : memref<!tpu.dma_semaphore, #tpu.memory_space<semaphore_mem>>) {add = true}
        %dma_wait3A_80 = arith.constant 0 : i32
        %dma_wait3A_81 = tpu.memref_slice %run_scoped3A_3[%run_scoped3A_36, %dma_wait3A_80] : memref<40x128xi32, #tpu.memory_space<vmem>> -> memref<1x128xi32, #tpu.memory_space<vmem>>
        %dma_wait3A_82 = tpu.memref_squeeze %dma_wait3A_81 : memref<1x128xi32, #tpu.memory_space<vmem>> -> memref<128xi32, #tpu.memory_space<vmem>>
        %dma_wait3A_83 = arith.constant 0 : i32
        %dma_wait3A_84 = arith.constant 0 : i32
        %dma_wait3A_85 = tpu.memref_slice %arg7[%dma_wait3A_83, %dma_wait3A_84] : memref<10240x128xf32, #tpu.memory_space<vmem_shared>> -> memref<10240x128xf32, #tpu.memory_space<vmem_shared>>
        tpu.wait_indirect_dma semaphore(%run_scoped3A_73 : memref<!tpu.dma_semaphore, #tpu.memory_space<semaphore_mem>>) src(%run_scoped3A_4 : memref<128x128xf32, #tpu.memory_space<vmem>>) dst(%dma_wait3A_85 : memref<10240x128xf32, #tpu.memory_space<vmem_shared>>)
        tpu.yield
      }) : () -> ()
      %dma_wait3A_37 = arith.constant 39 : i32
      %dma_wait3A_38 = arith.constant 0 : i32
      %dma_wait3A_39 = tpu.memref_slice %run_scoped3A[%dma_wait3A_37, %dma_wait3A_38] : memref<40x128xi32, #tpu.memory_space<vmem>> -> memref<1x128xi32, #tpu.memory_space<vmem>>
      %dma_wait3A_40 = tpu.memref_squeeze %dma_wait3A_39 : memref<1x128xi32, #tpu.memory_space<vmem>> -> memref<128xi32, #tpu.memory_space<vmem>>
      %dma_wait3A_41 = arith.constant 0 : i32
      %dma_wait3A_42 = arith.constant 0 : i32
      %dma_wait3A_43 = tpu.memref_slice %arg2[%dma_wait3A_41, %dma_wait3A_42] : memref<10240x128xf32, #tpu.memory_space<hbm>> -> memref<10240x128xf32, #tpu.memory_space<hbm>>
      tpu.wait_indirect_dma semaphore(%arg9 : memref<!tpu.dma_semaphore, #tpu.memory_space<semaphore_mem>>) src(%dma_wait3A_43 : memref<10240x128xf32, #tpu.memory_space<hbm>>) dst(%run_scoped3A_5 : memref<128x128xf32, #tpu.memory_space<vmem>>)
      %run_scoped3A_44 = arith.constant 39 : i32
      "tpu.region"() ({
        %run_scoped3A_73 = tpu.sem_alloc : memref<!tpu.dma_semaphore, #tpu.memory_space<semaphore_mem>>
        %dma_start3A_74 = arith.constant 0 : i32
        %dma_start3A_75 = tpu.memref_slice %run_scoped3A_3[%run_scoped3A_44, %dma_start3A_74] : memref<40x128xi32, #tpu.memory_space<vmem>> -> memref<1x128xi32, #tpu.memory_space<vmem>>
        %dma_start3A_76 = tpu.memref_squeeze %dma_start3A_75 : memref<1x128xi32, #tpu.memory_space<vmem>> -> memref<128xi32, #tpu.memory_space<vmem>>
        %dma_start3A_77 = arith.constant 0 : i32
        %dma_start3A_78 = arith.constant 0 : i32
        %dma_start3A_79 = tpu.memref_slice %arg7[%dma_start3A_77, %dma_start3A_78] : memref<10240x128xf32, #tpu.memory_space<vmem_shared>> -> memref<10240x128xf32, #tpu.memory_space<vmem_shared>>
        tpu.enqueue_indirect_dma source(%run_scoped3A_5 : memref<128x128xf32, #tpu.memory_space<vmem>>) target(%dma_start3A_79 : memref<10240x128xf32, #tpu.memory_space<vmem_shared>>) offsets(%dma_start3A_76 : memref<128xi32, #tpu.memory_space<vmem>>) semaphore(%run_scoped3A_73 : memref<!tpu.dma_semaphore, #tpu.memory_space<semaphore_mem>>) {add = true}
        %dma_wait3A_80 = arith.constant 0 : i32
        %dma_wait3A_81 = tpu.memref_slice %run_scoped3A_3[%run_scoped3A_44, %dma_wait3A_80] : memref<40x128xi32, #tpu.memory_space<vmem>> -> memref<1x128xi32, #tpu.memory_space<vmem>>
        %dma_wait3A_82 = tpu.memref_squeeze %dma_wait3A_81 : memref<1x128xi32, #tpu.memory_space<vmem>> -> memref<128xi32, #tpu.memory_space<vmem>>
        %dma_wait3A_83 = arith.constant 0 : i32
        %dma_wait3A_84 = arith.constant 0 : i32
        %dma_wait3A_85 = tpu.memref_slice %arg7[%dma_wait3A_83, %dma_wait3A_84] : memref<10240x128xf32, #tpu.memory_space<vmem_shared>> -> memref<10240x128xf32, #tpu.memory_space<vmem_shared>>
        tpu.wait_indirect_dma semaphore(%run_scoped3A_73 : memref<!tpu.dma_semaphore, #tpu.memory_space<semaphore_mem>>) src(%run_scoped3A_5 : memref<128x128xf32, #tpu.memory_space<vmem>>) dst(%dma_wait3A_85 : memref<10240x128xf32, #tpu.memory_space<vmem_shared>>)
        tpu.yield
      }) : () -> ()
      "tpu.region"() ({
        %run_scoped3A_73 = tpu.sem_alloc : memref<!tpu.dma_semaphore, #tpu.memory_space<semaphore_mem>>
        %dma_start3A_74 = arith.constant 0 : i32
        %dma_start3A_75 = arith.constant 0 : i32
        %dma_start3A_76 = tpu.memref_slice %run_scoped3A[%dma_start3A_74, %dma_start3A_75] : memref<40x128xi32, #tpu.memory_space<vmem>> -> memref<39x128xi32, #tpu.memory_space<vmem>>
        %dma_start3A_77 = arith.constant 40 : i32
        %dma_start3A_78 = arith.constant 0 : i32
        %dma_start3A_79 = tpu.memref_slice %arg3[%add3A, %dma_start3A_77, %dma_start3A_78] : memref<32x79x128xi32, #tpu.memory_space<hbm>> -> memref<1x39x128xi32, #tpu.memory_space<hbm>>
        %dma_start3A_80 = tpu.memref_squeeze %dma_start3A_79 : memref<1x39x128xi32, #tpu.memory_space<hbm>> -> memref<39x128xi32, #tpu.memory_space<hbm>>
        %dma_start3A_81 = arith.constant 0 : i32
        %dma_start3A_82 = arith.constant 0 : i32
        %dma_start3A_83 = tpu.memref_slice %run_scoped3A[%dma_start3A_81, %dma_start3A_82] : memref<40x128xi32, #tpu.memory_space<vmem>> -> memref<39x128xi32, #tpu.memory_space<vmem>>
        %dma_start3A_84 = arith.constant 40 : i32
        %dma_start3A_85 = arith.constant 0 : i32
        %dma_start3A_86 = tpu.memref_slice %arg3[%add3A, %dma_start3A_84, %dma_start3A_85] : memref<32x79x128xi32, #tpu.memory_space<hbm>> -> memref<1x39x128xi32, #tpu.memory_space<hbm>>
        %dma_start3A_87 = tpu.memref_squeeze %dma_start3A_86 : memref<1x39x128xi32, #tpu.memory_space<hbm>> -> memref<39x128xi32, #tpu.memory_space<hbm>>
        tpu.enqueue_dma source(%dma_start3A_87 : memref<39x128xi32, #tpu.memory_space<hbm>>) target(%dma_start3A_83 : memref<39x128xi32, #tpu.memory_space<vmem>>) target_semaphore(%run_scoped3A_73 : memref<!tpu.dma_semaphore, #tpu.memory_space<semaphore_mem>>)
        %dma_wait3A_88 = arith.constant 0 : i32
        %dma_wait3A_89 = arith.constant 0 : i32
        %dma_wait3A_90 = tpu.memref_slice %run_scoped3A[%dma_wait3A_88, %dma_wait3A_89] : memref<40x128xi32, #tpu.memory_space<vmem>> -> memref<39x128xi32, #tpu.memory_space<vmem>>
        %dma_wait3A_91 = arith.constant 40 : i32
        %dma_wait3A_92 = arith.constant 0 : i32
        %dma_wait3A_93 = tpu.memref_slice %arg3[%add3A, %dma_wait3A_91, %dma_wait3A_92] : memref<32x79x128xi32, #tpu.memory_space<hbm>> -> memref<1x39x128xi32, #tpu.memory_space<hbm>>
        %dma_wait3A_94 = tpu.memref_squeeze %dma_wait3A_93 : memref<1x39x128xi32, #tpu.memory_space<hbm>> -> memref<39x128xi32, #tpu.memory_space<hbm>>
        %dma_wait3A_95 = arith.constant 0 : i32
        %dma_wait3A_96 = arith.constant 0 : i32
        %dma_wait3A_97 = tpu.memref_slice %run_scoped3A[%dma_wait3A_95, %dma_wait3A_96] : memref<40x128xi32, #tpu.memory_space<vmem>> -> memref<39x128xi32, #tpu.memory_space<vmem>>
        %dma_wait3A_98 = arith.constant 40 : i32
        %dma_wait3A_99 = arith.constant 0 : i32
        %dma_wait3A_100 = tpu.memref_slice %arg3[%add3A, %dma_wait3A_98, %dma_wait3A_99] : memref<32x79x128xi32, #tpu.memory_space<hbm>> -> memref<1x39x128xi32, #tpu.memory_space<hbm>>
        %dma_wait3A_101 = tpu.memref_squeeze %dma_wait3A_100 : memref<1x39x128xi32, #tpu.memory_space<hbm>> -> memref<39x128xi32, #tpu.memory_space<hbm>>
        tpu.wait_dma2 semaphore(%run_scoped3A_73 : memref<!tpu.dma_semaphore, #tpu.memory_space<semaphore_mem>>) src(%dma_wait3A_101 : memref<39x128xi32, #tpu.memory_space<hbm>>) dst(%dma_wait3A_97 : memref<39x128xi32, #tpu.memory_space<vmem>>)
        tpu.yield
      }) : () -> ()
      "tpu.region"() ({
        %run_scoped3A_73 = tpu.sem_alloc : memref<!tpu.dma_semaphore, #tpu.memory_space<semaphore_mem>>
        %dma_start3A_74 = arith.constant 0 : i32
        %dma_start3A_75 = arith.constant 0 : i32
        %dma_start3A_76 = tpu.memref_slice %run_scoped3A_3[%dma_start3A_74, %dma_start3A_75] : memref<40x128xi32, #tpu.memory_space<vmem>> -> memref<39x128xi32, #tpu.memory_space<vmem>>
        %dma_start3A_77 = arith.constant 40 : i32
        %dma_start3A_78 = arith.constant 0 : i32
        %dma_start3A_79 = tpu.memref_slice %arg4[%add3A, %dma_start3A_77, %dma_start3A_78] : memref<32x79x128xi32, #tpu.memory_space<hbm>> -> memref<1x39x128xi32, #tpu.memory_space<hbm>>
        %dma_start3A_80 = tpu.memref_squeeze %dma_start3A_79 : memref<1x39x128xi32, #tpu.memory_space<hbm>> -> memref<39x128xi32, #tpu.memory_space<hbm>>
        %dma_start3A_81 = arith.constant 0 : i32
        %dma_start3A_82 = arith.constant 0 : i32
        %dma_start3A_83 = tpu.memref_slice %run_scoped3A_3[%dma_start3A_81, %dma_start3A_82] : memref<40x128xi32, #tpu.memory_space<vmem>> -> memref<39x128xi32, #tpu.memory_space<vmem>>
        %dma_start3A_84 = arith.constant 40 : i32
        %dma_start3A_85 = arith.constant 0 : i32
        %dma_start3A_86 = tpu.memref_slice %arg4[%add3A, %dma_start3A_84, %dma_start3A_85] : memref<32x79x128xi32, #tpu.memory_space<hbm>> -> memref<1x39x128xi32, #tpu.memory_space<hbm>>
        %dma_start3A_87 = tpu.memref_squeeze %dma_start3A_86 : memref<1x39x128xi32, #tpu.memory_space<hbm>> -> memref<39x128xi32, #tpu.memory_space<hbm>>
        tpu.enqueue_dma source(%dma_start3A_87 : memref<39x128xi32, #tpu.memory_space<hbm>>) target(%dma_start3A_83 : memref<39x128xi32, #tpu.memory_space<vmem>>) target_semaphore(%run_scoped3A_73 : memref<!tpu.dma_semaphore, #tpu.memory_space<semaphore_mem>>)
        %dma_wait3A_88 = arith.constant 0 : i32
        %dma_wait3A_89 = arith.constant 0 : i32
        %dma_wait3A_90 = tpu.memref_slice %run_scoped3A_3[%dma_wait3A_88, %dma_wait3A_89] : memref<40x128xi32, #tpu.memory_space<vmem>> -> memref<39x128xi32, #tpu.memory_space<vmem>>
        %dma_wait3A_91 = arith.constant 40 : i32
        %dma_wait3A_92 = arith.constant 0 : i32
        %dma_wait3A_93 = tpu.memref_slice %arg4[%add3A, %dma_wait3A_91, %dma_wait3A_92] : memref<32x79x128xi32, #tpu.memory_space<hbm>> -> memref<1x39x128xi32, #tpu.memory_space<hbm>>
        %dma_wait3A_94 = tpu.memref_squeeze %dma_wait3A_93 : memref<1x39x128xi32, #tpu.memory_space<hbm>> -> memref<39x128xi32, #tpu.memory_space<hbm>>
        %dma_wait3A_95 = arith.constant 0 : i32
        %dma_wait3A_96 = arith.constant 0 : i32
        %dma_wait3A_97 = tpu.memref_slice %run_scoped3A_3[%dma_wait3A_95, %dma_wait3A_96] : memref<40x128xi32, #tpu.memory_space<vmem>> -> memref<39x128xi32, #tpu.memory_space<vmem>>
        %dma_wait3A_98 = arith.constant 40 : i32
        %dma_wait3A_99 = arith.constant 0 : i32
        %dma_wait3A_100 = tpu.memref_slice %arg4[%add3A, %dma_wait3A_98, %dma_wait3A_99] : memref<32x79x128xi32, #tpu.memory_space<hbm>> -> memref<1x39x128xi32, #tpu.memory_space<hbm>>
        %dma_wait3A_101 = tpu.memref_squeeze %dma_wait3A_100 : memref<1x39x128xi32, #tpu.memory_space<hbm>> -> memref<39x128xi32, #tpu.memory_space<hbm>>
        tpu.wait_dma2 semaphore(%run_scoped3A_73 : memref<!tpu.dma_semaphore, #tpu.memory_space<semaphore_mem>>) src(%dma_wait3A_101 : memref<39x128xi32, #tpu.memory_space<hbm>>) dst(%dma_wait3A_97 : memref<39x128xi32, #tpu.memory_space<vmem>>)
        tpu.yield
      }) : () -> ()
      %dma_start3A_45 = arith.constant 0 : i32
      %dma_start3A_46 = arith.constant 0 : i32
      %dma_start3A_47 = tpu.memref_slice %run_scoped3A[%dma_start3A_45, %dma_start3A_46] : memref<40x128xi32, #tpu.memory_space<vmem>> -> memref<1x128xi32, #tpu.memory_space<vmem>>
      %dma_start3A_48 = tpu.memref_squeeze %dma_start3A_47 : memref<1x128xi32, #tpu.memory_space<vmem>> -> memref<128xi32, #tpu.memory_space<vmem>>
      %dma_start3A_49 = arith.constant 0 : i32
      %dma_start3A_50 = arith.constant 0 : i32
      %dma_start3A_51 = tpu.memref_slice %arg2[%dma_start3A_49, %dma_start3A_50] : memref<10240x128xf32, #tpu.memory_space<hbm>> -> memref<10240x128xf32, #tpu.memory_space<hbm>>
      tpu.enqueue_indirect_dma source(%dma_start3A_51 : memref<10240x128xf32, #tpu.memory_space<hbm>>) target(%run_scoped3A_4 : memref<128x128xf32, #tpu.memory_space<vmem>>) offsets(%dma_start3A_48 : memref<128xi32, #tpu.memory_space<vmem>>) semaphore(%arg8 : memref<!tpu.dma_semaphore, #tpu.memory_space<semaphore_mem>>)
      %scan3A_52 = arith.constant 0 : i32
      %scan3A_53 = arith.constant 0 : i32
      %scan3A_54 = arith.constant 19 : i32
      %scan3A_55 = arith.addi %scan3A_53, %scan3A_54 : i32
      %scan3A_56 = arith.constant 1 : i32
      scf.for %scan3A_73 = %scan3A_53 to %scan3A_55 step %scan3A_56  : i32 {
        %mul3A_74 = arith.constant 2 : i32
        %mul3A_75 = arith.muli %mul3A_74, %scan3A_73 : i32
        %add3A_76 = arith.constant 1 : i32
        %add3A_77 = arith.addi %mul3A_75, %add3A_76 : i32
        %dma_start3A_78 = arith.constant 0 : i32
        %dma_start3A_79 = tpu.memref_slice %run_scoped3A[%add3A_77, %dma_start3A_78] : memref<40x128xi32, #tpu.memory_space<vmem>> -> memref<1x128xi32, #tpu.memory_space<vmem>>
        %dma_start3A_80 = tpu.memref_squeeze %dma_start3A_79 : memref<1x128xi32, #tpu.memory_space<vmem>> -> memref<128xi32, #tpu.memory_space<vmem>>
        %dma_start3A_81 = arith.constant 0 : i32
        %dma_start3A_82 = arith.constant 0 : i32
        %dma_start3A_83 = tpu.memref_slice %arg2[%dma_start3A_81, %dma_start3A_82] : memref<10240x128xf32, #tpu.memory_space<hbm>> -> memref<10240x128xf32, #tpu.memory_space<hbm>>
        tpu.enqueue_indirect_dma source(%dma_start3A_83 : memref<10240x128xf32, #tpu.memory_space<hbm>>) target(%run_scoped3A_5 : memref<128x128xf32, #tpu.memory_space<vmem>>) offsets(%dma_start3A_80 : memref<128xi32, #tpu.memory_space<vmem>>) semaphore(%arg9 : memref<!tpu.dma_semaphore, #tpu.memory_space<semaphore_mem>>)
        %mul3A_84 = arith.constant 2 : i32
        %mul3A_85 = arith.muli %mul3A_84, %scan3A_73 : i32
        %dma_wait3A_86 = arith.constant 0 : i32
        %dma_wait3A_87 = tpu.memref_slice %run_scoped3A[%mul3A_85, %dma_wait3A_86] : memref<40x128xi32, #tpu.memory_space<vmem>> -> memref<1x128xi32, #tpu.memory_space<vmem>>
        %dma_wait3A_88 = tpu.memref_squeeze %dma_wait3A_87 : memref<1x128xi32, #tpu.memory_space<vmem>> -> memref<128xi32, #tpu.memory_space<vmem>>
        %dma_wait3A_89 = arith.constant 0 : i32
        %dma_wait3A_90 = arith.constant 0 : i32
        %dma_wait3A_91 = tpu.memref_slice %arg2[%dma_wait3A_89, %dma_wait3A_90] : memref<10240x128xf32, #tpu.memory_space<hbm>> -> memref<10240x128xf32, #tpu.memory_space<hbm>>
        tpu.wait_indirect_dma semaphore(%arg8 : memref<!tpu.dma_semaphore, #tpu.memory_space<semaphore_mem>>) src(%dma_wait3A_91 : memref<10240x128xf32, #tpu.memory_space<hbm>>) dst(%run_scoped3A_4 : memref<128x128xf32, #tpu.memory_space<vmem>>)
        "tpu.region"() ({
          %run_scoped3A_112 = tpu.sem_alloc : memref<!tpu.dma_semaphore, #tpu.memory_space<semaphore_mem>>
          %dma_start3A_113 = arith.constant 0 : i32
          %dma_start3A_114 = tpu.memref_slice %run_scoped3A_3[%mul3A_85, %dma_start3A_113] : memref<40x128xi32, #tpu.memory_space<vmem>> -> memref<1x128xi32, #tpu.memory_space<vmem>>
          %dma_start3A_115 = tpu.memref_squeeze %dma_start3A_114 : memref<1x128xi32, #tpu.memory_space<vmem>> -> memref<128xi32, #tpu.memory_space<vmem>>
          %dma_start3A_116 = arith.constant 0 : i32
          %dma_start3A_117 = arith.constant 0 : i32
          %dma_start3A_118 = tpu.memref_slice %arg7[%dma_start3A_116, %dma_start3A_117] : memref<10240x128xf32, #tpu.memory_space<vmem_shared>> -> memref<10240x128xf32, #tpu.memory_space<vmem_shared>>
          tpu.enqueue_indirect_dma source(%run_scoped3A_4 : memref<128x128xf32, #tpu.memory_space<vmem>>) target(%dma_start3A_118 : memref<10240x128xf32, #tpu.memory_space<vmem_shared>>) offsets(%dma_start3A_115 : memref<128xi32, #tpu.memory_space<vmem>>) semaphore(%run_scoped3A_112 : memref<!tpu.dma_semaphore, #tpu.memory_space<semaphore_mem>>) {add = true}
          %dma_wait3A_119 = arith.constant 0 : i32
          %dma_wait3A_120 = tpu.memref_slice %run_scoped3A_3[%mul3A_85, %dma_wait3A_119] : memref<40x128xi32, #tpu.memory_space<vmem>> -> memref<1x128xi32, #tpu.memory_space<vmem>>
          %dma_wait3A_121 = tpu.memref_squeeze %dma_wait3A_120 : memref<1x128xi32, #tpu.memory_space<vmem>> -> memref<128xi32, #tpu.memory_space<vmem>>
          %dma_wait3A_122 = arith.constant 0 : i32
          %dma_wait3A_123 = arith.constant 0 : i32
          %dma_wait3A_124 = tpu.memref_slice %arg7[%dma_wait3A_122, %dma_wait3A_123] : memref<10240x128xf32, #tpu.memory_space<vmem_shared>> -> memref<10240x128xf32, #tpu.memory_space<vmem_shared>>
          tpu.wait_indirect_dma semaphore(%run_scoped3A_112 : memref<!tpu.dma_semaphore, #tpu.memory_space<semaphore_mem>>) src(%run_scoped3A_4 : memref<128x128xf32, #tpu.memory_space<vmem>>) dst(%dma_wait3A_124 : memref<10240x128xf32, #tpu.memory_space<vmem_shared>>)
          tpu.yield
        }) : () -> ()
        %mul3A_92 = arith.constant 2 : i32
        %mul3A_93 = arith.muli %mul3A_92, %scan3A_73 : i32
        %add3A_94 = arith.constant 2 : i32
        %add3A_95 = arith.addi %mul3A_93, %add3A_94 : i32
        %dma_start3A_96 = arith.constant 0 : i32
        %dma_start3A_97 = tpu.memref_slice %run_scoped3A[%add3A_95, %dma_start3A_96] : memref<40x128xi32, #tpu.memory_space<vmem>> -> memref<1x128xi32, #tpu.memory_space<vmem>>
        %dma_start3A_98 = tpu.memref_squeeze %dma_start3A_97 : memref<1x128xi32, #tpu.memory_space<vmem>> -> memref<128xi32, #tpu.memory_space<vmem>>
        %dma_start3A_99 = arith.constant 0 : i32
        %dma_start3A_100 = arith.constant 0 : i32
        %dma_start3A_101 = tpu.memref_slice %arg2[%dma_start3A_99, %dma_start3A_100] : memref<10240x128xf32, #tpu.memory_space<hbm>> -> memref<10240x128xf32, #tpu.memory_space<hbm>>
        tpu.enqueue_indirect_dma source(%dma_start3A_101 : memref<10240x128xf32, #tpu.memory_space<hbm>>) target(%run_scoped3A_4 : memref<128x128xf32, #tpu.memory_space<vmem>>) offsets(%dma_start3A_98 : memref<128xi32, #tpu.memory_space<vmem>>) semaphore(%arg8 : memref<!tpu.dma_semaphore, #tpu.memory_space<semaphore_mem>>)
        %mul3A_102 = arith.constant 2 : i32
        %mul3A_103 = arith.muli %mul3A_102, %scan3A_73 : i32
        %add3A_104 = arith.constant 1 : i32
        %add3A_105 = arith.addi %mul3A_103, %add3A_104 : i32
        %dma_wait3A_106 = arith.constant 0 : i32
        %dma_wait3A_107 = tpu.memref_slice %run_scoped3A[%add3A_105, %dma_wait3A_106] : memref<40x128xi32, #tpu.memory_space<vmem>> -> memref<1x128xi32, #tpu.memory_space<vmem>>
        %dma_wait3A_108 = tpu.memref_squeeze %dma_wait3A_107 : memref<1x128xi32, #tpu.memory_space<vmem>> -> memref<128xi32, #tpu.memory_space<vmem>>
        %dma_wait3A_109 = arith.constant 0 : i32
        %dma_wait3A_110 = arith.constant 0 : i32
        %dma_wait3A_111 = tpu.memref_slice %arg2[%dma_wait3A_109, %dma_wait3A_110] : memref<10240x128xf32, #tpu.memory_space<hbm>> -> memref<10240x128xf32, #tpu.memory_space<hbm>>
        tpu.wait_indirect_dma semaphore(%arg9 : memref<!tpu.dma_semaphore, #tpu.memory_space<semaphore_mem>>) src(%dma_wait3A_111 : memref<10240x128xf32, #tpu.memory_space<hbm>>) dst(%run_scoped3A_5 : memref<128x128xf32, #tpu.memory_space<vmem>>)
        "tpu.region"() ({
          %run_scoped3A_112 = tpu.sem_alloc : memref<!tpu.dma_semaphore, #tpu.memory_space<semaphore_mem>>
          %dma_start3A_113 = arith.constant 0 : i32
          %dma_start3A_114 = tpu.memref_slice %run_scoped3A_3[%add3A_105, %dma_start3A_113] : memref<40x128xi32, #tpu.memory_space<vmem>> -> memref<1x128xi32, #tpu.memory_space<vmem>>
          %dma_start3A_115 = tpu.memref_squeeze %dma_start3A_114 : memref<1x128xi32, #tpu.memory_space<vmem>> -> memref<128xi32, #tpu.memory_space<vmem>>
          %dma_start3A_116 = arith.constant 0 : i32
          %dma_start3A_117 = arith.constant 0 : i32
          %dma_start3A_118 = tpu.memref_slice %arg7[%dma_start3A_116, %dma_start3A_117] : memref<10240x128xf32, #tpu.memory_space<vmem_shared>> -> memref<10240x128xf32, #tpu.memory_space<vmem_shared>>
          tpu.enqueue_indirect_dma source(%run_scoped3A_5 : memref<128x128xf32, #tpu.memory_space<vmem>>) target(%dma_start3A_118 : memref<10240x128xf32, #tpu.memory_space<vmem_shared>>) offsets(%dma_start3A_115 : memref<128xi32, #tpu.memory_space<vmem>>) semaphore(%run_scoped3A_112 : memref<!tpu.dma_semaphore, #tpu.memory_space<semaphore_mem>>) {add = true}
          %dma_wait3A_119 = arith.constant 0 : i32
          %dma_wait3A_120 = tpu.memref_slice %run_scoped3A_3[%add3A_105, %dma_wait3A_119] : memref<40x128xi32, #tpu.memory_space<vmem>> -> memref<1x128xi32, #tpu.memory_space<vmem>>
          %dma_wait3A_121 = tpu.memref_squeeze %dma_wait3A_120 : memref<1x128xi32, #tpu.memory_space<vmem>> -> memref<128xi32, #tpu.memory_space<vmem>>
          %dma_wait3A_122 = arith.constant 0 : i32
          %dma_wait3A_123 = arith.constant 0 : i32
          %dma_wait3A_124 = tpu.memref_slice %arg7[%dma_wait3A_122, %dma_wait3A_123] : memref<10240x128xf32, #tpu.memory_space<vmem_shared>> -> memref<10240x128xf32, #tpu.memory_space<vmem_shared>>
          tpu.wait_indirect_dma semaphore(%run_scoped3A_112 : memref<!tpu.dma_semaphore, #tpu.memory_space<semaphore_mem>>) src(%run_scoped3A_5 : memref<128x128xf32, #tpu.memory_space<vmem>>) dst(%dma_wait3A_124 : memref<10240x128xf32, #tpu.memory_space<vmem_shared>>)
          tpu.yield
        }) : () -> ()
      }
      %scan3A_57 = arith.constant 19 : i32
      %dma_wait3A_58 = arith.constant 38 : i32
      %dma_wait3A_59 = arith.constant 0 : i32
      %dma_wait3A_60 = tpu.memref_slice %run_scoped3A[%dma_wait3A_58, %dma_wait3A_59] : memref<40x128xi32, #tpu.memory_space<vmem>> -> memref<1x128xi32, #tpu.memory_space<vmem>>
      %dma_wait3A_61 = tpu.memref_squeeze %dma_wait3A_60 : memref<1x128xi32, #tpu.memory_space<vmem>> -> memref<128xi32, #tpu.memory_space<vmem>>
      %dma_wait3A_62 = arith.constant 0 : i32
      %dma_wait3A_63 = arith.constant 0 : i32
      %dma_wait3A_64 = tpu.memref_slice %arg2[%dma_wait3A_62, %dma_wait3A_63] : memref<10240x128xf32, #tpu.memory_space<hbm>> -> memref<10240x128xf32, #tpu.memory_space<hbm>>
      tpu.wait_indirect_dma semaphore(%arg8 : memref<!tpu.dma_semaphore, #tpu.memory_space<semaphore_mem>>) src(%dma_wait3A_64 : memref<10240x128xf32, #tpu.memory_space<hbm>>) dst(%run_scoped3A_4 : memref<128x128xf32, #tpu.memory_space<vmem>>)
      %run_scoped3A_65 = arith.constant 38 : i32
      "tpu.region"() ({
        %run_scoped3A_73 = tpu.sem_alloc : memref<!tpu.dma_semaphore, #tpu.memory_space<semaphore_mem>>
        %dma_start3A_74 = arith.constant 0 : i32
        %dma_start3A_75 = tpu.memref_slice %run_scoped3A_3[%run_scoped3A_65, %dma_start3A_74] : memref<40x128xi32, #tpu.memory_space<vmem>> -> memref<1x128xi32, #tpu.memory_space<vmem>>
        %dma_start3A_76 = tpu.memref_squeeze %dma_start3A_75 : memref<1x128xi32, #tpu.memory_space<vmem>> -> memref<128xi32, #tpu.memory_space<vmem>>
        %dma_start3A_77 = arith.constant 0 : i32
        %dma_start3A_78 = arith.constant 0 : i32
        %dma_start3A_79 = tpu.memref_slice %arg7[%dma_start3A_77, %dma_start3A_78] : memref<10240x128xf32, #tpu.memory_space<vmem_shared>> -> memref<10240x128xf32, #tpu.memory_space<vmem_shared>>
        tpu.enqueue_indirect_dma source(%run_scoped3A_4 : memref<128x128xf32, #tpu.memory_space<vmem>>) target(%dma_start3A_79 : memref<10240x128xf32, #tpu.memory_space<vmem_shared>>) offsets(%dma_start3A_76 : memref<128xi32, #tpu.memory_space<vmem>>) semaphore(%run_scoped3A_73 : memref<!tpu.dma_semaphore, #tpu.memory_space<semaphore_mem>>) {add = true}
        %dma_wait3A_80 = arith.constant 0 : i32
        %dma_wait3A_81 = tpu.memref_slice %run_scoped3A_3[%run_scoped3A_65, %dma_wait3A_80] : memref<40x128xi32, #tpu.memory_space<vmem>> -> memref<1x128xi32, #tpu.memory_space<vmem>>
        %dma_wait3A_82 = tpu.memref_squeeze %dma_wait3A_81 : memref<1x128xi32, #tpu.memory_space<vmem>> -> memref<128xi32, #tpu.memory_space<vmem>>
        %dma_wait3A_83 = arith.constant 0 : i32
        %dma_wait3A_84 = arith.constant 0 : i32
        %dma_wait3A_85 = tpu.memref_slice %arg7[%dma_wait3A_83, %dma_wait3A_84] : memref<10240x128xf32, #tpu.memory_space<vmem_shared>> -> memref<10240x128xf32, #tpu.memory_space<vmem_shared>>
        tpu.wait_indirect_dma semaphore(%run_scoped3A_73 : memref<!tpu.dma_semaphore, #tpu.memory_space<semaphore_mem>>) src(%run_scoped3A_4 : memref<128x128xf32, #tpu.memory_space<vmem>>) dst(%dma_wait3A_85 : memref<10240x128xf32, #tpu.memory_space<vmem_shared>>)
        tpu.yield
      }) : () -> ()
      %barrier3A_66 = arith.constant 0 : index
      tpu.barrier barrier_id(%barrier3A_66)
      %scan3A_67 = arith.constant 0 : i32
      %scan3A_68 = arith.constant 0 : i32
      %scan3A_69 = arith.constant 8 : i32
      %scan3A_70 = arith.addi %scan3A_68, %scan3A_69 : i32
      %scan3A_71 = arith.constant 1 : i32
      scf.for %scan3A_73 = %scan3A_68 to %scan3A_70 step %scan3A_71  : i32 {
        %mul3A_74 = arith.constant 80 : i32
        %mul3A_75 = arith.muli %scan3A_73, %mul3A_74 : i32
        %add3A_76 = arith.addi %mul3A_2, %mul3A_75 : i32
        "tpu.region"() ({
          %run_scoped3A_77 = tpu.sem_alloc : memref<!tpu.dma_semaphore, #tpu.memory_space<semaphore_mem>>
          %dma_start3A_78 = arith.constant 0 : i32
          %dma_start3A_79 = tpu.memref_slice %arg6[%arg0, %add3A_76, %dma_start3A_78] : memref<2x10240x128xf32, #tpu.memory_space<hbm>> -> memref<1x80x128xf32, #tpu.memory_space<hbm>>
          %dma_start3A_80 = tpu.memref_squeeze %dma_start3A_79 : memref<1x80x128xf32, #tpu.memory_space<hbm>> -> memref<80x128xf32, #tpu.memory_space<hbm>>
          %dma_start3A_81 = arith.constant 0 : i32
          %dma_start3A_82 = tpu.memref_slice %arg7[%add3A_76, %dma_start3A_81] : memref<10240x128xf32, #tpu.memory_space<vmem_shared>> -> memref<80x128xf32, #tpu.memory_space<vmem_shared>>
          tpu.enqueue_dma source(%dma_start3A_82 : memref<80x128xf32, #tpu.memory_space<vmem_shared>>) target(%dma_start3A_80 : memref<80x128xf32, #tpu.memory_space<hbm>>) target_semaphore(%run_scoped3A_77 : memref<!tpu.dma_semaphore, #tpu.memory_space<semaphore_mem>>)
          %dma_wait3A_83 = arith.constant 0 : i32
          %dma_wait3A_84 = tpu.memref_slice %arg6[%arg0, %add3A_76, %dma_wait3A_83] : memref<2x10240x128xf32, #tpu.memory_space<hbm>> -> memref<1x80x128xf32, #tpu.memory_space<hbm>>
          %dma_wait3A_85 = tpu.memref_squeeze %dma_wait3A_84 : memref<1x80x128xf32, #tpu.memory_space<hbm>> -> memref<80x128xf32, #tpu.memory_space<hbm>>
          %dma_wait3A_86 = arith.constant 0 : i32
          %dma_wait3A_87 = tpu.memref_slice %arg7[%add3A_76, %dma_wait3A_86] : memref<10240x128xf32, #tpu.memory_space<vmem_shared>> -> memref<80x128xf32, #tpu.memory_space<vmem_shared>>
          tpu.wait_dma2 semaphore(%run_scoped3A_77 : memref<!tpu.dma_semaphore, #tpu.memory_space<semaphore_mem>>) src(%dma_wait3A_87 : memref<80x128xf32, #tpu.memory_space<vmem_shared>>) dst(%dma_wait3A_85 : memref<80x128xf32, #tpu.memory_space<hbm>>)
          tpu.yield
        }) : () -> ()
      }
      %scan3A_72 = arith.constant 8 : i32
      tpu.yield
    }) : () -> ()
    return
  }
}

#map = affine_map<(d0, d1) -> (0, 0, 0)>
#map1 = affine_map<(d0, d1) -> (0, 0)>
module attributes {stable_mosaic.version = 14 : i64} {
  func.func @deg(%arg0: i32, %arg1: i32, %arg2: memref<32x79x128xi32, #tpu.memory_space<hbm>>, %arg3: memref<10240x16xf32, #tpu.memory_space<hbm>>, %arg4: memref<128x16xf32, #tpu.memory_space<hbm>>, %arg5: memref<2x10240x16xf32, #tpu.memory_space<hbm>>, %arg6: memref<79x128xi32, #tpu.memory_space<vmem>>, %arg7: memref<128x16xf32, #tpu.memory_space<vmem>>, %arg8: memref<10240x16xf32, #tpu.memory_space<vmem_shared>>) attributes {dimension_semantics = [#tpu.dimension_semantics<core_parallel>, #tpu.dimension_semantics<subcore_parallel>], iteration_bounds = array<i64: 2, 16>, scalar_prefetch = 0 : i64, scratch_operands = 3 : i64, tpu.core_type = #tpu.core_type<sc_vector_subcore>, window_params = [{transform_indices = #map}, {transform_indices = #map1}, {transform_indices = #map1}, {transform_indices = #map}]} {
    %mul3A = arith.constant 2 : i32
    %mul3A_0 = arith.muli %arg1, %mul3A : i32
    %add3A = arith.addi %mul3A_0, %arg0 : i32
    %mul3A_1 = arith.constant 640 : i32
    %mul3A_2 = arith.muli %arg1, %mul3A_1 : i32
    "tpu.region"() ({
      %run_scoped3A = tpu.sem_alloc : memref<!tpu.dma_semaphore, #tpu.memory_space<semaphore_mem>>
      %dma_start3A = arith.constant 0 : i32
      %dma_start3A_9 = arith.constant 0 : i32
      %dma_start3A_10 = tpu.memref_slice %arg2[%add3A, %dma_start3A, %dma_start3A_9] : memref<32x79x128xi32, #tpu.memory_space<hbm>> -> memref<1x79x128xi32, #tpu.memory_space<hbm>>
      %dma_start3A_11 = tpu.memref_squeeze %dma_start3A_10 : memref<1x79x128xi32, #tpu.memory_space<hbm>> -> memref<79x128xi32, #tpu.memory_space<hbm>>
      %dma_start3A_12 = arith.constant 0 : i32
      %dma_start3A_13 = arith.constant 0 : i32
      %dma_start3A_14 = tpu.memref_slice %arg2[%add3A, %dma_start3A_12, %dma_start3A_13] : memref<32x79x128xi32, #tpu.memory_space<hbm>> -> memref<1x79x128xi32, #tpu.memory_space<hbm>>
      %dma_start3A_15 = tpu.memref_squeeze %dma_start3A_14 : memref<1x79x128xi32, #tpu.memory_space<hbm>> -> memref<79x128xi32, #tpu.memory_space<hbm>>
      tpu.enqueue_dma source(%dma_start3A_15 : memref<79x128xi32, #tpu.memory_space<hbm>>) target(%arg6 : memref<79x128xi32, #tpu.memory_space<vmem>>) target_semaphore(%run_scoped3A : memref<!tpu.dma_semaphore, #tpu.memory_space<semaphore_mem>>)
      %dma_wait3A = arith.constant 0 : i32
      %dma_wait3A_16 = arith.constant 0 : i32
      %dma_wait3A_17 = tpu.memref_slice %arg2[%add3A, %dma_wait3A, %dma_wait3A_16] : memref<32x79x128xi32, #tpu.memory_space<hbm>> -> memref<1x79x128xi32, #tpu.memory_space<hbm>>
      %dma_wait3A_18 = tpu.memref_squeeze %dma_wait3A_17 : memref<1x79x128xi32, #tpu.memory_space<hbm>> -> memref<79x128xi32, #tpu.memory_space<hbm>>
      %dma_wait3A_19 = arith.constant 0 : i32
      %dma_wait3A_20 = arith.constant 0 : i32
      %dma_wait3A_21 = tpu.memref_slice %arg2[%add3A, %dma_wait3A_19, %dma_wait3A_20] : memref<32x79x128xi32, #tpu.memory_space<hbm>> -> memref<1x79x128xi32, #tpu.memory_space<hbm>>
      %dma_wait3A_22 = tpu.memref_squeeze %dma_wait3A_21 : memref<1x79x128xi32, #tpu.memory_space<hbm>> -> memref<79x128xi32, #tpu.memory_space<hbm>>
      tpu.wait_dma2 semaphore(%run_scoped3A : memref<!tpu.dma_semaphore, #tpu.memory_space<semaphore_mem>>) src(%dma_wait3A_22 : memref<79x128xi32, #tpu.memory_space<hbm>>) dst(%arg6 : memref<79x128xi32, #tpu.memory_space<vmem>>)
      tpu.yield
    }) : () -> ()
    "tpu.region"() ({
      %run_scoped3A = tpu.sem_alloc : memref<!tpu.dma_semaphore, #tpu.memory_space<semaphore_mem>>
      tpu.enqueue_dma source(%arg4 : memref<128x16xf32, #tpu.memory_space<hbm>>) target(%arg7 : memref<128x16xf32, #tpu.memory_space<vmem>>) target_semaphore(%run_scoped3A : memref<!tpu.dma_semaphore, #tpu.memory_space<semaphore_mem>>)
      tpu.wait_dma2 semaphore(%run_scoped3A : memref<!tpu.dma_semaphore, #tpu.memory_space<semaphore_mem>>) src(%arg4 : memref<128x16xf32, #tpu.memory_space<hbm>>) dst(%arg7 : memref<128x16xf32, #tpu.memory_space<vmem>>)
      tpu.yield
    }) : () -> ()
    "tpu.region"() ({
      %run_scoped3A = tpu.sem_alloc : memref<!tpu.dma_semaphore, #tpu.memory_space<semaphore_mem>>
      %dma_start3A = arith.constant 0 : i32
      %dma_start3A_9 = tpu.memref_slice %arg8[%mul3A_2, %dma_start3A] : memref<10240x16xf32, #tpu.memory_space<vmem_shared>> -> memref<640x16xf32, #tpu.memory_space<vmem_shared>>
      %dma_start3A_10 = arith.constant 0 : i32
      %dma_start3A_11 = tpu.memref_slice %arg3[%mul3A_2, %dma_start3A_10] : memref<10240x16xf32, #tpu.memory_space<hbm>> -> memref<640x16xf32, #tpu.memory_space<hbm>>
      tpu.enqueue_dma source(%dma_start3A_11 : memref<640x16xf32, #tpu.memory_space<hbm>>) target(%dma_start3A_9 : memref<640x16xf32, #tpu.memory_space<vmem_shared>>) target_semaphore(%run_scoped3A : memref<!tpu.dma_semaphore, #tpu.memory_space<semaphore_mem>>)
      %dma_wait3A = arith.constant 0 : i32
      %dma_wait3A_12 = tpu.memref_slice %arg8[%mul3A_2, %dma_wait3A] : memref<10240x16xf32, #tpu.memory_space<vmem_shared>> -> memref<640x16xf32, #tpu.memory_space<vmem_shared>>
      %dma_wait3A_13 = arith.constant 0 : i32
      %dma_wait3A_14 = tpu.memref_slice %arg3[%mul3A_2, %dma_wait3A_13] : memref<10240x16xf32, #tpu.memory_space<hbm>> -> memref<640x16xf32, #tpu.memory_space<hbm>>
      tpu.wait_dma2 semaphore(%run_scoped3A : memref<!tpu.dma_semaphore, #tpu.memory_space<semaphore_mem>>) src(%dma_wait3A_14 : memref<640x16xf32, #tpu.memory_space<hbm>>) dst(%dma_wait3A_12 : memref<640x16xf32, #tpu.memory_space<vmem_shared>>)
      tpu.yield
    }) : () -> ()
    %barrier3A = arith.constant 0 : index
    tpu.barrier barrier_id(%barrier3A)
    %scan3A = arith.constant 0 : i32
    %scan3A_3 = arith.constant 0 : i32
    %scan3A_4 = arith.constant 79 : i32
    %scan3A_5 = arith.addi %scan3A_3, %scan3A_4 : i32
    %scan3A_6 = arith.constant 1 : i32
    scf.for %scan3A_9 = %scan3A_3 to %scan3A_5 step %scan3A_6  : i32 {
      "tpu.region"() ({
        %run_scoped3A = tpu.sem_alloc : memref<!tpu.dma_semaphore, #tpu.memory_space<semaphore_mem>>
        %dma_start3A = arith.constant 0 : i32
        %dma_start3A_10 = tpu.memref_slice %arg6[%scan3A_9, %dma_start3A] : memref<79x128xi32, #tpu.memory_space<vmem>> -> memref<1x128xi32, #tpu.memory_space<vmem>>
        %dma_start3A_11 = tpu.memref_squeeze %dma_start3A_10 : memref<1x128xi32, #tpu.memory_space<vmem>> -> memref<128xi32, #tpu.memory_space<vmem>>
        %dma_start3A_12 = arith.constant 0 : i32
        %dma_start3A_13 = arith.constant 0 : i32
        %dma_start3A_14 = tpu.memref_slice %arg8[%dma_start3A_12, %dma_start3A_13] : memref<10240x16xf32, #tpu.memory_space<vmem_shared>> -> memref<10240x16xf32, #tpu.memory_space<vmem_shared>>
        tpu.enqueue_indirect_dma source(%arg7 : memref<128x16xf32, #tpu.memory_space<vmem>>) target(%dma_start3A_14 : memref<10240x16xf32, #tpu.memory_space<vmem_shared>>) offsets(%dma_start3A_11 : memref<128xi32, #tpu.memory_space<vmem>>) semaphore(%run_scoped3A : memref<!tpu.dma_semaphore, #tpu.memory_space<semaphore_mem>>) {add = true}
        %dma_wait3A = arith.constant 0 : i32
        %dma_wait3A_15 = tpu.memref_slice %arg6[%scan3A_9, %dma_wait3A] : memref<79x128xi32, #tpu.memory_space<vmem>> -> memref<1x128xi32, #tpu.memory_space<vmem>>
        %dma_wait3A_16 = tpu.memref_squeeze %dma_wait3A_15 : memref<1x128xi32, #tpu.memory_space<vmem>> -> memref<128xi32, #tpu.memory_space<vmem>>
        %dma_wait3A_17 = arith.constant 0 : i32
        %dma_wait3A_18 = arith.constant 0 : i32
        %dma_wait3A_19 = tpu.memref_slice %arg8[%dma_wait3A_17, %dma_wait3A_18] : memref<10240x16xf32, #tpu.memory_space<vmem_shared>> -> memref<10240x16xf32, #tpu.memory_space<vmem_shared>>
        tpu.wait_indirect_dma semaphore(%run_scoped3A : memref<!tpu.dma_semaphore, #tpu.memory_space<semaphore_mem>>) src(%arg7 : memref<128x16xf32, #tpu.memory_space<vmem>>) dst(%dma_wait3A_19 : memref<10240x16xf32, #tpu.memory_space<vmem_shared>>)
        tpu.yield
      }) : () -> ()
    }
    %scan3A_7 = arith.constant 79 : i32
    %barrier3A_8 = arith.constant 0 : index
    tpu.barrier barrier_id(%barrier3A_8)
    "tpu.region"() ({
      %run_scoped3A = tpu.sem_alloc : memref<!tpu.dma_semaphore, #tpu.memory_space<semaphore_mem>>
      %dma_start3A = arith.constant 0 : i32
      %dma_start3A_9 = tpu.memref_slice %arg5[%arg0, %mul3A_2, %dma_start3A] : memref<2x10240x16xf32, #tpu.memory_space<hbm>> -> memref<1x640x16xf32, #tpu.memory_space<hbm>>
      %dma_start3A_10 = tpu.memref_squeeze %dma_start3A_9 : memref<1x640x16xf32, #tpu.memory_space<hbm>> -> memref<640x16xf32, #tpu.memory_space<hbm>>
      %dma_start3A_11 = arith.constant 0 : i32
      %dma_start3A_12 = tpu.memref_slice %arg8[%mul3A_2, %dma_start3A_11] : memref<10240x16xf32, #tpu.memory_space<vmem_shared>> -> memref<640x16xf32, #tpu.memory_space<vmem_shared>>
      tpu.enqueue_dma source(%dma_start3A_12 : memref<640x16xf32, #tpu.memory_space<vmem_shared>>) target(%dma_start3A_10 : memref<640x16xf32, #tpu.memory_space<hbm>>) target_semaphore(%run_scoped3A : memref<!tpu.dma_semaphore, #tpu.memory_space<semaphore_mem>>)
      %dma_wait3A = arith.constant 0 : i32
      %dma_wait3A_13 = tpu.memref_slice %arg5[%arg0, %mul3A_2, %dma_wait3A] : memref<2x10240x16xf32, #tpu.memory_space<hbm>> -> memref<1x640x16xf32, #tpu.memory_space<hbm>>
      %dma_wait3A_14 = tpu.memref_squeeze %dma_wait3A_13 : memref<1x640x16xf32, #tpu.memory_space<hbm>> -> memref<640x16xf32, #tpu.memory_space<hbm>>
      %dma_wait3A_15 = arith.constant 0 : i32
      %dma_wait3A_16 = tpu.memref_slice %arg8[%mul3A_2, %dma_wait3A_15] : memref<10240x16xf32, #tpu.memory_space<vmem_shared>> -> memref<640x16xf32, #tpu.memory_space<vmem_shared>>
      tpu.wait_dma2 semaphore(%run_scoped3A : memref<!tpu.dma_semaphore, #tpu.memory_space<semaphore_mem>>) src(%dma_wait3A_16 : memref<640x16xf32, #tpu.memory_space<vmem_shared>>) dst(%dma_wait3A_14 : memref<640x16xf32, #tpu.memory_space<hbm>>)
      tpu.yield
    }) : () -> ()
    return
  }
}

#map = affine_map<(d0, d1) -> (0, 0)>
#map1 = affine_map<(d0, d1) -> (0, 0, 0)>
module attributes {stable_mosaic.version = 14 : i64} {
  func.func @agg(%arg0: i32, %arg1: i32, %arg2: memref<10240x128xf32, #tpu.memory_space<hbm>>, %arg3: memref<32x79x128xi32, #tpu.memory_space<hbm>>, %arg4: memref<32x79x128xi32, #tpu.memory_space<hbm>>, %arg5: memref<10240x128xf32, #tpu.memory_space<hbm>>, %arg6: memref<2x10240x128xf32, #tpu.memory_space<hbm>>, %arg7: memref<10240x128xf32, #tpu.memory_space<vmem_shared>>, %arg8: memref<!tpu.dma_semaphore, #tpu.memory_space<semaphore_mem>>, %arg9: memref<!tpu.dma_semaphore, #tpu.memory_space<semaphore_mem>>) attributes {dimension_semantics = [#tpu.dimension_semantics<core_parallel>, #tpu.dimension_semantics<subcore_parallel>], iteration_bounds = array<i64: 2, 16>, scalar_prefetch = 0 : i64, scratch_operands = 3 : i64, tpu.core_type = #tpu.core_type<sc_vector_subcore>, window_params = [{transform_indices = #map}, {transform_indices = #map1}, {transform_indices = #map1}, {transform_indices = #map}, {transform_indices = #map1}]} {
    %mul3A = arith.constant 2 : i32
    %mul3A_0 = arith.muli %arg1, %mul3A : i32
    %add3A = arith.addi %mul3A_0, %arg0 : i32
    %mul3A_1 = arith.constant 640 : i32
    %mul3A_2 = arith.muli %arg1, %mul3A_1 : i32
    "tpu.region"() ({
      %run_scoped3A = memref.alloca() : memref<40x128xi32, #tpu.memory_space<vmem>>
      %run_scoped3A_3 = memref.alloca() : memref<40x128xi32, #tpu.memory_space<vmem>>
      %run_scoped3A_4 = memref.alloca() : memref<128x128xf32, #tpu.memory_space<vmem>>
      %run_scoped3A_5 = memref.alloca() : memref<128x128xf32, #tpu.memory_space<vmem>>
      %scan3A = arith.constant 0 : i32
      %scan3A_6 = arith.constant 0 : i32
      %scan3A_7 = arith.constant 8 : i32
      %scan3A_8 = arith.addi %scan3A_6, %scan3A_7 : i32
      %scan3A_9 = arith.constant 1 : i32
      scf.for %scan3A_73 = %scan3A_6 to %scan3A_8 step %scan3A_9  : i32 {
        %mul3A_74 = arith.constant 80 : i32
        %mul3A_75 = arith.muli %scan3A_73, %mul3A_74 : i32
        %add3A_76 = arith.addi %mul3A_2, %mul3A_75 : i32
        %eq3A = arith.constant 0 : i32
        %eq3A_77 = arith.cmpi eq, %arg0, %eq3A : i32
        %convert_element_type3A = arith.extui %eq3A_77 : i1 to i32
        %cond3A = arith.constant 0 : i32
        %cond3A_78 = arith.cmpi ne, %convert_element_type3A, %cond3A : i32
        scf.if %cond3A_78 {
          "tpu.region"() ({
            %run_scoped3A_84 = tpu.sem_alloc : memref<!tpu.dma_semaphore, #tpu.memory_space<semaphore_mem>>
            %dma_start3A_85 = arith.constant 0 : i32
            %dma_start3A_86 = tpu.memref_slice %arg7[%add3A_76, %dma_start3A_85] : memref<10240x128xf32, #tpu.memory_space<vmem_shared>> -> memref<80x128xf32, #tpu.memory_space<vmem_shared>>
            %dma_start3A_87 = arith.constant 0 : i32
            %dma_start3A_88 = tpu.memref_slice %arg2[%add3A_76, %dma_start3A_87] : memref<10240x128xf32, #tpu.memory_space<hbm>> -> memref<80x128xf32, #tpu.memory_space<hbm>>
            tpu.enqueue_dma source(%dma_start3A_88 : memref<80x128xf32, #tpu.memory_space<hbm>>) target(%dma_start3A_86 : memref<80x128xf32, #tpu.memory_space<vmem_shared>>) target_semaphore(%run_scoped3A_84 : memref<!tpu.dma_semaphore, #tpu.memory_space<semaphore_mem>>)
            %dma_wait3A_89 = arith.constant 0 : i32
            %dma_wait3A_90 = tpu.memref_slice %arg7[%add3A_76, %dma_wait3A_89] : memref<10240x128xf32, #tpu.memory_space<vmem_shared>> -> memref<80x128xf32, #tpu.memory_space<vmem_shared>>
            %dma_wait3A_91 = arith.constant 0 : i32
            %dma_wait3A_92 = tpu.memref_slice %arg2[%add3A_76, %dma_wait3A_91] : memref<10240x128xf32, #tpu.memory_space<hbm>> -> memref<80x128xf32, #tpu.memory_space<hbm>>
            tpu.wait_dma2 semaphore(%run_scoped3A_84 : memref<!tpu.dma_semaphore, #tpu.memory_space<semaphore_mem>>) src(%dma_wait3A_92 : memref<80x128xf32, #tpu.memory_space<hbm>>) dst(%dma_wait3A_90 : memref<80x128xf32, #tpu.memory_space<vmem_shared>>)
            tpu.yield
          }) : () -> ()
        } else {
        }
        %eq3A_79 = arith.constant 1 : i32
        %eq3A_80 = arith.cmpi eq, %arg0, %eq3A_79 : i32
        %convert_element_type3A_81 = arith.extui %eq3A_80 : i1 to i32
        %cond3A_82 = arith.constant 0 : i32
        %cond3A_83 = arith.cmpi ne, %convert_element_type3A_81, %cond3A_82 : i32
        scf.if %cond3A_83 {
          "tpu.region"() ({
            %run_scoped3A_84 = tpu.sem_alloc : memref<!tpu.dma_semaphore, #tpu.memory_space<semaphore_mem>>
            %dma_start3A_85 = arith.constant 0 : i32
            %dma_start3A_86 = tpu.memref_slice %arg7[%add3A_76, %dma_start3A_85] : memref<10240x128xf32, #tpu.memory_space<vmem_shared>> -> memref<80x128xf32, #tpu.memory_space<vmem_shared>>
            %dma_start3A_87 = arith.constant 0 : i32
            %dma_start3A_88 = tpu.memref_slice %arg5[%add3A_76, %dma_start3A_87] : memref<10240x128xf32, #tpu.memory_space<hbm>> -> memref<80x128xf32, #tpu.memory_space<hbm>>
            tpu.enqueue_dma source(%dma_start3A_88 : memref<80x128xf32, #tpu.memory_space<hbm>>) target(%dma_start3A_86 : memref<80x128xf32, #tpu.memory_space<vmem_shared>>) target_semaphore(%run_scoped3A_84 : memref<!tpu.dma_semaphore, #tpu.memory_space<semaphore_mem>>)
            %dma_wait3A_89 = arith.constant 0 : i32
            %dma_wait3A_90 = tpu.memref_slice %arg7[%add3A_76, %dma_wait3A_89] : memref<10240x128xf32, #tpu.memory_space<vmem_shared>> -> memref<80x128xf32, #tpu.memory_space<vmem_shared>>
            %dma_wait3A_91 = arith.constant 0 : i32
            %dma_wait3A_92 = tpu.memref_slice %arg5[%add3A_76, %dma_wait3A_91] : memref<10240x128xf32, #tpu.memory_space<hbm>> -> memref<80x128xf32, #tpu.memory_space<hbm>>
            tpu.wait_dma2 semaphore(%run_scoped3A_84 : memref<!tpu.dma_semaphore, #tpu.memory_space<semaphore_mem>>) src(%dma_wait3A_92 : memref<80x128xf32, #tpu.memory_space<hbm>>) dst(%dma_wait3A_90 : memref<80x128xf32, #tpu.memory_space<vmem_shared>>)
            tpu.yield
          }) : () -> ()
        } else {
        }
      }
      %scan3A_10 = arith.constant 8 : i32
      %barrier3A = arith.constant 0 : index
      tpu.barrier barrier_id(%barrier3A)
      "tpu.region"() ({
        %run_scoped3A_73 = tpu.sem_alloc : memref<!tpu.dma_semaphore, #tpu.memory_space<semaphore_mem>>
        %dma_start3A_74 = arith.constant 0 : i32
        %dma_start3A_75 = arith.constant 0 : i32
        %dma_start3A_76 = tpu.memref_slice %run_scoped3A[%dma_start3A_74, %dma_start3A_75] : memref<40x128xi32, #tpu.memory_space<vmem>> -> memref<40x128xi32, #tpu.memory_space<vmem>>
        %dma_start3A_77 = arith.constant 0 : i32
        %dma_start3A_78 = arith.constant 0 : i32
        %dma_start3A_79 = tpu.memref_slice %arg3[%add3A, %dma_start3A_77, %dma_start3A_78] : memref<32x79x128xi32, #tpu.memory_space<hbm>> -> memref<1x40x128xi32, #tpu.memory_space<hbm>>
        %dma_start3A_80 = tpu.memref_squeeze %dma_start3A_79 : memref<1x40x128xi32, #tpu.memory_space<hbm>> -> memref<40x128xi32, #tpu.memory_space<hbm>>
        %dma_start3A_81 = arith.constant 0 : i32
        %dma_start3A_82 = arith.constant 0 : i32
        %dma_start3A_83 = tpu.memref_slice %run_scoped3A[%dma_start3A_81, %dma_start3A_82] : memref<40x128xi32, #tpu.memory_space<vmem>> -> memref<40x128xi32, #tpu.memory_space<vmem>>
        %dma_start3A_84 = arith.constant 0 : i32
        %dma_start3A_85 = arith.constant 0 : i32
        %dma_start3A_86 = tpu.memref_slice %arg3[%add3A, %dma_start3A_84, %dma_start3A_85] : memref<32x79x128xi32, #tpu.memory_space<hbm>> -> memref<1x40x128xi32, #tpu.memory_space<hbm>>
        %dma_start3A_87 = tpu.memref_squeeze %dma_start3A_86 : memref<1x40x128xi32, #tpu.memory_space<hbm>> -> memref<40x128xi32, #tpu.memory_space<hbm>>
        tpu.enqueue_dma source(%dma_start3A_87 : memref<40x128xi32, #tpu.memory_space<hbm>>) target(%dma_start3A_83 : memref<40x128xi32, #tpu.memory_space<vmem>>) target_semaphore(%run_scoped3A_73 : memref<!tpu.dma_semaphore, #tpu.memory_space<semaphore_mem>>)
        %dma_wait3A_88 = arith.constant 0 : i32
        %dma_wait3A_89 = arith.constant 0 : i32
        %dma_wait3A_90 = tpu.memref_slice %run_scoped3A[%dma_wait3A_88, %dma_wait3A_89] : memref<40x128xi32, #tpu.memory_space<vmem>> -> memref<40x128xi32, #tpu.memory_space<vmem>>
        %dma_wait3A_91 = arith.constant 0 : i32
        %dma_wait3A_92 = arith.constant 0 : i32
        %dma_wait3A_93 = tpu.memref_slice %arg3[%add3A, %dma_wait3A_91, %dma_wait3A_92] : memref<32x79x128xi32, #tpu.memory_space<hbm>> -> memref<1x40x128xi32, #tpu.memory_space<hbm>>
        %dma_wait3A_94 = tpu.memref_squeeze %dma_wait3A_93 : memref<1x40x128xi32, #tpu.memory_space<hbm>> -> memref<40x128xi32, #tpu.memory_space<hbm>>
        %dma_wait3A_95 = arith.constant 0 : i32
        %dma_wait3A_96 = arith.constant 0 : i32
        %dma_wait3A_97 = tpu.memref_slice %run_scoped3A[%dma_wait3A_95, %dma_wait3A_96] : memref<40x128xi32, #tpu.memory_space<vmem>> -> memref<40x128xi32, #tpu.memory_space<vmem>>
        %dma_wait3A_98 = arith.constant 0 : i32
        %dma_wait3A_99 = arith.constant 0 : i32
        %dma_wait3A_100 = tpu.memref_slice %arg3[%add3A, %dma_wait3A_98, %dma_wait3A_99] : memref<32x79x128xi32, #tpu.memory_space<hbm>> -> memref<1x40x128xi32, #tpu.memory_space<hbm>>
        %dma_wait3A_101 = tpu.memref_squeeze %dma_wait3A_100 : memref<1x40x128xi32, #tpu.memory_space<hbm>> -> memref<40x128xi32, #tpu.memory_space<hbm>>
        tpu.wait_dma2 semaphore(%run_scoped3A_73 : memref<!tpu.dma_semaphore, #tpu.memory_space<semaphore_mem>>) src(%dma_wait3A_101 : memref<40x128xi32, #tpu.memory_space<hbm>>) dst(%dma_wait3A_97 : memref<40x128xi32, #tpu.memory_space<vmem>>)
        tpu.yield
      }) : () -> ()
      "tpu.region"() ({
        %run_scoped3A_73 = tpu.sem_alloc : memref<!tpu.dma_semaphore, #tpu.memory_space<semaphore_mem>>
        %dma_start3A_74 = arith.constant 0 : i32
        %dma_start3A_75 = arith.constant 0 : i32
        %dma_start3A_76 = tpu.memref_slice %run_scoped3A_3[%dma_start3A_74, %dma_start3A_75] : memref<40x128xi32, #tpu.memory_space<vmem>> -> memref<40x128xi32, #tpu.memory_space<vmem>>
        %dma_start3A_77 = arith.constant 0 : i32
        %dma_start3A_78 = arith.constant 0 : i32
        %dma_start3A_79 = tpu.memref_slice %arg4[%add3A, %dma_start3A_77, %dma_start3A_78] : memref<32x79x128xi32, #tpu.memory_space<hbm>> -> memref<1x40x128xi32, #tpu.memory_space<hbm>>
        %dma_start3A_80 = tpu.memref_squeeze %dma_start3A_79 : memref<1x40x128xi32, #tpu.memory_space<hbm>> -> memref<40x128xi32, #tpu.memory_space<hbm>>
        %dma_start3A_81 = arith.constant 0 : i32
        %dma_start3A_82 = arith.constant 0 : i32
        %dma_start3A_83 = tpu.memref_slice %run_scoped3A_3[%dma_start3A_81, %dma_start3A_82] : memref<40x128xi32, #tpu.memory_space<vmem>> -> memref<40x128xi32, #tpu.memory_space<vmem>>
        %dma_start3A_84 = arith.constant 0 : i32
        %dma_start3A_85 = arith.constant 0 : i32
        %dma_start3A_86 = tpu.memref_slice %arg4[%add3A, %dma_start3A_84, %dma_start3A_85] : memref<32x79x128xi32, #tpu.memory_space<hbm>> -> memref<1x40x128xi32, #tpu.memory_space<hbm>>
        %dma_start3A_87 = tpu.memref_squeeze %dma_start3A_86 : memref<1x40x128xi32, #tpu.memory_space<hbm>> -> memref<40x128xi32, #tpu.memory_space<hbm>>
        tpu.enqueue_dma source(%dma_start3A_87 : memref<40x128xi32, #tpu.memory_space<hbm>>) target(%dma_start3A_83 : memref<40x128xi32, #tpu.memory_space<vmem>>) target_semaphore(%run_scoped3A_73 : memref<!tpu.dma_semaphore, #tpu.memory_space<semaphore_mem>>)
        %dma_wait3A_88 = arith.constant 0 : i32
        %dma_wait3A_89 = arith.constant 0 : i32
        %dma_wait3A_90 = tpu.memref_slice %run_scoped3A_3[%dma_wait3A_88, %dma_wait3A_89] : memref<40x128xi32, #tpu.memory_space<vmem>> -> memref<40x128xi32, #tpu.memory_space<vmem>>
        %dma_wait3A_91 = arith.constant 0 : i32
        %dma_wait3A_92 = arith.constant 0 : i32
        %dma_wait3A_93 = tpu.memref_slice %arg4[%add3A, %dma_wait3A_91, %dma_wait3A_92] : memref<32x79x128xi32, #tpu.memory_space<hbm>> -> memref<1x40x128xi32, #tpu.memory_space<hbm>>
        %dma_wait3A_94 = tpu.memref_squeeze %dma_wait3A_93 : memref<1x40x128xi32, #tpu.memory_space<hbm>> -> memref<40x128xi32, #tpu.memory_space<hbm>>
        %dma_wait3A_95 = arith.constant 0 : i32
        %dma_wait3A_96 = arith.constant 0 : i32
        %dma_wait3A_97 = tpu.memref_slice %run_scoped3A_3[%dma_wait3A_95, %dma_wait3A_96] : memref<40x128xi32, #tpu.memory_space<vmem>> -> memref<40x128xi32, #tpu.memory_space<vmem>>
        %dma_wait3A_98 = arith.constant 0 : i32
        %dma_wait3A_99 = arith.constant 0 : i32
        %dma_wait3A_100 = tpu.memref_slice %arg4[%add3A, %dma_wait3A_98, %dma_wait3A_99] : memref<32x79x128xi32, #tpu.memory_space<hbm>> -> memref<1x40x128xi32, #tpu.memory_space<hbm>>
        %dma_wait3A_101 = tpu.memref_squeeze %dma_wait3A_100 : memref<1x40x128xi32, #tpu.memory_space<hbm>> -> memref<40x128xi32, #tpu.memory_space<hbm>>
        tpu.wait_dma2 semaphore(%run_scoped3A_73 : memref<!tpu.dma_semaphore, #tpu.memory_space<semaphore_mem>>) src(%dma_wait3A_101 : memref<40x128xi32, #tpu.memory_space<hbm>>) dst(%dma_wait3A_97 : memref<40x128xi32, #tpu.memory_space<vmem>>)
        tpu.yield
      }) : () -> ()
      %dma_start3A = arith.constant 0 : i32
      %dma_start3A_11 = arith.constant 0 : i32
      %dma_start3A_12 = tpu.memref_slice %run_scoped3A[%dma_start3A, %dma_start3A_11] : memref<40x128xi32, #tpu.memory_space<vmem>> -> memref<1x128xi32, #tpu.memory_space<vmem>>
      %dma_start3A_13 = tpu.memref_squeeze %dma_start3A_12 : memref<1x128xi32, #tpu.memory_space<vmem>> -> memref<128xi32, #tpu.memory_space<vmem>>
      %dma_start3A_14 = arith.constant 0 : i32
      %dma_start3A_15 = arith.constant 0 : i32
      %dma_start3A_16 = tpu.memref_slice %arg2[%dma_start3A_14, %dma_start3A_15] : memref<10240x128xf32, #tpu.memory_space<hbm>> -> memref<10240x128xf32, #tpu.memory_space<hbm>>
      tpu.enqueue_indirect_dma source(%dma_start3A_16 : memref<10240x128xf32, #tpu.memory_space<hbm>>) target(%run_scoped3A_4 : memref<128x128xf32, #tpu.memory_space<vmem>>) offsets(%dma_start3A_13 : memref<128xi32, #tpu.memory_space<vmem>>) semaphore(%arg8 : memref<!tpu.dma_semaphore, #tpu.memory_space<semaphore_mem>>)
      %scan3A_17 = arith.constant 0 : i32
      %scan3A_18 = arith.constant 0 : i32
      %scan3A_19 = arith.constant 19 : i32
      %scan3A_20 = arith.addi %scan3A_18, %scan3A_19 : i32
      %scan3A_21 = arith.constant 1 : i32
      scf.for %scan3A_73 = %scan3A_18 to %scan3A_20 step %scan3A_21  : i32 {
        %mul3A_74 = arith.constant 2 : i32
        %mul3A_75 = arith.muli %mul3A_74, %scan3A_73 : i32
        %add3A_76 = arith.constant 1 : i32
        %add3A_77 = arith.addi %mul3A_75, %add3A_76 : i32
        %dma_start3A_78 = arith.constant 0 : i32
        %dma_start3A_79 = tpu.memref_slice %run_scoped3A[%add3A_77, %dma_start3A_78] : memref<40x128xi32, #tpu.memory_space<vmem>> -> memref<1x128xi32, #tpu.memory_space<vmem>>
        %dma_start3A_80 = tpu.memref_squeeze %dma_start3A_79 : memref<1x128xi32, #tpu.memory_space<vmem>> -> memref<128xi32, #tpu.memory_space<vmem>>
        %dma_start3A_81 = arith.constant 0 : i32
        %dma_start3A_82 = arith.constant 0 : i32
        %dma_start3A_83 = tpu.memref_slice %arg2[%dma_start3A_81, %dma_start3A_82] : memref<10240x128xf32, #tpu.memory_space<hbm>> -> memref<10240x128xf32, #tpu.memory_space<hbm>>
        tpu.enqueue_indirect_dma source(%dma_start3A_83 : memref<10240x128xf32, #tpu.memory_space<hbm>>) target(%run_scoped3A_5 : memref<128x128xf32, #tpu.memory_space<vmem>>) offsets(%dma_start3A_80 : memref<128xi32, #tpu.memory_space<vmem>>) semaphore(%arg9 : memref<!tpu.dma_semaphore, #tpu.memory_space<semaphore_mem>>)
        %mul3A_84 = arith.constant 2 : i32
        %mul3A_85 = arith.muli %mul3A_84, %scan3A_73 : i32
        %dma_wait3A_86 = arith.constant 0 : i32
        %dma_wait3A_87 = tpu.memref_slice %run_scoped3A[%mul3A_85, %dma_wait3A_86] : memref<40x128xi32, #tpu.memory_space<vmem>> -> memref<1x128xi32, #tpu.memory_space<vmem>>
        %dma_wait3A_88 = tpu.memref_squeeze %dma_wait3A_87 : memref<1x128xi32, #tpu.memory_space<vmem>> -> memref<128xi32, #tpu.memory_space<vmem>>
        %dma_wait3A_89 = arith.constant 0 : i32
        %dma_wait3A_90 = arith.constant 0 : i32
        %dma_wait3A_91 = tpu.memref_slice %arg2[%dma_wait3A_89, %dma_wait3A_90] : memref<10240x128xf32, #tpu.memory_space<hbm>> -> memref<10240x128xf32, #tpu.memory_space<hbm>>
        tpu.wait_indirect_dma semaphore(%arg8 : memref<!tpu.dma_semaphore, #tpu.memory_space<semaphore_mem>>) src(%dma_wait3A_91 : memref<10240x128xf32, #tpu.memory_space<hbm>>) dst(%run_scoped3A_4 : memref<128x128xf32, #tpu.memory_space<vmem>>)
        "tpu.region"() ({
          %run_scoped3A_112 = tpu.sem_alloc : memref<!tpu.dma_semaphore, #tpu.memory_space<semaphore_mem>>
          %dma_start3A_113 = arith.constant 0 : i32
          %dma_start3A_114 = tpu.memref_slice %run_scoped3A_3[%mul3A_85, %dma_start3A_113] : memref<40x128xi32, #tpu.memory_space<vmem>> -> memref<1x128xi32, #tpu.memory_space<vmem>>
          %dma_start3A_115 = tpu.memref_squeeze %dma_start3A_114 : memref<1x128xi32, #tpu.memory_space<vmem>> -> memref<128xi32, #tpu.memory_space<vmem>>
          %dma_start3A_116 = arith.constant 0 : i32
          %dma_start3A_117 = arith.constant 0 : i32
          %dma_start3A_118 = tpu.memref_slice %arg7[%dma_start3A_116, %dma_start3A_117] : memref<10240x128xf32, #tpu.memory_space<vmem_shared>> -> memref<10240x128xf32, #tpu.memory_space<vmem_shared>>
          tpu.enqueue_indirect_dma source(%run_scoped3A_4 : memref<128x128xf32, #tpu.memory_space<vmem>>) target(%dma_start3A_118 : memref<10240x128xf32, #tpu.memory_space<vmem_shared>>) offsets(%dma_start3A_115 : memref<128xi32, #tpu.memory_space<vmem>>) semaphore(%run_scoped3A_112 : memref<!tpu.dma_semaphore, #tpu.memory_space<semaphore_mem>>) {add = true}
          %dma_wait3A_119 = arith.constant 0 : i32
          %dma_wait3A_120 = tpu.memref_slice %run_scoped3A_3[%mul3A_85, %dma_wait3A_119] : memref<40x128xi32, #tpu.memory_space<vmem>> -> memref<1x128xi32, #tpu.memory_space<vmem>>
          %dma_wait3A_121 = tpu.memref_squeeze %dma_wait3A_120 : memref<1x128xi32, #tpu.memory_space<vmem>> -> memref<128xi32, #tpu.memory_space<vmem>>
          %dma_wait3A_122 = arith.constant 0 : i32
          %dma_wait3A_123 = arith.constant 0 : i32
          %dma_wait3A_124 = tpu.memref_slice %arg7[%dma_wait3A_122, %dma_wait3A_123] : memref<10240x128xf32, #tpu.memory_space<vmem_shared>> -> memref<10240x128xf32, #tpu.memory_space<vmem_shared>>
          tpu.wait_indirect_dma semaphore(%run_scoped3A_112 : memref<!tpu.dma_semaphore, #tpu.memory_space<semaphore_mem>>) src(%run_scoped3A_4 : memref<128x128xf32, #tpu.memory_space<vmem>>) dst(%dma_wait3A_124 : memref<10240x128xf32, #tpu.memory_space<vmem_shared>>)
          tpu.yield
        }) : () -> ()
        %mul3A_92 = arith.constant 2 : i32
        %mul3A_93 = arith.muli %mul3A_92, %scan3A_73 : i32
        %add3A_94 = arith.constant 2 : i32
        %add3A_95 = arith.addi %mul3A_93, %add3A_94 : i32
        %dma_start3A_96 = arith.constant 0 : i32
        %dma_start3A_97 = tpu.memref_slice %run_scoped3A[%add3A_95, %dma_start3A_96] : memref<40x128xi32, #tpu.memory_space<vmem>> -> memref<1x128xi32, #tpu.memory_space<vmem>>
        %dma_start3A_98 = tpu.memref_squeeze %dma_start3A_97 : memref<1x128xi32, #tpu.memory_space<vmem>> -> memref<128xi32, #tpu.memory_space<vmem>>
        %dma_start3A_99 = arith.constant 0 : i32
        %dma_start3A_100 = arith.constant 0 : i32
        %dma_start3A_101 = tpu.memref_slice %arg2[%dma_start3A_99, %dma_start3A_100] : memref<10240x128xf32, #tpu.memory_space<hbm>> -> memref<10240x128xf32, #tpu.memory_space<hbm>>
        tpu.enqueue_indirect_dma source(%dma_start3A_101 : memref<10240x128xf32, #tpu.memory_space<hbm>>) target(%run_scoped3A_4 : memref<128x128xf32, #tpu.memory_space<vmem>>) offsets(%dma_start3A_98 : memref<128xi32, #tpu.memory_space<vmem>>) semaphore(%arg8 : memref<!tpu.dma_semaphore, #tpu.memory_space<semaphore_mem>>)
        %mul3A_102 = arith.constant 2 : i32
        %mul3A_103 = arith.muli %mul3A_102, %scan3A_73 : i32
        %add3A_104 = arith.constant 1 : i32
        %add3A_105 = arith.addi %mul3A_103, %add3A_104 : i32
        %dma_wait3A_106 = arith.constant 0 : i32
        %dma_wait3A_107 = tpu.memref_slice %run_scoped3A[%add3A_105, %dma_wait3A_106] : memref<40x128xi32, #tpu.memory_space<vmem>> -> memref<1x128xi32, #tpu.memory_space<vmem>>
        %dma_wait3A_108 = tpu.memref_squeeze %dma_wait3A_107 : memref<1x128xi32, #tpu.memory_space<vmem>> -> memref<128xi32, #tpu.memory_space<vmem>>
        %dma_wait3A_109 = arith.constant 0 : i32
        %dma_wait3A_110 = arith.constant 0 : i32
        %dma_wait3A_111 = tpu.memref_slice %arg2[%dma_wait3A_109, %dma_wait3A_110] : memref<10240x128xf32, #tpu.memory_space<hbm>> -> memref<10240x128xf32, #tpu.memory_space<hbm>>
        tpu.wait_indirect_dma semaphore(%arg9 : memref<!tpu.dma_semaphore, #tpu.memory_space<semaphore_mem>>) src(%dma_wait3A_111 : memref<10240x128xf32, #tpu.memory_space<hbm>>) dst(%run_scoped3A_5 : memref<128x128xf32, #tpu.memory_space<vmem>>)
        "tpu.region"() ({
          %run_scoped3A_112 = tpu.sem_alloc : memref<!tpu.dma_semaphore, #tpu.memory_space<semaphore_mem>>
          %dma_start3A_113 = arith.constant 0 : i32
          %dma_start3A_114 = tpu.memref_slice %run_scoped3A_3[%add3A_105, %dma_start3A_113] : memref<40x128xi32, #tpu.memory_space<vmem>> -> memref<1x128xi32, #tpu.memory_space<vmem>>
          %dma_start3A_115 = tpu.memref_squeeze %dma_start3A_114 : memref<1x128xi32, #tpu.memory_space<vmem>> -> memref<128xi32, #tpu.memory_space<vmem>>
          %dma_start3A_116 = arith.constant 0 : i32
          %dma_start3A_117 = arith.constant 0 : i32
          %dma_start3A_118 = tpu.memref_slice %arg7[%dma_start3A_116, %dma_start3A_117] : memref<10240x128xf32, #tpu.memory_space<vmem_shared>> -> memref<10240x128xf32, #tpu.memory_space<vmem_shared>>
          tpu.enqueue_indirect_dma source(%run_scoped3A_5 : memref<128x128xf32, #tpu.memory_space<vmem>>) target(%dma_start3A_118 : memref<10240x128xf32, #tpu.memory_space<vmem_shared>>) offsets(%dma_start3A_115 : memref<128xi32, #tpu.memory_space<vmem>>) semaphore(%run_scoped3A_112 : memref<!tpu.dma_semaphore, #tpu.memory_space<semaphore_mem>>) {add = true}
          %dma_wait3A_119 = arith.constant 0 : i32
          %dma_wait3A_120 = tpu.memref_slice %run_scoped3A_3[%add3A_105, %dma_wait3A_119] : memref<40x128xi32, #tpu.memory_space<vmem>> -> memref<1x128xi32, #tpu.memory_space<vmem>>
          %dma_wait3A_121 = tpu.memref_squeeze %dma_wait3A_120 : memref<1x128xi32, #tpu.memory_space<vmem>> -> memref<128xi32, #tpu.memory_space<vmem>>
          %dma_wait3A_122 = arith.constant 0 : i32
          %dma_wait3A_123 = arith.constant 0 : i32
          %dma_wait3A_124 = tpu.memref_slice %arg7[%dma_wait3A_122, %dma_wait3A_123] : memref<10240x128xf32, #tpu.memory_space<vmem_shared>> -> memref<10240x128xf32, #tpu.memory_space<vmem_shared>>
          tpu.wait_indirect_dma semaphore(%run_scoped3A_112 : memref<!tpu.dma_semaphore, #tpu.memory_space<semaphore_mem>>) src(%run_scoped3A_5 : memref<128x128xf32, #tpu.memory_space<vmem>>) dst(%dma_wait3A_124 : memref<10240x128xf32, #tpu.memory_space<vmem_shared>>)
          tpu.yield
        }) : () -> ()
      }
      %scan3A_22 = arith.constant 19 : i32
      %dma_start3A_23 = arith.constant 39 : i32
      %dma_start3A_24 = arith.constant 0 : i32
      %dma_start3A_25 = tpu.memref_slice %run_scoped3A[%dma_start3A_23, %dma_start3A_24] : memref<40x128xi32, #tpu.memory_space<vmem>> -> memref<1x128xi32, #tpu.memory_space<vmem>>
      %dma_start3A_26 = tpu.memref_squeeze %dma_start3A_25 : memref<1x128xi32, #tpu.memory_space<vmem>> -> memref<128xi32, #tpu.memory_space<vmem>>
      %dma_start3A_27 = arith.constant 0 : i32
      %dma_start3A_28 = arith.constant 0 : i32
      %dma_start3A_29 = tpu.memref_slice %arg2[%dma_start3A_27, %dma_start3A_28] : memref<10240x128xf32, #tpu.memory_space<hbm>> -> memref<10240x128xf32, #tpu.memory_space<hbm>>
      tpu.enqueue_indirect_dma source(%dma_start3A_29 : memref<10240x128xf32, #tpu.memory_space<hbm>>) target(%run_scoped3A_5 : memref<128x128xf32, #tpu.memory_space<vmem>>) offsets(%dma_start3A_26 : memref<128xi32, #tpu.memory_space<vmem>>) semaphore(%arg9 : memref<!tpu.dma_semaphore, #tpu.memory_space<semaphore_mem>>)
      %dma_wait3A = arith.constant 38 : i32
      %dma_wait3A_30 = arith.constant 0 : i32
      %dma_wait3A_31 = tpu.memref_slice %run_scoped3A[%dma_wait3A, %dma_wait3A_30] : memref<40x128xi32, #tpu.memory_space<vmem>> -> memref<1x128xi32, #tpu.memory_space<vmem>>
      %dma_wait3A_32 = tpu.memref_squeeze %dma_wait3A_31 : memref<1x128xi32, #tpu.memory_space<vmem>> -> memref<128xi32, #tpu.memory_space<vmem>>
      %dma_wait3A_33 = arith.constant 0 : i32
      %dma_wait3A_34 = arith.constant 0 : i32
      %dma_wait3A_35 = tpu.memref_slice %arg2[%dma_wait3A_33, %dma_wait3A_34] : memref<10240x128xf32, #tpu.memory_space<hbm>> -> memref<10240x128xf32, #tpu.memory_space<hbm>>
      tpu.wait_indirect_dma semaphore(%arg8 : memref<!tpu.dma_semaphore, #tpu.memory_space<semaphore_mem>>) src(%dma_wait3A_35 : memref<10240x128xf32, #tpu.memory_space<hbm>>) dst(%run_scoped3A_4 : memref<128x128xf32, #tpu.memory_space<vmem>>)
      %run_scoped3A_36 = arith.constant 38 : i32
      "tpu.region"() ({
        %run_scoped3A_73 = tpu.sem_alloc : memref<!tpu.dma_semaphore, #tpu.memory_space<semaphore_mem>>
        %dma_start3A_74 = arith.constant 0 : i32
        %dma_start3A_75 = tpu.memref_slice %run_scoped3A_3[%run_scoped3A_36, %dma_start3A_74] : memref<40x128xi32, #tpu.memory_space<vmem>> -> memref<1x128xi32, #tpu.memory_space<vmem>>
        %dma_start3A_76 = tpu.memref_squeeze %dma_start3A_75 : memref<1x128xi32, #tpu.memory_space<vmem>> -> memref<128xi32, #tpu.memory_space<vmem>>
        %dma_start3A_77 = arith.constant 0 : i32
        %dma_start3A_78 = arith.constant 0 : i32
        %dma_start3A_79 = tpu.memref_slice %arg7[%dma_start3A_77, %dma_start3A_78] : memref<10240x128xf32, #tpu.memory_space<vmem_shared>> -> memref<10240x128xf32, #tpu.memory_space<vmem_shared>>
        tpu.enqueue_indirect_dma source(%run_scoped3A_4 : memref<128x128xf32, #tpu.memory_space<vmem>>) target(%dma_start3A_79 : memref<10240x128xf32, #tpu.memory_space<vmem_shared>>) offsets(%dma_start3A_76 : memref<128xi32, #tpu.memory_space<vmem>>) semaphore(%run_scoped3A_73 : memref<!tpu.dma_semaphore, #tpu.memory_space<semaphore_mem>>) {add = true}
        %dma_wait3A_80 = arith.constant 0 : i32
        %dma_wait3A_81 = tpu.memref_slice %run_scoped3A_3[%run_scoped3A_36, %dma_wait3A_80] : memref<40x128xi32, #tpu.memory_space<vmem>> -> memref<1x128xi32, #tpu.memory_space<vmem>>
        %dma_wait3A_82 = tpu.memref_squeeze %dma_wait3A_81 : memref<1x128xi32, #tpu.memory_space<vmem>> -> memref<128xi32, #tpu.memory_space<vmem>>
        %dma_wait3A_83 = arith.constant 0 : i32
        %dma_wait3A_84 = arith.constant 0 : i32
        %dma_wait3A_85 = tpu.memref_slice %arg7[%dma_wait3A_83, %dma_wait3A_84] : memref<10240x128xf32, #tpu.memory_space<vmem_shared>> -> memref<10240x128xf32, #tpu.memory_space<vmem_shared>>
        tpu.wait_indirect_dma semaphore(%run_scoped3A_73 : memref<!tpu.dma_semaphore, #tpu.memory_space<semaphore_mem>>) src(%run_scoped3A_4 : memref<128x128xf32, #tpu.memory_space<vmem>>) dst(%dma_wait3A_85 : memref<10240x128xf32, #tpu.memory_space<vmem_shared>>)
        tpu.yield
      }) : () -> ()
      %dma_wait3A_37 = arith.constant 39 : i32
      %dma_wait3A_38 = arith.constant 0 : i32
      %dma_wait3A_39 = tpu.memref_slice %run_scoped3A[%dma_wait3A_37, %dma_wait3A_38] : memref<40x128xi32, #tpu.memory_space<vmem>> -> memref<1x128xi32, #tpu.memory_space<vmem>>
      %dma_wait3A_40 = tpu.memref_squeeze %dma_wait3A_39 : memref<1x128xi32, #tpu.memory_space<vmem>> -> memref<128xi32, #tpu.memory_space<vmem>>
      %dma_wait3A_41 = arith.constant 0 : i32
      %dma_wait3A_42 = arith.constant 0 : i32
      %dma_wait3A_43 = tpu.memref_slice %arg2[%dma_wait3A_41, %dma_wait3A_42] : memref<10240x128xf32, #tpu.memory_space<hbm>> -> memref<10240x128xf32, #tpu.memory_space<hbm>>
      tpu.wait_indirect_dma semaphore(%arg9 : memref<!tpu.dma_semaphore, #tpu.memory_space<semaphore_mem>>) src(%dma_wait3A_43 : memref<10240x128xf32, #tpu.memory_space<hbm>>) dst(%run_scoped3A_5 : memref<128x128xf32, #tpu.memory_space<vmem>>)
      %run_scoped3A_44 = arith.constant 39 : i32
      "tpu.region"() ({
        %run_scoped3A_73 = tpu.sem_alloc : memref<!tpu.dma_semaphore, #tpu.memory_space<semaphore_mem>>
        %dma_start3A_74 = arith.constant 0 : i32
        %dma_start3A_75 = tpu.memref_slice %run_scoped3A_3[%run_scoped3A_44, %dma_start3A_74] : memref<40x128xi32, #tpu.memory_space<vmem>> -> memref<1x128xi32, #tpu.memory_space<vmem>>
        %dma_start3A_76 = tpu.memref_squeeze %dma_start3A_75 : memref<1x128xi32, #tpu.memory_space<vmem>> -> memref<128xi32, #tpu.memory_space<vmem>>
        %dma_start3A_77 = arith.constant 0 : i32
        %dma_start3A_78 = arith.constant 0 : i32
        %dma_start3A_79 = tpu.memref_slice %arg7[%dma_start3A_77, %dma_start3A_78] : memref<10240x128xf32, #tpu.memory_space<vmem_shared>> -> memref<10240x128xf32, #tpu.memory_space<vmem_shared>>
        tpu.enqueue_indirect_dma source(%run_scoped3A_5 : memref<128x128xf32, #tpu.memory_space<vmem>>) target(%dma_start3A_79 : memref<10240x128xf32, #tpu.memory_space<vmem_shared>>) offsets(%dma_start3A_76 : memref<128xi32, #tpu.memory_space<vmem>>) semaphore(%run_scoped3A_73 : memref<!tpu.dma_semaphore, #tpu.memory_space<semaphore_mem>>) {add = true}
        %dma_wait3A_80 = arith.constant 0 : i32
        %dma_wait3A_81 = tpu.memref_slice %run_scoped3A_3[%run_scoped3A_44, %dma_wait3A_80] : memref<40x128xi32, #tpu.memory_space<vmem>> -> memref<1x128xi32, #tpu.memory_space<vmem>>
        %dma_wait3A_82 = tpu.memref_squeeze %dma_wait3A_81 : memref<1x128xi32, #tpu.memory_space<vmem>> -> memref<128xi32, #tpu.memory_space<vmem>>
        %dma_wait3A_83 = arith.constant 0 : i32
        %dma_wait3A_84 = arith.constant 0 : i32
        %dma_wait3A_85 = tpu.memref_slice %arg7[%dma_wait3A_83, %dma_wait3A_84] : memref<10240x128xf32, #tpu.memory_space<vmem_shared>> -> memref<10240x128xf32, #tpu.memory_space<vmem_shared>>
        tpu.wait_indirect_dma semaphore(%run_scoped3A_73 : memref<!tpu.dma_semaphore, #tpu.memory_space<semaphore_mem>>) src(%run_scoped3A_5 : memref<128x128xf32, #tpu.memory_space<vmem>>) dst(%dma_wait3A_85 : memref<10240x128xf32, #tpu.memory_space<vmem_shared>>)
        tpu.yield
      }) : () -> ()
      "tpu.region"() ({
        %run_scoped3A_73 = tpu.sem_alloc : memref<!tpu.dma_semaphore, #tpu.memory_space<semaphore_mem>>
        %dma_start3A_74 = arith.constant 0 : i32
        %dma_start3A_75 = arith.constant 0 : i32
        %dma_start3A_76 = tpu.memref_slice %run_scoped3A[%dma_start3A_74, %dma_start3A_75] : memref<40x128xi32, #tpu.memory_space<vmem>> -> memref<39x128xi32, #tpu.memory_space<vmem>>
        %dma_start3A_77 = arith.constant 40 : i32
        %dma_start3A_78 = arith.constant 0 : i32
        %dma_start3A_79 = tpu.memref_slice %arg3[%add3A, %dma_start3A_77, %dma_start3A_78] : memref<32x79x128xi32, #tpu.memory_space<hbm>> -> memref<1x39x128xi32, #tpu.memory_space<hbm>>
        %dma_start3A_80 = tpu.memref_squeeze %dma_start3A_79 : memref<1x39x128xi32, #tpu.memory_space<hbm>> -> memref<39x128xi32, #tpu.memory_space<hbm>>
        %dma_start3A_81 = arith.constant 0 : i32
        %dma_start3A_82 = arith.constant 0 : i32
        %dma_start3A_83 = tpu.memref_slice %run_scoped3A[%dma_start3A_81, %dma_start3A_82] : memref<40x128xi32, #tpu.memory_space<vmem>> -> memref<39x128xi32, #tpu.memory_space<vmem>>
        %dma_start3A_84 = arith.constant 40 : i32
        %dma_start3A_85 = arith.constant 0 : i32
        %dma_start3A_86 = tpu.memref_slice %arg3[%add3A, %dma_start3A_84, %dma_start3A_85] : memref<32x79x128xi32, #tpu.memory_space<hbm>> -> memref<1x39x128xi32, #tpu.memory_space<hbm>>
        %dma_start3A_87 = tpu.memref_squeeze %dma_start3A_86 : memref<1x39x128xi32, #tpu.memory_space<hbm>> -> memref<39x128xi32, #tpu.memory_space<hbm>>
        tpu.enqueue_dma source(%dma_start3A_87 : memref<39x128xi32, #tpu.memory_space<hbm>>) target(%dma_start3A_83 : memref<39x128xi32, #tpu.memory_space<vmem>>) target_semaphore(%run_scoped3A_73 : memref<!tpu.dma_semaphore, #tpu.memory_space<semaphore_mem>>)
        %dma_wait3A_88 = arith.constant 0 : i32
        %dma_wait3A_89 = arith.constant 0 : i32
        %dma_wait3A_90 = tpu.memref_slice %run_scoped3A[%dma_wait3A_88, %dma_wait3A_89] : memref<40x128xi32, #tpu.memory_space<vmem>> -> memref<39x128xi32, #tpu.memory_space<vmem>>
        %dma_wait3A_91 = arith.constant 40 : i32
        %dma_wait3A_92 = arith.constant 0 : i32
        %dma_wait3A_93 = tpu.memref_slice %arg3[%add3A, %dma_wait3A_91, %dma_wait3A_92] : memref<32x79x128xi32, #tpu.memory_space<hbm>> -> memref<1x39x128xi32, #tpu.memory_space<hbm>>
        %dma_wait3A_94 = tpu.memref_squeeze %dma_wait3A_93 : memref<1x39x128xi32, #tpu.memory_space<hbm>> -> memref<39x128xi32, #tpu.memory_space<hbm>>
        %dma_wait3A_95 = arith.constant 0 : i32
        %dma_wait3A_96 = arith.constant 0 : i32
        %dma_wait3A_97 = tpu.memref_slice %run_scoped3A[%dma_wait3A_95, %dma_wait3A_96] : memref<40x128xi32, #tpu.memory_space<vmem>> -> memref<39x128xi32, #tpu.memory_space<vmem>>
        %dma_wait3A_98 = arith.constant 40 : i32
        %dma_wait3A_99 = arith.constant 0 : i32
        %dma_wait3A_100 = tpu.memref_slice %arg3[%add3A, %dma_wait3A_98, %dma_wait3A_99] : memref<32x79x128xi32, #tpu.memory_space<hbm>> -> memref<1x39x128xi32, #tpu.memory_space<hbm>>
        %dma_wait3A_101 = tpu.memref_squeeze %dma_wait3A_100 : memref<1x39x128xi32, #tpu.memory_space<hbm>> -> memref<39x128xi32, #tpu.memory_space<hbm>>
        tpu.wait_dma2 semaphore(%run_scoped3A_73 : memref<!tpu.dma_semaphore, #tpu.memory_space<semaphore_mem>>) src(%dma_wait3A_101 : memref<39x128xi32, #tpu.memory_space<hbm>>) dst(%dma_wait3A_97 : memref<39x128xi32, #tpu.memory_space<vmem>>)
        tpu.yield
      }) : () -> ()
      "tpu.region"() ({
        %run_scoped3A_73 = tpu.sem_alloc : memref<!tpu.dma_semaphore, #tpu.memory_space<semaphore_mem>>
        %dma_start3A_74 = arith.constant 0 : i32
        %dma_start3A_75 = arith.constant 0 : i32
        %dma_start3A_76 = tpu.memref_slice %run_scoped3A_3[%dma_start3A_74, %dma_start3A_75] : memref<40x128xi32, #tpu.memory_space<vmem>> -> memref<39x128xi32, #tpu.memory_space<vmem>>
        %dma_start3A_77 = arith.constant 40 : i32
        %dma_start3A_78 = arith.constant 0 : i32
        %dma_start3A_79 = tpu.memref_slice %arg4[%add3A, %dma_start3A_77, %dma_start3A_78] : memref<32x79x128xi32, #tpu.memory_space<hbm>> -> memref<1x39x128xi32, #tpu.memory_space<hbm>>
        %dma_start3A_80 = tpu.memref_squeeze %dma_start3A_79 : memref<1x39x128xi32, #tpu.memory_space<hbm>> -> memref<39x128xi32, #tpu.memory_space<hbm>>
        %dma_start3A_81 = arith.constant 0 : i32
        %dma_start3A_82 = arith.constant 0 : i32
        %dma_start3A_83 = tpu.memref_slice %run_scoped3A_3[%dma_start3A_81, %dma_start3A_82] : memref<40x128xi32, #tpu.memory_space<vmem>> -> memref<39x128xi32, #tpu.memory_space<vmem>>
        %dma_start3A_84 = arith.constant 40 : i32
        %dma_start3A_85 = arith.constant 0 : i32
        %dma_start3A_86 = tpu.memref_slice %arg4[%add3A, %dma_start3A_84, %dma_start3A_85] : memref<32x79x128xi32, #tpu.memory_space<hbm>> -> memref<1x39x128xi32, #tpu.memory_space<hbm>>
        %dma_start3A_87 = tpu.memref_squeeze %dma_start3A_86 : memref<1x39x128xi32, #tpu.memory_space<hbm>> -> memref<39x128xi32, #tpu.memory_space<hbm>>
        tpu.enqueue_dma source(%dma_start3A_87 : memref<39x128xi32, #tpu.memory_space<hbm>>) target(%dma_start3A_83 : memref<39x128xi32, #tpu.memory_space<vmem>>) target_semaphore(%run_scoped3A_73 : memref<!tpu.dma_semaphore, #tpu.memory_space<semaphore_mem>>)
        %dma_wait3A_88 = arith.constant 0 : i32
        %dma_wait3A_89 = arith.constant 0 : i32
        %dma_wait3A_90 = tpu.memref_slice %run_scoped3A_3[%dma_wait3A_88, %dma_wait3A_89] : memref<40x128xi32, #tpu.memory_space<vmem>> -> memref<39x128xi32, #tpu.memory_space<vmem>>
        %dma_wait3A_91 = arith.constant 40 : i32
        %dma_wait3A_92 = arith.constant 0 : i32
        %dma_wait3A_93 = tpu.memref_slice %arg4[%add3A, %dma_wait3A_91, %dma_wait3A_92] : memref<32x79x128xi32, #tpu.memory_space<hbm>> -> memref<1x39x128xi32, #tpu.memory_space<hbm>>
        %dma_wait3A_94 = tpu.memref_squeeze %dma_wait3A_93 : memref<1x39x128xi32, #tpu.memory_space<hbm>> -> memref<39x128xi32, #tpu.memory_space<hbm>>
        %dma_wait3A_95 = arith.constant 0 : i32
        %dma_wait3A_96 = arith.constant 0 : i32
        %dma_wait3A_97 = tpu.memref_slice %run_scoped3A_3[%dma_wait3A_95, %dma_wait3A_96] : memref<40x128xi32, #tpu.memory_space<vmem>> -> memref<39x128xi32, #tpu.memory_space<vmem>>
        %dma_wait3A_98 = arith.constant 40 : i32
        %dma_wait3A_99 = arith.constant 0 : i32
        %dma_wait3A_100 = tpu.memref_slice %arg4[%add3A, %dma_wait3A_98, %dma_wait3A_99] : memref<32x79x128xi32, #tpu.memory_space<hbm>> -> memref<1x39x128xi32, #tpu.memory_space<hbm>>
        %dma_wait3A_101 = tpu.memref_squeeze %dma_wait3A_100 : memref<1x39x128xi32, #tpu.memory_space<hbm>> -> memref<39x128xi32, #tpu.memory_space<hbm>>
        tpu.wait_dma2 semaphore(%run_scoped3A_73 : memref<!tpu.dma_semaphore, #tpu.memory_space<semaphore_mem>>) src(%dma_wait3A_101 : memref<39x128xi32, #tpu.memory_space<hbm>>) dst(%dma_wait3A_97 : memref<39x128xi32, #tpu.memory_space<vmem>>)
        tpu.yield
      }) : () -> ()
      %dma_start3A_45 = arith.constant 0 : i32
      %dma_start3A_46 = arith.constant 0 : i32
      %dma_start3A_47 = tpu.memref_slice %run_scoped3A[%dma_start3A_45, %dma_start3A_46] : memref<40x128xi32, #tpu.memory_space<vmem>> -> memref<1x128xi32, #tpu.memory_space<vmem>>
      %dma_start3A_48 = tpu.memref_squeeze %dma_start3A_47 : memref<1x128xi32, #tpu.memory_space<vmem>> -> memref<128xi32, #tpu.memory_space<vmem>>
      %dma_start3A_49 = arith.constant 0 : i32
      %dma_start3A_50 = arith.constant 0 : i32
      %dma_start3A_51 = tpu.memref_slice %arg2[%dma_start3A_49, %dma_start3A_50] : memref<10240x128xf32, #tpu.memory_space<hbm>> -> memref<10240x128xf32, #tpu.memory_space<hbm>>
      tpu.enqueue_indirect_dma source(%dma_start3A_51 : memref<10240x128xf32, #tpu.memory_space<hbm>>) target(%run_scoped3A_4 : memref<128x128xf32, #tpu.memory_space<vmem>>) offsets(%dma_start3A_48 : memref<128xi32, #tpu.memory_space<vmem>>) semaphore(%arg8 : memref<!tpu.dma_semaphore, #tpu.memory_space<semaphore_mem>>)
      %scan3A_52 = arith.constant 0 : i32
      %scan3A_53 = arith.constant 0 : i32
      %scan3A_54 = arith.constant 19 : i32
      %scan3A_55 = arith.addi %scan3A_53, %scan3A_54 : i32
      %scan3A_56 = arith.constant 1 : i32
      scf.for %scan3A_73 = %scan3A_53 to %scan3A_55 step %scan3A_56  : i32 {
        %mul3A_74 = arith.constant 2 : i32
        %mul3A_75 = arith.muli %mul3A_74, %scan3A_73 : i32
        %add3A_76 = arith.constant 1 : i32
        %add3A_77 = arith.addi %mul3A_75, %add3A_76 : i32
        %dma_start3A_78 = arith.constant 0 : i32
        %dma_start3A_79 = tpu.memref_slice %run_scoped3A[%add3A_77, %dma_start3A_78] : memref<40x128xi32, #tpu.memory_space<vmem>> -> memref<1x128xi32, #tpu.memory_space<vmem>>
        %dma_start3A_80 = tpu.memref_squeeze %dma_start3A_79 : memref<1x128xi32, #tpu.memory_space<vmem>> -> memref<128xi32, #tpu.memory_space<vmem>>
        %dma_start3A_81 = arith.constant 0 : i32
        %dma_start3A_82 = arith.constant 0 : i32
        %dma_start3A_83 = tpu.memref_slice %arg2[%dma_start3A_81, %dma_start3A_82] : memref<10240x128xf32, #tpu.memory_space<hbm>> -> memref<10240x128xf32, #tpu.memory_space<hbm>>
        tpu.enqueue_indirect_dma source(%dma_start3A_83 : memref<10240x128xf32, #tpu.memory_space<hbm>>) target(%run_scoped3A_5 : memref<128x128xf32, #tpu.memory_space<vmem>>) offsets(%dma_start3A_80 : memref<128xi32, #tpu.memory_space<vmem>>) semaphore(%arg9 : memref<!tpu.dma_semaphore, #tpu.memory_space<semaphore_mem>>)
        %mul3A_84 = arith.constant 2 : i32
        %mul3A_85 = arith.muli %mul3A_84, %scan3A_73 : i32
        %dma_wait3A_86 = arith.constant 0 : i32
        %dma_wait3A_87 = tpu.memref_slice %run_scoped3A[%mul3A_85, %dma_wait3A_86] : memref<40x128xi32, #tpu.memory_space<vmem>> -> memref<1x128xi32, #tpu.memory_space<vmem>>
        %dma_wait3A_88 = tpu.memref_squeeze %dma_wait3A_87 : memref<1x128xi32, #tpu.memory_space<vmem>> -> memref<128xi32, #tpu.memory_space<vmem>>
        %dma_wait3A_89 = arith.constant 0 : i32
        %dma_wait3A_90 = arith.constant 0 : i32
        %dma_wait3A_91 = tpu.memref_slice %arg2[%dma_wait3A_89, %dma_wait3A_90] : memref<10240x128xf32, #tpu.memory_space<hbm>> -> memref<10240x128xf32, #tpu.memory_space<hbm>>
        tpu.wait_indirect_dma semaphore(%arg8 : memref<!tpu.dma_semaphore, #tpu.memory_space<semaphore_mem>>) src(%dma_wait3A_91 : memref<10240x128xf32, #tpu.memory_space<hbm>>) dst(%run_scoped3A_4 : memref<128x128xf32, #tpu.memory_space<vmem>>)
        "tpu.region"() ({
          %run_scoped3A_112 = tpu.sem_alloc : memref<!tpu.dma_semaphore, #tpu.memory_space<semaphore_mem>>
          %dma_start3A_113 = arith.constant 0 : i32
          %dma_start3A_114 = tpu.memref_slice %run_scoped3A_3[%mul3A_85, %dma_start3A_113] : memref<40x128xi32, #tpu.memory_space<vmem>> -> memref<1x128xi32, #tpu.memory_space<vmem>>
          %dma_start3A_115 = tpu.memref_squeeze %dma_start3A_114 : memref<1x128xi32, #tpu.memory_space<vmem>> -> memref<128xi32, #tpu.memory_space<vmem>>
          %dma_start3A_116 = arith.constant 0 : i32
          %dma_start3A_117 = arith.constant 0 : i32
          %dma_start3A_118 = tpu.memref_slice %arg7[%dma_start3A_116, %dma_start3A_117] : memref<10240x128xf32, #tpu.memory_space<vmem_shared>> -> memref<10240x128xf32, #tpu.memory_space<vmem_shared>>
          tpu.enqueue_indirect_dma source(%run_scoped3A_4 : memref<128x128xf32, #tpu.memory_space<vmem>>) target(%dma_start3A_118 : memref<10240x128xf32, #tpu.memory_space<vmem_shared>>) offsets(%dma_start3A_115 : memref<128xi32, #tpu.memory_space<vmem>>) semaphore(%run_scoped3A_112 : memref<!tpu.dma_semaphore, #tpu.memory_space<semaphore_mem>>) {add = true}
          %dma_wait3A_119 = arith.constant 0 : i32
          %dma_wait3A_120 = tpu.memref_slice %run_scoped3A_3[%mul3A_85, %dma_wait3A_119] : memref<40x128xi32, #tpu.memory_space<vmem>> -> memref<1x128xi32, #tpu.memory_space<vmem>>
          %dma_wait3A_121 = tpu.memref_squeeze %dma_wait3A_120 : memref<1x128xi32, #tpu.memory_space<vmem>> -> memref<128xi32, #tpu.memory_space<vmem>>
          %dma_wait3A_122 = arith.constant 0 : i32
          %dma_wait3A_123 = arith.constant 0 : i32
          %dma_wait3A_124 = tpu.memref_slice %arg7[%dma_wait3A_122, %dma_wait3A_123] : memref<10240x128xf32, #tpu.memory_space<vmem_shared>> -> memref<10240x128xf32, #tpu.memory_space<vmem_shared>>
          tpu.wait_indirect_dma semaphore(%run_scoped3A_112 : memref<!tpu.dma_semaphore, #tpu.memory_space<semaphore_mem>>) src(%run_scoped3A_4 : memref<128x128xf32, #tpu.memory_space<vmem>>) dst(%dma_wait3A_124 : memref<10240x128xf32, #tpu.memory_space<vmem_shared>>)
          tpu.yield
        }) : () -> ()
        %mul3A_92 = arith.constant 2 : i32
        %mul3A_93 = arith.muli %mul3A_92, %scan3A_73 : i32
        %add3A_94 = arith.constant 2 : i32
        %add3A_95 = arith.addi %mul3A_93, %add3A_94 : i32
        %dma_start3A_96 = arith.constant 0 : i32
        %dma_start3A_97 = tpu.memref_slice %run_scoped3A[%add3A_95, %dma_start3A_96] : memref<40x128xi32, #tpu.memory_space<vmem>> -> memref<1x128xi32, #tpu.memory_space<vmem>>
        %dma_start3A_98 = tpu.memref_squeeze %dma_start3A_97 : memref<1x128xi32, #tpu.memory_space<vmem>> -> memref<128xi32, #tpu.memory_space<vmem>>
        %dma_start3A_99 = arith.constant 0 : i32
        %dma_start3A_100 = arith.constant 0 : i32
        %dma_start3A_101 = tpu.memref_slice %arg2[%dma_start3A_99, %dma_start3A_100] : memref<10240x128xf32, #tpu.memory_space<hbm>> -> memref<10240x128xf32, #tpu.memory_space<hbm>>
        tpu.enqueue_indirect_dma source(%dma_start3A_101 : memref<10240x128xf32, #tpu.memory_space<hbm>>) target(%run_scoped3A_4 : memref<128x128xf32, #tpu.memory_space<vmem>>) offsets(%dma_start3A_98 : memref<128xi32, #tpu.memory_space<vmem>>) semaphore(%arg8 : memref<!tpu.dma_semaphore, #tpu.memory_space<semaphore_mem>>)
        %mul3A_102 = arith.constant 2 : i32
        %mul3A_103 = arith.muli %mul3A_102, %scan3A_73 : i32
        %add3A_104 = arith.constant 1 : i32
        %add3A_105 = arith.addi %mul3A_103, %add3A_104 : i32
        %dma_wait3A_106 = arith.constant 0 : i32
        %dma_wait3A_107 = tpu.memref_slice %run_scoped3A[%add3A_105, %dma_wait3A_106] : memref<40x128xi32, #tpu.memory_space<vmem>> -> memref<1x128xi32, #tpu.memory_space<vmem>>
        %dma_wait3A_108 = tpu.memref_squeeze %dma_wait3A_107 : memref<1x128xi32, #tpu.memory_space<vmem>> -> memref<128xi32, #tpu.memory_space<vmem>>
        %dma_wait3A_109 = arith.constant 0 : i32
        %dma_wait3A_110 = arith.constant 0 : i32
        %dma_wait3A_111 = tpu.memref_slice %arg2[%dma_wait3A_109, %dma_wait3A_110] : memref<10240x128xf32, #tpu.memory_space<hbm>> -> memref<10240x128xf32, #tpu.memory_space<hbm>>
        tpu.wait_indirect_dma semaphore(%arg9 : memref<!tpu.dma_semaphore, #tpu.memory_space<semaphore_mem>>) src(%dma_wait3A_111 : memref<10240x128xf32, #tpu.memory_space<hbm>>) dst(%run_scoped3A_5 : memref<128x128xf32, #tpu.memory_space<vmem>>)
        "tpu.region"() ({
          %run_scoped3A_112 = tpu.sem_alloc : memref<!tpu.dma_semaphore, #tpu.memory_space<semaphore_mem>>
          %dma_start3A_113 = arith.constant 0 : i32
          %dma_start3A_114 = tpu.memref_slice %run_scoped3A_3[%add3A_105, %dma_start3A_113] : memref<40x128xi32, #tpu.memory_space<vmem>> -> memref<1x128xi32, #tpu.memory_space<vmem>>
          %dma_start3A_115 = tpu.memref_squeeze %dma_start3A_114 : memref<1x128xi32, #tpu.memory_space<vmem>> -> memref<128xi32, #tpu.memory_space<vmem>>
          %dma_start3A_116 = arith.constant 0 : i32
          %dma_start3A_117 = arith.constant 0 : i32
          %dma_start3A_118 = tpu.memref_slice %arg7[%dma_start3A_116, %dma_start3A_117] : memref<10240x128xf32, #tpu.memory_space<vmem_shared>> -> memref<10240x128xf32, #tpu.memory_space<vmem_shared>>
          tpu.enqueue_indirect_dma source(%run_scoped3A_5 : memref<128x128xf32, #tpu.memory_space<vmem>>) target(%dma_start3A_118 : memref<10240x128xf32, #tpu.memory_space<vmem_shared>>) offsets(%dma_start3A_115 : memref<128xi32, #tpu.memory_space<vmem>>) semaphore(%run_scoped3A_112 : memref<!tpu.dma_semaphore, #tpu.memory_space<semaphore_mem>>) {add = true}
          %dma_wait3A_119 = arith.constant 0 : i32
          %dma_wait3A_120 = tpu.memref_slice %run_scoped3A_3[%add3A_105, %dma_wait3A_119] : memref<40x128xi32, #tpu.memory_space<vmem>> -> memref<1x128xi32, #tpu.memory_space<vmem>>
          %dma_wait3A_121 = tpu.memref_squeeze %dma_wait3A_120 : memref<1x128xi32, #tpu.memory_space<vmem>> -> memref<128xi32, #tpu.memory_space<vmem>>
          %dma_wait3A_122 = arith.constant 0 : i32
          %dma_wait3A_123 = arith.constant 0 : i32
          %dma_wait3A_124 = tpu.memref_slice %arg7[%dma_wait3A_122, %dma_wait3A_123] : memref<10240x128xf32, #tpu.memory_space<vmem_shared>> -> memref<10240x128xf32, #tpu.memory_space<vmem_shared>>
          tpu.wait_indirect_dma semaphore(%run_scoped3A_112 : memref<!tpu.dma_semaphore, #tpu.memory_space<semaphore_mem>>) src(%run_scoped3A_5 : memref<128x128xf32, #tpu.memory_space<vmem>>) dst(%dma_wait3A_124 : memref<10240x128xf32, #tpu.memory_space<vmem_shared>>)
          tpu.yield
        }) : () -> ()
      }
      %scan3A_57 = arith.constant 19 : i32
      %dma_wait3A_58 = arith.constant 38 : i32
      %dma_wait3A_59 = arith.constant 0 : i32
      %dma_wait3A_60 = tpu.memref_slice %run_scoped3A[%dma_wait3A_58, %dma_wait3A_59] : memref<40x128xi32, #tpu.memory_space<vmem>> -> memref<1x128xi32, #tpu.memory_space<vmem>>
      %dma_wait3A_61 = tpu.memref_squeeze %dma_wait3A_60 : memref<1x128xi32, #tpu.memory_space<vmem>> -> memref<128xi32, #tpu.memory_space<vmem>>
      %dma_wait3A_62 = arith.constant 0 : i32
      %dma_wait3A_63 = arith.constant 0 : i32
      %dma_wait3A_64 = tpu.memref_slice %arg2[%dma_wait3A_62, %dma_wait3A_63] : memref<10240x128xf32, #tpu.memory_space<hbm>> -> memref<10240x128xf32, #tpu.memory_space<hbm>>
      tpu.wait_indirect_dma semaphore(%arg8 : memref<!tpu.dma_semaphore, #tpu.memory_space<semaphore_mem>>) src(%dma_wait3A_64 : memref<10240x128xf32, #tpu.memory_space<hbm>>) dst(%run_scoped3A_4 : memref<128x128xf32, #tpu.memory_space<vmem>>)
      %run_scoped3A_65 = arith.constant 38 : i32
      "tpu.region"() ({
        %run_scoped3A_73 = tpu.sem_alloc : memref<!tpu.dma_semaphore, #tpu.memory_space<semaphore_mem>>
        %dma_start3A_74 = arith.constant 0 : i32
        %dma_start3A_75 = tpu.memref_slice %run_scoped3A_3[%run_scoped3A_65, %dma_start3A_74] : memref<40x128xi32, #tpu.memory_space<vmem>> -> memref<1x128xi32, #tpu.memory_space<vmem>>
        %dma_start3A_76 = tpu.memref_squeeze %dma_start3A_75 : memref<1x128xi32, #tpu.memory_space<vmem>> -> memref<128xi32, #tpu.memory_space<vmem>>
        %dma_start3A_77 = arith.constant 0 : i32
        %dma_start3A_78 = arith.constant 0 : i32
        %dma_start3A_79 = tpu.memref_slice %arg7[%dma_start3A_77, %dma_start3A_78] : memref<10240x128xf32, #tpu.memory_space<vmem_shared>> -> memref<10240x128xf32, #tpu.memory_space<vmem_shared>>
        tpu.enqueue_indirect_dma source(%run_scoped3A_4 : memref<128x128xf32, #tpu.memory_space<vmem>>) target(%dma_start3A_79 : memref<10240x128xf32, #tpu.memory_space<vmem_shared>>) offsets(%dma_start3A_76 : memref<128xi32, #tpu.memory_space<vmem>>) semaphore(%run_scoped3A_73 : memref<!tpu.dma_semaphore, #tpu.memory_space<semaphore_mem>>) {add = true}
        %dma_wait3A_80 = arith.constant 0 : i32
        %dma_wait3A_81 = tpu.memref_slice %run_scoped3A_3[%run_scoped3A_65, %dma_wait3A_80] : memref<40x128xi32, #tpu.memory_space<vmem>> -> memref<1x128xi32, #tpu.memory_space<vmem>>
        %dma_wait3A_82 = tpu.memref_squeeze %dma_wait3A_81 : memref<1x128xi32, #tpu.memory_space<vmem>> -> memref<128xi32, #tpu.memory_space<vmem>>
        %dma_wait3A_83 = arith.constant 0 : i32
        %dma_wait3A_84 = arith.constant 0 : i32
        %dma_wait3A_85 = tpu.memref_slice %arg7[%dma_wait3A_83, %dma_wait3A_84] : memref<10240x128xf32, #tpu.memory_space<vmem_shared>> -> memref<10240x128xf32, #tpu.memory_space<vmem_shared>>
        tpu.wait_indirect_dma semaphore(%run_scoped3A_73 : memref<!tpu.dma_semaphore, #tpu.memory_space<semaphore_mem>>) src(%run_scoped3A_4 : memref<128x128xf32, #tpu.memory_space<vmem>>) dst(%dma_wait3A_85 : memref<10240x128xf32, #tpu.memory_space<vmem_shared>>)
        tpu.yield
      }) : () -> ()
      %barrier3A_66 = arith.constant 0 : index
      tpu.barrier barrier_id(%barrier3A_66)
      %scan3A_67 = arith.constant 0 : i32
      %scan3A_68 = arith.constant 0 : i32
      %scan3A_69 = arith.constant 8 : i32
      %scan3A_70 = arith.addi %scan3A_68, %scan3A_69 : i32
      %scan3A_71 = arith.constant 1 : i32
      scf.for %scan3A_73 = %scan3A_68 to %scan3A_70 step %scan3A_71  : i32 {
        %mul3A_74 = arith.constant 80 : i32
        %mul3A_75 = arith.muli %scan3A_73, %mul3A_74 : i32
        %add3A_76 = arith.addi %mul3A_2, %mul3A_75 : i32
        "tpu.region"() ({
          %run_scoped3A_77 = tpu.sem_alloc : memref<!tpu.dma_semaphore, #tpu.memory_space<semaphore_mem>>
          %dma_start3A_78 = arith.constant 0 : i32
          %dma_start3A_79 = tpu.memref_slice %arg6[%arg0, %add3A_76, %dma_start3A_78] : memref<2x10240x128xf32, #tpu.memory_space<hbm>> -> memref<1x80x128xf32, #tpu.memory_space<hbm>>
          %dma_start3A_80 = tpu.memref_squeeze %dma_start3A_79 : memref<1x80x128xf32, #tpu.memory_space<hbm>> -> memref<80x128xf32, #tpu.memory_space<hbm>>
          %dma_start3A_81 = arith.constant 0 : i32
          %dma_start3A_82 = tpu.memref_slice %arg7[%add3A_76, %dma_start3A_81] : memref<10240x128xf32, #tpu.memory_space<vmem_shared>> -> memref<80x128xf32, #tpu.memory_space<vmem_shared>>
          tpu.enqueue_dma source(%dma_start3A_82 : memref<80x128xf32, #tpu.memory_space<vmem_shared>>) target(%dma_start3A_80 : memref<80x128xf32, #tpu.memory_space<hbm>>) target_semaphore(%run_scoped3A_77 : memref<!tpu.dma_semaphore, #tpu.memory_space<semaphore_mem>>)
          %dma_wait3A_83 = arith.constant 0 : i32
          %dma_wait3A_84 = tpu.memref_slice %arg6[%arg0, %add3A_76, %dma_wait3A_83] : memref<2x10240x128xf32, #tpu.memory_space<hbm>> -> memref<1x80x128xf32, #tpu.memory_space<hbm>>
          %dma_wait3A_85 = tpu.memref_squeeze %dma_wait3A_84 : memref<1x80x128xf32, #tpu.memory_space<hbm>> -> memref<80x128xf32, #tpu.memory_space<hbm>>
          %dma_wait3A_86 = arith.constant 0 : i32
          %dma_wait3A_87 = tpu.memref_slice %arg7[%add3A_76, %dma_wait3A_86] : memref<10240x128xf32, #tpu.memory_space<vmem_shared>> -> memref<80x128xf32, #tpu.memory_space<vmem_shared>>
          tpu.wait_dma2 semaphore(%run_scoped3A_77 : memref<!tpu.dma_semaphore, #tpu.memory_space<semaphore_mem>>) src(%dma_wait3A_87 : memref<80x128xf32, #tpu.memory_space<vmem_shared>>) dst(%dma_wait3A_85 : memref<80x128xf32, #tpu.memory_space<hbm>>)
          tpu.yield
        }) : () -> ()
      }
      %scan3A_72 = arith.constant 8 : i32
      tpu.yield
    }) : () -> ()
    return
  }
}

#map = affine_map<(d0, d1) -> (0, 0)>
#map1 = affine_map<(d0, d1) -> (0, 0, 0)>
module attributes {stable_mosaic.version = 14 : i64} {
  func.func @agg(%arg0: i32, %arg1: i32, %arg2: memref<10240x128xf32, #tpu.memory_space<hbm>>, %arg3: memref<32x79x128xi32, #tpu.memory_space<hbm>>, %arg4: memref<32x79x128xi32, #tpu.memory_space<hbm>>, %arg5: memref<10240x128xf32, #tpu.memory_space<hbm>>, %arg6: memref<2x10240x128xf32, #tpu.memory_space<hbm>>, %arg7: memref<10240x128xf32, #tpu.memory_space<vmem_shared>>, %arg8: memref<!tpu.dma_semaphore, #tpu.memory_space<semaphore_mem>>, %arg9: memref<!tpu.dma_semaphore, #tpu.memory_space<semaphore_mem>>) attributes {dimension_semantics = [#tpu.dimension_semantics<core_parallel>, #tpu.dimension_semantics<subcore_parallel>], iteration_bounds = array<i64: 2, 16>, scalar_prefetch = 0 : i64, scratch_operands = 3 : i64, tpu.core_type = #tpu.core_type<sc_vector_subcore>, window_params = [{transform_indices = #map}, {transform_indices = #map1}, {transform_indices = #map1}, {transform_indices = #map}, {transform_indices = #map1}]} {
    %mul3A = arith.constant 2 : i32
    %mul3A_0 = arith.muli %arg1, %mul3A : i32
    %add3A = arith.addi %mul3A_0, %arg0 : i32
    %mul3A_1 = arith.constant 640 : i32
    %mul3A_2 = arith.muli %arg1, %mul3A_1 : i32
    "tpu.region"() ({
      %run_scoped3A = memref.alloca() : memref<40x128xi32, #tpu.memory_space<vmem>>
      %run_scoped3A_3 = memref.alloca() : memref<40x128xi32, #tpu.memory_space<vmem>>
      %run_scoped3A_4 = memref.alloca() : memref<128x128xf32, #tpu.memory_space<vmem>>
      %run_scoped3A_5 = memref.alloca() : memref<128x128xf32, #tpu.memory_space<vmem>>
      %scan3A = arith.constant 0 : i32
      %scan3A_6 = arith.constant 0 : i32
      %scan3A_7 = arith.constant 8 : i32
      %scan3A_8 = arith.addi %scan3A_6, %scan3A_7 : i32
      %scan3A_9 = arith.constant 1 : i32
      scf.for %scan3A_73 = %scan3A_6 to %scan3A_8 step %scan3A_9  : i32 {
        %mul3A_74 = arith.constant 80 : i32
        %mul3A_75 = arith.muli %scan3A_73, %mul3A_74 : i32
        %add3A_76 = arith.addi %mul3A_2, %mul3A_75 : i32
        %eq3A = arith.constant 0 : i32
        %eq3A_77 = arith.cmpi eq, %arg0, %eq3A : i32
        %convert_element_type3A = arith.extui %eq3A_77 : i1 to i32
        %cond3A = arith.constant 0 : i32
        %cond3A_78 = arith.cmpi ne, %convert_element_type3A, %cond3A : i32
        scf.if %cond3A_78 {
          "tpu.region"() ({
            %run_scoped3A_84 = tpu.sem_alloc : memref<!tpu.dma_semaphore, #tpu.memory_space<semaphore_mem>>
            %dma_start3A_85 = arith.constant 0 : i32
            %dma_start3A_86 = tpu.memref_slice %arg7[%add3A_76, %dma_start3A_85] : memref<10240x128xf32, #tpu.memory_space<vmem_shared>> -> memref<80x128xf32, #tpu.memory_space<vmem_shared>>
            %dma_start3A_87 = arith.constant 0 : i32
            %dma_start3A_88 = tpu.memref_slice %arg2[%add3A_76, %dma_start3A_87] : memref<10240x128xf32, #tpu.memory_space<hbm>> -> memref<80x128xf32, #tpu.memory_space<hbm>>
            tpu.enqueue_dma source(%dma_start3A_88 : memref<80x128xf32, #tpu.memory_space<hbm>>) target(%dma_start3A_86 : memref<80x128xf32, #tpu.memory_space<vmem_shared>>) target_semaphore(%run_scoped3A_84 : memref<!tpu.dma_semaphore, #tpu.memory_space<semaphore_mem>>)
            %dma_wait3A_89 = arith.constant 0 : i32
            %dma_wait3A_90 = tpu.memref_slice %arg7[%add3A_76, %dma_wait3A_89] : memref<10240x128xf32, #tpu.memory_space<vmem_shared>> -> memref<80x128xf32, #tpu.memory_space<vmem_shared>>
            %dma_wait3A_91 = arith.constant 0 : i32
            %dma_wait3A_92 = tpu.memref_slice %arg2[%add3A_76, %dma_wait3A_91] : memref<10240x128xf32, #tpu.memory_space<hbm>> -> memref<80x128xf32, #tpu.memory_space<hbm>>
            tpu.wait_dma2 semaphore(%run_scoped3A_84 : memref<!tpu.dma_semaphore, #tpu.memory_space<semaphore_mem>>) src(%dma_wait3A_92 : memref<80x128xf32, #tpu.memory_space<hbm>>) dst(%dma_wait3A_90 : memref<80x128xf32, #tpu.memory_space<vmem_shared>>)
            tpu.yield
          }) : () -> ()
        } else {
        }
        %eq3A_79 = arith.constant 1 : i32
        %eq3A_80 = arith.cmpi eq, %arg0, %eq3A_79 : i32
        %convert_element_type3A_81 = arith.extui %eq3A_80 : i1 to i32
        %cond3A_82 = arith.constant 0 : i32
        %cond3A_83 = arith.cmpi ne, %convert_element_type3A_81, %cond3A_82 : i32
        scf.if %cond3A_83 {
          "tpu.region"() ({
            %run_scoped3A_84 = tpu.sem_alloc : memref<!tpu.dma_semaphore, #tpu.memory_space<semaphore_mem>>
            %dma_start3A_85 = arith.constant 0 : i32
            %dma_start3A_86 = tpu.memref_slice %arg7[%add3A_76, %dma_start3A_85] : memref<10240x128xf32, #tpu.memory_space<vmem_shared>> -> memref<80x128xf32, #tpu.memory_space<vmem_shared>>
            %dma_start3A_87 = arith.constant 0 : i32
            %dma_start3A_88 = tpu.memref_slice %arg5[%add3A_76, %dma_start3A_87] : memref<10240x128xf32, #tpu.memory_space<hbm>> -> memref<80x128xf32, #tpu.memory_space<hbm>>
            tpu.enqueue_dma source(%dma_start3A_88 : memref<80x128xf32, #tpu.memory_space<hbm>>) target(%dma_start3A_86 : memref<80x128xf32, #tpu.memory_space<vmem_shared>>) target_semaphore(%run_scoped3A_84 : memref<!tpu.dma_semaphore, #tpu.memory_space<semaphore_mem>>)
            %dma_wait3A_89 = arith.constant 0 : i32
            %dma_wait3A_90 = tpu.memref_slice %arg7[%add3A_76, %dma_wait3A_89] : memref<10240x128xf32, #tpu.memory_space<vmem_shared>> -> memref<80x128xf32, #tpu.memory_space<vmem_shared>>
            %dma_wait3A_91 = arith.constant 0 : i32
            %dma_wait3A_92 = tpu.memref_slice %arg5[%add3A_76, %dma_wait3A_91] : memref<10240x128xf32, #tpu.memory_space<hbm>> -> memref<80x128xf32, #tpu.memory_space<hbm>>
            tpu.wait_dma2 semaphore(%run_scoped3A_84 : memref<!tpu.dma_semaphore, #tpu.memory_space<semaphore_mem>>) src(%dma_wait3A_92 : memref<80x128xf32, #tpu.memory_space<hbm>>) dst(%dma_wait3A_90 : memref<80x128xf32, #tpu.memory_space<vmem_shared>>)
            tpu.yield
          }) : () -> ()
        } else {
        }
      }
      %scan3A_10 = arith.constant 8 : i32
      %barrier3A = arith.constant 0 : index
      tpu.barrier barrier_id(%barrier3A)
      "tpu.region"() ({
        %run_scoped3A_73 = tpu.sem_alloc : memref<!tpu.dma_semaphore, #tpu.memory_space<semaphore_mem>>
        %dma_start3A_74 = arith.constant 0 : i32
        %dma_start3A_75 = arith.constant 0 : i32
        %dma_start3A_76 = tpu.memref_slice %run_scoped3A[%dma_start3A_74, %dma_start3A_75] : memref<40x128xi32, #tpu.memory_space<vmem>> -> memref<40x128xi32, #tpu.memory_space<vmem>>
        %dma_start3A_77 = arith.constant 0 : i32
        %dma_start3A_78 = arith.constant 0 : i32
        %dma_start3A_79 = tpu.memref_slice %arg3[%add3A, %dma_start3A_77, %dma_start3A_78] : memref<32x79x128xi32, #tpu.memory_space<hbm>> -> memref<1x40x128xi32, #tpu.memory_space<hbm>>
        %dma_start3A_80 = tpu.memref_squeeze %dma_start3A_79 : memref<1x40x128xi32, #tpu.memory_space<hbm>> -> memref<40x128xi32, #tpu.memory_space<hbm>>
        %dma_start3A_81 = arith.constant 0 : i32
        %dma_start3A_82 = arith.constant 0 : i32
        %dma_start3A_83 = tpu.memref_slice %run_scoped3A[%dma_start3A_81, %dma_start3A_82] : memref<40x128xi32, #tpu.memory_space<vmem>> -> memref<40x128xi32, #tpu.memory_space<vmem>>
        %dma_start3A_84 = arith.constant 0 : i32
        %dma_start3A_85 = arith.constant 0 : i32
        %dma_start3A_86 = tpu.memref_slice %arg3[%add3A, %dma_start3A_84, %dma_start3A_85] : memref<32x79x128xi32, #tpu.memory_space<hbm>> -> memref<1x40x128xi32, #tpu.memory_space<hbm>>
        %dma_start3A_87 = tpu.memref_squeeze %dma_start3A_86 : memref<1x40x128xi32, #tpu.memory_space<hbm>> -> memref<40x128xi32, #tpu.memory_space<hbm>>
        tpu.enqueue_dma source(%dma_start3A_87 : memref<40x128xi32, #tpu.memory_space<hbm>>) target(%dma_start3A_83 : memref<40x128xi32, #tpu.memory_space<vmem>>) target_semaphore(%run_scoped3A_73 : memref<!tpu.dma_semaphore, #tpu.memory_space<semaphore_mem>>)
        %dma_wait3A_88 = arith.constant 0 : i32
        %dma_wait3A_89 = arith.constant 0 : i32
        %dma_wait3A_90 = tpu.memref_slice %run_scoped3A[%dma_wait3A_88, %dma_wait3A_89] : memref<40x128xi32, #tpu.memory_space<vmem>> -> memref<40x128xi32, #tpu.memory_space<vmem>>
        %dma_wait3A_91 = arith.constant 0 : i32
        %dma_wait3A_92 = arith.constant 0 : i32
        %dma_wait3A_93 = tpu.memref_slice %arg3[%add3A, %dma_wait3A_91, %dma_wait3A_92] : memref<32x79x128xi32, #tpu.memory_space<hbm>> -> memref<1x40x128xi32, #tpu.memory_space<hbm>>
        %dma_wait3A_94 = tpu.memref_squeeze %dma_wait3A_93 : memref<1x40x128xi32, #tpu.memory_space<hbm>> -> memref<40x128xi32, #tpu.memory_space<hbm>>
        %dma_wait3A_95 = arith.constant 0 : i32
        %dma_wait3A_96 = arith.constant 0 : i32
        %dma_wait3A_97 = tpu.memref_slice %run_scoped3A[%dma_wait3A_95, %dma_wait3A_96] : memref<40x128xi32, #tpu.memory_space<vmem>> -> memref<40x128xi32, #tpu.memory_space<vmem>>
        %dma_wait3A_98 = arith.constant 0 : i32
        %dma_wait3A_99 = arith.constant 0 : i32
        %dma_wait3A_100 = tpu.memref_slice %arg3[%add3A, %dma_wait3A_98, %dma_wait3A_99] : memref<32x79x128xi32, #tpu.memory_space<hbm>> -> memref<1x40x128xi32, #tpu.memory_space<hbm>>
        %dma_wait3A_101 = tpu.memref_squeeze %dma_wait3A_100 : memref<1x40x128xi32, #tpu.memory_space<hbm>> -> memref<40x128xi32, #tpu.memory_space<hbm>>
        tpu.wait_dma2 semaphore(%run_scoped3A_73 : memref<!tpu.dma_semaphore, #tpu.memory_space<semaphore_mem>>) src(%dma_wait3A_101 : memref<40x128xi32, #tpu.memory_space<hbm>>) dst(%dma_wait3A_97 : memref<40x128xi32, #tpu.memory_space<vmem>>)
        tpu.yield
      }) : () -> ()
      "tpu.region"() ({
        %run_scoped3A_73 = tpu.sem_alloc : memref<!tpu.dma_semaphore, #tpu.memory_space<semaphore_mem>>
        %dma_start3A_74 = arith.constant 0 : i32
        %dma_start3A_75 = arith.constant 0 : i32
        %dma_start3A_76 = tpu.memref_slice %run_scoped3A_3[%dma_start3A_74, %dma_start3A_75] : memref<40x128xi32, #tpu.memory_space<vmem>> -> memref<40x128xi32, #tpu.memory_space<vmem>>
        %dma_start3A_77 = arith.constant 0 : i32
        %dma_start3A_78 = arith.constant 0 : i32
        %dma_start3A_79 = tpu.memref_slice %arg4[%add3A, %dma_start3A_77, %dma_start3A_78] : memref<32x79x128xi32, #tpu.memory_space<hbm>> -> memref<1x40x128xi32, #tpu.memory_space<hbm>>
        %dma_start3A_80 = tpu.memref_squeeze %dma_start3A_79 : memref<1x40x128xi32, #tpu.memory_space<hbm>> -> memref<40x128xi32, #tpu.memory_space<hbm>>
        %dma_start3A_81 = arith.constant 0 : i32
        %dma_start3A_82 = arith.constant 0 : i32
        %dma_start3A_83 = tpu.memref_slice %run_scoped3A_3[%dma_start3A_81, %dma_start3A_82] : memref<40x128xi32, #tpu.memory_space<vmem>> -> memref<40x128xi32, #tpu.memory_space<vmem>>
        %dma_start3A_84 = arith.constant 0 : i32
        %dma_start3A_85 = arith.constant 0 : i32
        %dma_start3A_86 = tpu.memref_slice %arg4[%add3A, %dma_start3A_84, %dma_start3A_85] : memref<32x79x128xi32, #tpu.memory_space<hbm>> -> memref<1x40x128xi32, #tpu.memory_space<hbm>>
        %dma_start3A_87 = tpu.memref_squeeze %dma_start3A_86 : memref<1x40x128xi32, #tpu.memory_space<hbm>> -> memref<40x128xi32, #tpu.memory_space<hbm>>
        tpu.enqueue_dma source(%dma_start3A_87 : memref<40x128xi32, #tpu.memory_space<hbm>>) target(%dma_start3A_83 : memref<40x128xi32, #tpu.memory_space<vmem>>) target_semaphore(%run_scoped3A_73 : memref<!tpu.dma_semaphore, #tpu.memory_space<semaphore_mem>>)
        %dma_wait3A_88 = arith.constant 0 : i32
        %dma_wait3A_89 = arith.constant 0 : i32
        %dma_wait3A_90 = tpu.memref_slice %run_scoped3A_3[%dma_wait3A_88, %dma_wait3A_89] : memref<40x128xi32, #tpu.memory_space<vmem>> -> memref<40x128xi32, #tpu.memory_space<vmem>>
        %dma_wait3A_91 = arith.constant 0 : i32
        %dma_wait3A_92 = arith.constant 0 : i32
        %dma_wait3A_93 = tpu.memref_slice %arg4[%add3A, %dma_wait3A_91, %dma_wait3A_92] : memref<32x79x128xi32, #tpu.memory_space<hbm>> -> memref<1x40x128xi32, #tpu.memory_space<hbm>>
        %dma_wait3A_94 = tpu.memref_squeeze %dma_wait3A_93 : memref<1x40x128xi32, #tpu.memory_space<hbm>> -> memref<40x128xi32, #tpu.memory_space<hbm>>
        %dma_wait3A_95 = arith.constant 0 : i32
        %dma_wait3A_96 = arith.constant 0 : i32
        %dma_wait3A_97 = tpu.memref_slice %run_scoped3A_3[%dma_wait3A_95, %dma_wait3A_96] : memref<40x128xi32, #tpu.memory_space<vmem>> -> memref<40x128xi32, #tpu.memory_space<vmem>>
        %dma_wait3A_98 = arith.constant 0 : i32
        %dma_wait3A_99 = arith.constant 0 : i32
        %dma_wait3A_100 = tpu.memref_slice %arg4[%add3A, %dma_wait3A_98, %dma_wait3A_99] : memref<32x79x128xi32, #tpu.memory_space<hbm>> -> memref<1x40x128xi32, #tpu.memory_space<hbm>>
        %dma_wait3A_101 = tpu.memref_squeeze %dma_wait3A_100 : memref<1x40x128xi32, #tpu.memory_space<hbm>> -> memref<40x128xi32, #tpu.memory_space<hbm>>
        tpu.wait_dma2 semaphore(%run_scoped3A_73 : memref<!tpu.dma_semaphore, #tpu.memory_space<semaphore_mem>>) src(%dma_wait3A_101 : memref<40x128xi32, #tpu.memory_space<hbm>>) dst(%dma_wait3A_97 : memref<40x128xi32, #tpu.memory_space<vmem>>)
        tpu.yield
      }) : () -> ()
      %dma_start3A = arith.constant 0 : i32
      %dma_start3A_11 = arith.constant 0 : i32
      %dma_start3A_12 = tpu.memref_slice %run_scoped3A[%dma_start3A, %dma_start3A_11] : memref<40x128xi32, #tpu.memory_space<vmem>> -> memref<1x128xi32, #tpu.memory_space<vmem>>
      %dma_start3A_13 = tpu.memref_squeeze %dma_start3A_12 : memref<1x128xi32, #tpu.memory_space<vmem>> -> memref<128xi32, #tpu.memory_space<vmem>>
      %dma_start3A_14 = arith.constant 0 : i32
      %dma_start3A_15 = arith.constant 0 : i32
      %dma_start3A_16 = tpu.memref_slice %arg2[%dma_start3A_14, %dma_start3A_15] : memref<10240x128xf32, #tpu.memory_space<hbm>> -> memref<10240x128xf32, #tpu.memory_space<hbm>>
      tpu.enqueue_indirect_dma source(%dma_start3A_16 : memref<10240x128xf32, #tpu.memory_space<hbm>>) target(%run_scoped3A_4 : memref<128x128xf32, #tpu.memory_space<vmem>>) offsets(%dma_start3A_13 : memref<128xi32, #tpu.memory_space<vmem>>) semaphore(%arg8 : memref<!tpu.dma_semaphore, #tpu.memory_space<semaphore_mem>>)
      %scan3A_17 = arith.constant 0 : i32
      %scan3A_18 = arith.constant 0 : i32
      %scan3A_19 = arith.constant 19 : i32
      %scan3A_20 = arith.addi %scan3A_18, %scan3A_19 : i32
      %scan3A_21 = arith.constant 1 : i32
      scf.for %scan3A_73 = %scan3A_18 to %scan3A_20 step %scan3A_21  : i32 {
        %mul3A_74 = arith.constant 2 : i32
        %mul3A_75 = arith.muli %mul3A_74, %scan3A_73 : i32
        %add3A_76 = arith.constant 1 : i32
        %add3A_77 = arith.addi %mul3A_75, %add3A_76 : i32
        %dma_start3A_78 = arith.constant 0 : i32
        %dma_start3A_79 = tpu.memref_slice %run_scoped3A[%add3A_77, %dma_start3A_78] : memref<40x128xi32, #tpu.memory_space<vmem>> -> memref<1x128xi32, #tpu.memory_space<vmem>>
        %dma_start3A_80 = tpu.memref_squeeze %dma_start3A_79 : memref<1x128xi32, #tpu.memory_space<vmem>> -> memref<128xi32, #tpu.memory_space<vmem>>
        %dma_start3A_81 = arith.constant 0 : i32
        %dma_start3A_82 = arith.constant 0 : i32
        %dma_start3A_83 = tpu.memref_slice %arg2[%dma_start3A_81, %dma_start3A_82] : memref<10240x128xf32, #tpu.memory_space<hbm>> -> memref<10240x128xf32, #tpu.memory_space<hbm>>
        tpu.enqueue_indirect_dma source(%dma_start3A_83 : memref<10240x128xf32, #tpu.memory_space<hbm>>) target(%run_scoped3A_5 : memref<128x128xf32, #tpu.memory_space<vmem>>) offsets(%dma_start3A_80 : memref<128xi32, #tpu.memory_space<vmem>>) semaphore(%arg9 : memref<!tpu.dma_semaphore, #tpu.memory_space<semaphore_mem>>)
        %mul3A_84 = arith.constant 2 : i32
        %mul3A_85 = arith.muli %mul3A_84, %scan3A_73 : i32
        %dma_wait3A_86 = arith.constant 0 : i32
        %dma_wait3A_87 = tpu.memref_slice %run_scoped3A[%mul3A_85, %dma_wait3A_86] : memref<40x128xi32, #tpu.memory_space<vmem>> -> memref<1x128xi32, #tpu.memory_space<vmem>>
        %dma_wait3A_88 = tpu.memref_squeeze %dma_wait3A_87 : memref<1x128xi32, #tpu.memory_space<vmem>> -> memref<128xi32, #tpu.memory_space<vmem>>
        %dma_wait3A_89 = arith.constant 0 : i32
        %dma_wait3A_90 = arith.constant 0 : i32
        %dma_wait3A_91 = tpu.memref_slice %arg2[%dma_wait3A_89, %dma_wait3A_90] : memref<10240x128xf32, #tpu.memory_space<hbm>> -> memref<10240x128xf32, #tpu.memory_space<hbm>>
        tpu.wait_indirect_dma semaphore(%arg8 : memref<!tpu.dma_semaphore, #tpu.memory_space<semaphore_mem>>) src(%dma_wait3A_91 : memref<10240x128xf32, #tpu.memory_space<hbm>>) dst(%run_scoped3A_4 : memref<128x128xf32, #tpu.memory_space<vmem>>)
        "tpu.region"() ({
          %run_scoped3A_112 = tpu.sem_alloc : memref<!tpu.dma_semaphore, #tpu.memory_space<semaphore_mem>>
          %dma_start3A_113 = arith.constant 0 : i32
          %dma_start3A_114 = tpu.memref_slice %run_scoped3A_3[%mul3A_85, %dma_start3A_113] : memref<40x128xi32, #tpu.memory_space<vmem>> -> memref<1x128xi32, #tpu.memory_space<vmem>>
          %dma_start3A_115 = tpu.memref_squeeze %dma_start3A_114 : memref<1x128xi32, #tpu.memory_space<vmem>> -> memref<128xi32, #tpu.memory_space<vmem>>
          %dma_start3A_116 = arith.constant 0 : i32
          %dma_start3A_117 = arith.constant 0 : i32
          %dma_start3A_118 = tpu.memref_slice %arg7[%dma_start3A_116, %dma_start3A_117] : memref<10240x128xf32, #tpu.memory_space<vmem_shared>> -> memref<10240x128xf32, #tpu.memory_space<vmem_shared>>
          tpu.enqueue_indirect_dma source(%run_scoped3A_4 : memref<128x128xf32, #tpu.memory_space<vmem>>) target(%dma_start3A_118 : memref<10240x128xf32, #tpu.memory_space<vmem_shared>>) offsets(%dma_start3A_115 : memref<128xi32, #tpu.memory_space<vmem>>) semaphore(%run_scoped3A_112 : memref<!tpu.dma_semaphore, #tpu.memory_space<semaphore_mem>>) {add = true}
          %dma_wait3A_119 = arith.constant 0 : i32
          %dma_wait3A_120 = tpu.memref_slice %run_scoped3A_3[%mul3A_85, %dma_wait3A_119] : memref<40x128xi32, #tpu.memory_space<vmem>> -> memref<1x128xi32, #tpu.memory_space<vmem>>
          %dma_wait3A_121 = tpu.memref_squeeze %dma_wait3A_120 : memref<1x128xi32, #tpu.memory_space<vmem>> -> memref<128xi32, #tpu.memory_space<vmem>>
          %dma_wait3A_122 = arith.constant 0 : i32
          %dma_wait3A_123 = arith.constant 0 : i32
          %dma_wait3A_124 = tpu.memref_slice %arg7[%dma_wait3A_122, %dma_wait3A_123] : memref<10240x128xf32, #tpu.memory_space<vmem_shared>> -> memref<10240x128xf32, #tpu.memory_space<vmem_shared>>
          tpu.wait_indirect_dma semaphore(%run_scoped3A_112 : memref<!tpu.dma_semaphore, #tpu.memory_space<semaphore_mem>>) src(%run_scoped3A_4 : memref<128x128xf32, #tpu.memory_space<vmem>>) dst(%dma_wait3A_124 : memref<10240x128xf32, #tpu.memory_space<vmem_shared>>)
          tpu.yield
        }) : () -> ()
        %mul3A_92 = arith.constant 2 : i32
        %mul3A_93 = arith.muli %mul3A_92, %scan3A_73 : i32
        %add3A_94 = arith.constant 2 : i32
        %add3A_95 = arith.addi %mul3A_93, %add3A_94 : i32
        %dma_start3A_96 = arith.constant 0 : i32
        %dma_start3A_97 = tpu.memref_slice %run_scoped3A[%add3A_95, %dma_start3A_96] : memref<40x128xi32, #tpu.memory_space<vmem>> -> memref<1x128xi32, #tpu.memory_space<vmem>>
        %dma_start3A_98 = tpu.memref_squeeze %dma_start3A_97 : memref<1x128xi32, #tpu.memory_space<vmem>> -> memref<128xi32, #tpu.memory_space<vmem>>
        %dma_start3A_99 = arith.constant 0 : i32
        %dma_start3A_100 = arith.constant 0 : i32
        %dma_start3A_101 = tpu.memref_slice %arg2[%dma_start3A_99, %dma_start3A_100] : memref<10240x128xf32, #tpu.memory_space<hbm>> -> memref<10240x128xf32, #tpu.memory_space<hbm>>
        tpu.enqueue_indirect_dma source(%dma_start3A_101 : memref<10240x128xf32, #tpu.memory_space<hbm>>) target(%run_scoped3A_4 : memref<128x128xf32, #tpu.memory_space<vmem>>) offsets(%dma_start3A_98 : memref<128xi32, #tpu.memory_space<vmem>>) semaphore(%arg8 : memref<!tpu.dma_semaphore, #tpu.memory_space<semaphore_mem>>)
        %mul3A_102 = arith.constant 2 : i32
        %mul3A_103 = arith.muli %mul3A_102, %scan3A_73 : i32
        %add3A_104 = arith.constant 1 : i32
        %add3A_105 = arith.addi %mul3A_103, %add3A_104 : i32
        %dma_wait3A_106 = arith.constant 0 : i32
        %dma_wait3A_107 = tpu.memref_slice %run_scoped3A[%add3A_105, %dma_wait3A_106] : memref<40x128xi32, #tpu.memory_space<vmem>> -> memref<1x128xi32, #tpu.memory_space<vmem>>
        %dma_wait3A_108 = tpu.memref_squeeze %dma_wait3A_107 : memref<1x128xi32, #tpu.memory_space<vmem>> -> memref<128xi32, #tpu.memory_space<vmem>>
        %dma_wait3A_109 = arith.constant 0 : i32
        %dma_wait3A_110 = arith.constant 0 : i32
        %dma_wait3A_111 = tpu.memref_slice %arg2[%dma_wait3A_109, %dma_wait3A_110] : memref<10240x128xf32, #tpu.memory_space<hbm>> -> memref<10240x128xf32, #tpu.memory_space<hbm>>
        tpu.wait_indirect_dma semaphore(%arg9 : memref<!tpu.dma_semaphore, #tpu.memory_space<semaphore_mem>>) src(%dma_wait3A_111 : memref<10240x128xf32, #tpu.memory_space<hbm>>) dst(%run_scoped3A_5 : memref<128x128xf32, #tpu.memory_space<vmem>>)
        "tpu.region"() ({
          %run_scoped3A_112 = tpu.sem_alloc : memref<!tpu.dma_semaphore, #tpu.memory_space<semaphore_mem>>
          %dma_start3A_113 = arith.constant 0 : i32
          %dma_start3A_114 = tpu.memref_slice %run_scoped3A_3[%add3A_105, %dma_start3A_113] : memref<40x128xi32, #tpu.memory_space<vmem>> -> memref<1x128xi32, #tpu.memory_space<vmem>>
          %dma_start3A_115 = tpu.memref_squeeze %dma_start3A_114 : memref<1x128xi32, #tpu.memory_space<vmem>> -> memref<128xi32, #tpu.memory_space<vmem>>
          %dma_start3A_116 = arith.constant 0 : i32
          %dma_start3A_117 = arith.constant 0 : i32
          %dma_start3A_118 = tpu.memref_slice %arg7[%dma_start3A_116, %dma_start3A_117] : memref<10240x128xf32, #tpu.memory_space<vmem_shared>> -> memref<10240x128xf32, #tpu.memory_space<vmem_shared>>
          tpu.enqueue_indirect_dma source(%run_scoped3A_5 : memref<128x128xf32, #tpu.memory_space<vmem>>) target(%dma_start3A_118 : memref<10240x128xf32, #tpu.memory_space<vmem_shared>>) offsets(%dma_start3A_115 : memref<128xi32, #tpu.memory_space<vmem>>) semaphore(%run_scoped3A_112 : memref<!tpu.dma_semaphore, #tpu.memory_space<semaphore_mem>>) {add = true}
          %dma_wait3A_119 = arith.constant 0 : i32
          %dma_wait3A_120 = tpu.memref_slice %run_scoped3A_3[%add3A_105, %dma_wait3A_119] : memref<40x128xi32, #tpu.memory_space<vmem>> -> memref<1x128xi32, #tpu.memory_space<vmem>>
          %dma_wait3A_121 = tpu.memref_squeeze %dma_wait3A_120 : memref<1x128xi32, #tpu.memory_space<vmem>> -> memref<128xi32, #tpu.memory_space<vmem>>
          %dma_wait3A_122 = arith.constant 0 : i32
          %dma_wait3A_123 = arith.constant 0 : i32
          %dma_wait3A_124 = tpu.memref_slice %arg7[%dma_wait3A_122, %dma_wait3A_123] : memref<10240x128xf32, #tpu.memory_space<vmem_shared>> -> memref<10240x128xf32, #tpu.memory_space<vmem_shared>>
          tpu.wait_indirect_dma semaphore(%run_scoped3A_112 : memref<!tpu.dma_semaphore, #tpu.memory_space<semaphore_mem>>) src(%run_scoped3A_5 : memref<128x128xf32, #tpu.memory_space<vmem>>) dst(%dma_wait3A_124 : memref<10240x128xf32, #tpu.memory_space<vmem_shared>>)
          tpu.yield
        }) : () -> ()
      }
      %scan3A_22 = arith.constant 19 : i32
      %dma_start3A_23 = arith.constant 39 : i32
      %dma_start3A_24 = arith.constant 0 : i32
      %dma_start3A_25 = tpu.memref_slice %run_scoped3A[%dma_start3A_23, %dma_start3A_24] : memref<40x128xi32, #tpu.memory_space<vmem>> -> memref<1x128xi32, #tpu.memory_space<vmem>>
      %dma_start3A_26 = tpu.memref_squeeze %dma_start3A_25 : memref<1x128xi32, #tpu.memory_space<vmem>> -> memref<128xi32, #tpu.memory_space<vmem>>
      %dma_start3A_27 = arith.constant 0 : i32
      %dma_start3A_28 = arith.constant 0 : i32
      %dma_start3A_29 = tpu.memref_slice %arg2[%dma_start3A_27, %dma_start3A_28] : memref<10240x128xf32, #tpu.memory_space<hbm>> -> memref<10240x128xf32, #tpu.memory_space<hbm>>
      tpu.enqueue_indirect_dma source(%dma_start3A_29 : memref<10240x128xf32, #tpu.memory_space<hbm>>) target(%run_scoped3A_5 : memref<128x128xf32, #tpu.memory_space<vmem>>) offsets(%dma_start3A_26 : memref<128xi32, #tpu.memory_space<vmem>>) semaphore(%arg9 : memref<!tpu.dma_semaphore, #tpu.memory_space<semaphore_mem>>)
      %dma_wait3A = arith.constant 38 : i32
      %dma_wait3A_30 = arith.constant 0 : i32
      %dma_wait3A_31 = tpu.memref_slice %run_scoped3A[%dma_wait3A, %dma_wait3A_30] : memref<40x128xi32, #tpu.memory_space<vmem>> -> memref<1x128xi32, #tpu.memory_space<vmem>>
      %dma_wait3A_32 = tpu.memref_squeeze %dma_wait3A_31 : memref<1x128xi32, #tpu.memory_space<vmem>> -> memref<128xi32, #tpu.memory_space<vmem>>
      %dma_wait3A_33 = arith.constant 0 : i32
      %dma_wait3A_34 = arith.constant 0 : i32
      %dma_wait3A_35 = tpu.memref_slice %arg2[%dma_wait3A_33, %dma_wait3A_34] : memref<10240x128xf32, #tpu.memory_space<hbm>> -> memref<10240x128xf32, #tpu.memory_space<hbm>>
      tpu.wait_indirect_dma semaphore(%arg8 : memref<!tpu.dma_semaphore, #tpu.memory_space<semaphore_mem>>) src(%dma_wait3A_35 : memref<10240x128xf32, #tpu.memory_space<hbm>>) dst(%run_scoped3A_4 : memref<128x128xf32, #tpu.memory_space<vmem>>)
      %run_scoped3A_36 = arith.constant 38 : i32
      "tpu.region"() ({
        %run_scoped3A_73 = tpu.sem_alloc : memref<!tpu.dma_semaphore, #tpu.memory_space<semaphore_mem>>
        %dma_start3A_74 = arith.constant 0 : i32
        %dma_start3A_75 = tpu.memref_slice %run_scoped3A_3[%run_scoped3A_36, %dma_start3A_74] : memref<40x128xi32, #tpu.memory_space<vmem>> -> memref<1x128xi32, #tpu.memory_space<vmem>>
        %dma_start3A_76 = tpu.memref_squeeze %dma_start3A_75 : memref<1x128xi32, #tpu.memory_space<vmem>> -> memref<128xi32, #tpu.memory_space<vmem>>
        %dma_start3A_77 = arith.constant 0 : i32
        %dma_start3A_78 = arith.constant 0 : i32
        %dma_start3A_79 = tpu.memref_slice %arg7[%dma_start3A_77, %dma_start3A_78] : memref<10240x128xf32, #tpu.memory_space<vmem_shared>> -> memref<10240x128xf32, #tpu.memory_space<vmem_shared>>
        tpu.enqueue_indirect_dma source(%run_scoped3A_4 : memref<128x128xf32, #tpu.memory_space<vmem>>) target(%dma_start3A_79 : memref<10240x128xf32, #tpu.memory_space<vmem_shared>>) offsets(%dma_start3A_76 : memref<128xi32, #tpu.memory_space<vmem>>) semaphore(%run_scoped3A_73 : memref<!tpu.dma_semaphore, #tpu.memory_space<semaphore_mem>>) {add = true}
        %dma_wait3A_80 = arith.constant 0 : i32
        %dma_wait3A_81 = tpu.memref_slice %run_scoped3A_3[%run_scoped3A_36, %dma_wait3A_80] : memref<40x128xi32, #tpu.memory_space<vmem>> -> memref<1x128xi32, #tpu.memory_space<vmem>>
        %dma_wait3A_82 = tpu.memref_squeeze %dma_wait3A_81 : memref<1x128xi32, #tpu.memory_space<vmem>> -> memref<128xi32, #tpu.memory_space<vmem>>
        %dma_wait3A_83 = arith.constant 0 : i32
        %dma_wait3A_84 = arith.constant 0 : i32
        %dma_wait3A_85 = tpu.memref_slice %arg7[%dma_wait3A_83, %dma_wait3A_84] : memref<10240x128xf32, #tpu.memory_space<vmem_shared>> -> memref<10240x128xf32, #tpu.memory_space<vmem_shared>>
        tpu.wait_indirect_dma semaphore(%run_scoped3A_73 : memref<!tpu.dma_semaphore, #tpu.memory_space<semaphore_mem>>) src(%run_scoped3A_4 : memref<128x128xf32, #tpu.memory_space<vmem>>) dst(%dma_wait3A_85 : memref<10240x128xf32, #tpu.memory_space<vmem_shared>>)
        tpu.yield
      }) : () -> ()
      %dma_wait3A_37 = arith.constant 39 : i32
      %dma_wait3A_38 = arith.constant 0 : i32
      %dma_wait3A_39 = tpu.memref_slice %run_scoped3A[%dma_wait3A_37, %dma_wait3A_38] : memref<40x128xi32, #tpu.memory_space<vmem>> -> memref<1x128xi32, #tpu.memory_space<vmem>>
      %dma_wait3A_40 = tpu.memref_squeeze %dma_wait3A_39 : memref<1x128xi32, #tpu.memory_space<vmem>> -> memref<128xi32, #tpu.memory_space<vmem>>
      %dma_wait3A_41 = arith.constant 0 : i32
      %dma_wait3A_42 = arith.constant 0 : i32
      %dma_wait3A_43 = tpu.memref_slice %arg2[%dma_wait3A_41, %dma_wait3A_42] : memref<10240x128xf32, #tpu.memory_space<hbm>> -> memref<10240x128xf32, #tpu.memory_space<hbm>>
      tpu.wait_indirect_dma semaphore(%arg9 : memref<!tpu.dma_semaphore, #tpu.memory_space<semaphore_mem>>) src(%dma_wait3A_43 : memref<10240x128xf32, #tpu.memory_space<hbm>>) dst(%run_scoped3A_5 : memref<128x128xf32, #tpu.memory_space<vmem>>)
      %run_scoped3A_44 = arith.constant 39 : i32
      "tpu.region"() ({
        %run_scoped3A_73 = tpu.sem_alloc : memref<!tpu.dma_semaphore, #tpu.memory_space<semaphore_mem>>
        %dma_start3A_74 = arith.constant 0 : i32
        %dma_start3A_75 = tpu.memref_slice %run_scoped3A_3[%run_scoped3A_44, %dma_start3A_74] : memref<40x128xi32, #tpu.memory_space<vmem>> -> memref<1x128xi32, #tpu.memory_space<vmem>>
        %dma_start3A_76 = tpu.memref_squeeze %dma_start3A_75 : memref<1x128xi32, #tpu.memory_space<vmem>> -> memref<128xi32, #tpu.memory_space<vmem>>
        %dma_start3A_77 = arith.constant 0 : i32
        %dma_start3A_78 = arith.constant 0 : i32
        %dma_start3A_79 = tpu.memref_slice %arg7[%dma_start3A_77, %dma_start3A_78] : memref<10240x128xf32, #tpu.memory_space<vmem_shared>> -> memref<10240x128xf32, #tpu.memory_space<vmem_shared>>
        tpu.enqueue_indirect_dma source(%run_scoped3A_5 : memref<128x128xf32, #tpu.memory_space<vmem>>) target(%dma_start3A_79 : memref<10240x128xf32, #tpu.memory_space<vmem_shared>>) offsets(%dma_start3A_76 : memref<128xi32, #tpu.memory_space<vmem>>) semaphore(%run_scoped3A_73 : memref<!tpu.dma_semaphore, #tpu.memory_space<semaphore_mem>>) {add = true}
        %dma_wait3A_80 = arith.constant 0 : i32
        %dma_wait3A_81 = tpu.memref_slice %run_scoped3A_3[%run_scoped3A_44, %dma_wait3A_80] : memref<40x128xi32, #tpu.memory_space<vmem>> -> memref<1x128xi32, #tpu.memory_space<vmem>>
        %dma_wait3A_82 = tpu.memref_squeeze %dma_wait3A_81 : memref<1x128xi32, #tpu.memory_space<vmem>> -> memref<128xi32, #tpu.memory_space<vmem>>
        %dma_wait3A_83 = arith.constant 0 : i32
        %dma_wait3A_84 = arith.constant 0 : i32
        %dma_wait3A_85 = tpu.memref_slice %arg7[%dma_wait3A_83, %dma_wait3A_84] : memref<10240x128xf32, #tpu.memory_space<vmem_shared>> -> memref<10240x128xf32, #tpu.memory_space<vmem_shared>>
        tpu.wait_indirect_dma semaphore(%run_scoped3A_73 : memref<!tpu.dma_semaphore, #tpu.memory_space<semaphore_mem>>) src(%run_scoped3A_5 : memref<128x128xf32, #tpu.memory_space<vmem>>) dst(%dma_wait3A_85 : memref<10240x128xf32, #tpu.memory_space<vmem_shared>>)
        tpu.yield
      }) : () -> ()
      "tpu.region"() ({
        %run_scoped3A_73 = tpu.sem_alloc : memref<!tpu.dma_semaphore, #tpu.memory_space<semaphore_mem>>
        %dma_start3A_74 = arith.constant 0 : i32
        %dma_start3A_75 = arith.constant 0 : i32
        %dma_start3A_76 = tpu.memref_slice %run_scoped3A[%dma_start3A_74, %dma_start3A_75] : memref<40x128xi32, #tpu.memory_space<vmem>> -> memref<39x128xi32, #tpu.memory_space<vmem>>
        %dma_start3A_77 = arith.constant 40 : i32
        %dma_start3A_78 = arith.constant 0 : i32
        %dma_start3A_79 = tpu.memref_slice %arg3[%add3A, %dma_start3A_77, %dma_start3A_78] : memref<32x79x128xi32, #tpu.memory_space<hbm>> -> memref<1x39x128xi32, #tpu.memory_space<hbm>>
        %dma_start3A_80 = tpu.memref_squeeze %dma_start3A_79 : memref<1x39x128xi32, #tpu.memory_space<hbm>> -> memref<39x128xi32, #tpu.memory_space<hbm>>
        %dma_start3A_81 = arith.constant 0 : i32
        %dma_start3A_82 = arith.constant 0 : i32
        %dma_start3A_83 = tpu.memref_slice %run_scoped3A[%dma_start3A_81, %dma_start3A_82] : memref<40x128xi32, #tpu.memory_space<vmem>> -> memref<39x128xi32, #tpu.memory_space<vmem>>
        %dma_start3A_84 = arith.constant 40 : i32
        %dma_start3A_85 = arith.constant 0 : i32
        %dma_start3A_86 = tpu.memref_slice %arg3[%add3A, %dma_start3A_84, %dma_start3A_85] : memref<32x79x128xi32, #tpu.memory_space<hbm>> -> memref<1x39x128xi32, #tpu.memory_space<hbm>>
        %dma_start3A_87 = tpu.memref_squeeze %dma_start3A_86 : memref<1x39x128xi32, #tpu.memory_space<hbm>> -> memref<39x128xi32, #tpu.memory_space<hbm>>
        tpu.enqueue_dma source(%dma_start3A_87 : memref<39x128xi32, #tpu.memory_space<hbm>>) target(%dma_start3A_83 : memref<39x128xi32, #tpu.memory_space<vmem>>) target_semaphore(%run_scoped3A_73 : memref<!tpu.dma_semaphore, #tpu.memory_space<semaphore_mem>>)
        %dma_wait3A_88 = arith.constant 0 : i32
        %dma_wait3A_89 = arith.constant 0 : i32
        %dma_wait3A_90 = tpu.memref_slice %run_scoped3A[%dma_wait3A_88, %dma_wait3A_89] : memref<40x128xi32, #tpu.memory_space<vmem>> -> memref<39x128xi32, #tpu.memory_space<vmem>>
        %dma_wait3A_91 = arith.constant 40 : i32
        %dma_wait3A_92 = arith.constant 0 : i32
        %dma_wait3A_93 = tpu.memref_slice %arg3[%add3A, %dma_wait3A_91, %dma_wait3A_92] : memref<32x79x128xi32, #tpu.memory_space<hbm>> -> memref<1x39x128xi32, #tpu.memory_space<hbm>>
        %dma_wait3A_94 = tpu.memref_squeeze %dma_wait3A_93 : memref<1x39x128xi32, #tpu.memory_space<hbm>> -> memref<39x128xi32, #tpu.memory_space<hbm>>
        %dma_wait3A_95 = arith.constant 0 : i32
        %dma_wait3A_96 = arith.constant 0 : i32
        %dma_wait3A_97 = tpu.memref_slice %run_scoped3A[%dma_wait3A_95, %dma_wait3A_96] : memref<40x128xi32, #tpu.memory_space<vmem>> -> memref<39x128xi32, #tpu.memory_space<vmem>>
        %dma_wait3A_98 = arith.constant 40 : i32
        %dma_wait3A_99 = arith.constant 0 : i32
        %dma_wait3A_100 = tpu.memref_slice %arg3[%add3A, %dma_wait3A_98, %dma_wait3A_99] : memref<32x79x128xi32, #tpu.memory_space<hbm>> -> memref<1x39x128xi32, #tpu.memory_space<hbm>>
        %dma_wait3A_101 = tpu.memref_squeeze %dma_wait3A_100 : memref<1x39x128xi32, #tpu.memory_space<hbm>> -> memref<39x128xi32, #tpu.memory_space<hbm>>
        tpu.wait_dma2 semaphore(%run_scoped3A_73 : memref<!tpu.dma_semaphore, #tpu.memory_space<semaphore_mem>>) src(%dma_wait3A_101 : memref<39x128xi32, #tpu.memory_space<hbm>>) dst(%dma_wait3A_97 : memref<39x128xi32, #tpu.memory_space<vmem>>)
        tpu.yield
      }) : () -> ()
      "tpu.region"() ({
        %run_scoped3A_73 = tpu.sem_alloc : memref<!tpu.dma_semaphore, #tpu.memory_space<semaphore_mem>>
        %dma_start3A_74 = arith.constant 0 : i32
        %dma_start3A_75 = arith.constant 0 : i32
        %dma_start3A_76 = tpu.memref_slice %run_scoped3A_3[%dma_start3A_74, %dma_start3A_75] : memref<40x128xi32, #tpu.memory_space<vmem>> -> memref<39x128xi32, #tpu.memory_space<vmem>>
        %dma_start3A_77 = arith.constant 40 : i32
        %dma_start3A_78 = arith.constant 0 : i32
        %dma_start3A_79 = tpu.memref_slice %arg4[%add3A, %dma_start3A_77, %dma_start3A_78] : memref<32x79x128xi32, #tpu.memory_space<hbm>> -> memref<1x39x128xi32, #tpu.memory_space<hbm>>
        %dma_start3A_80 = tpu.memref_squeeze %dma_start3A_79 : memref<1x39x128xi32, #tpu.memory_space<hbm>> -> memref<39x128xi32, #tpu.memory_space<hbm>>
        %dma_start3A_81 = arith.constant 0 : i32
        %dma_start3A_82 = arith.constant 0 : i32
        %dma_start3A_83 = tpu.memref_slice %run_scoped3A_3[%dma_start3A_81, %dma_start3A_82] : memref<40x128xi32, #tpu.memory_space<vmem>> -> memref<39x128xi32, #tpu.memory_space<vmem>>
        %dma_start3A_84 = arith.constant 40 : i32
        %dma_start3A_85 = arith.constant 0 : i32
        %dma_start3A_86 = tpu.memref_slice %arg4[%add3A, %dma_start3A_84, %dma_start3A_85] : memref<32x79x128xi32, #tpu.memory_space<hbm>> -> memref<1x39x128xi32, #tpu.memory_space<hbm>>
        %dma_start3A_87 = tpu.memref_squeeze %dma_start3A_86 : memref<1x39x128xi32, #tpu.memory_space<hbm>> -> memref<39x128xi32, #tpu.memory_space<hbm>>
        tpu.enqueue_dma source(%dma_start3A_87 : memref<39x128xi32, #tpu.memory_space<hbm>>) target(%dma_start3A_83 : memref<39x128xi32, #tpu.memory_space<vmem>>) target_semaphore(%run_scoped3A_73 : memref<!tpu.dma_semaphore, #tpu.memory_space<semaphore_mem>>)
        %dma_wait3A_88 = arith.constant 0 : i32
        %dma_wait3A_89 = arith.constant 0 : i32
        %dma_wait3A_90 = tpu.memref_slice %run_scoped3A_3[%dma_wait3A_88, %dma_wait3A_89] : memref<40x128xi32, #tpu.memory_space<vmem>> -> memref<39x128xi32, #tpu.memory_space<vmem>>
        %dma_wait3A_91 = arith.constant 40 : i32
        %dma_wait3A_92 = arith.constant 0 : i32
        %dma_wait3A_93 = tpu.memref_slice %arg4[%add3A, %dma_wait3A_91, %dma_wait3A_92] : memref<32x79x128xi32, #tpu.memory_space<hbm>> -> memref<1x39x128xi32, #tpu.memory_space<hbm>>
        %dma_wait3A_94 = tpu.memref_squeeze %dma_wait3A_93 : memref<1x39x128xi32, #tpu.memory_space<hbm>> -> memref<39x128xi32, #tpu.memory_space<hbm>>
        %dma_wait3A_95 = arith.constant 0 : i32
        %dma_wait3A_96 = arith.constant 0 : i32
        %dma_wait3A_97 = tpu.memref_slice %run_scoped3A_3[%dma_wait3A_95, %dma_wait3A_96] : memref<40x128xi32, #tpu.memory_space<vmem>> -> memref<39x128xi32, #tpu.memory_space<vmem>>
        %dma_wait3A_98 = arith.constant 40 : i32
        %dma_wait3A_99 = arith.constant 0 : i32
        %dma_wait3A_100 = tpu.memref_slice %arg4[%add3A, %dma_wait3A_98, %dma_wait3A_99] : memref<32x79x128xi32, #tpu.memory_space<hbm>> -> memref<1x39x128xi32, #tpu.memory_space<hbm>>
        %dma_wait3A_101 = tpu.memref_squeeze %dma_wait3A_100 : memref<1x39x128xi32, #tpu.memory_space<hbm>> -> memref<39x128xi32, #tpu.memory_space<hbm>>
        tpu.wait_dma2 semaphore(%run_scoped3A_73 : memref<!tpu.dma_semaphore, #tpu.memory_space<semaphore_mem>>) src(%dma_wait3A_101 : memref<39x128xi32, #tpu.memory_space<hbm>>) dst(%dma_wait3A_97 : memref<39x128xi32, #tpu.memory_space<vmem>>)
        tpu.yield
      }) : () -> ()
      %dma_start3A_45 = arith.constant 0 : i32
      %dma_start3A_46 = arith.constant 0 : i32
      %dma_start3A_47 = tpu.memref_slice %run_scoped3A[%dma_start3A_45, %dma_start3A_46] : memref<40x128xi32, #tpu.memory_space<vmem>> -> memref<1x128xi32, #tpu.memory_space<vmem>>
      %dma_start3A_48 = tpu.memref_squeeze %dma_start3A_47 : memref<1x128xi32, #tpu.memory_space<vmem>> -> memref<128xi32, #tpu.memory_space<vmem>>
      %dma_start3A_49 = arith.constant 0 : i32
      %dma_start3A_50 = arith.constant 0 : i32
      %dma_start3A_51 = tpu.memref_slice %arg2[%dma_start3A_49, %dma_start3A_50] : memref<10240x128xf32, #tpu.memory_space<hbm>> -> memref<10240x128xf32, #tpu.memory_space<hbm>>
      tpu.enqueue_indirect_dma source(%dma_start3A_51 : memref<10240x128xf32, #tpu.memory_space<hbm>>) target(%run_scoped3A_4 : memref<128x128xf32, #tpu.memory_space<vmem>>) offsets(%dma_start3A_48 : memref<128xi32, #tpu.memory_space<vmem>>) semaphore(%arg8 : memref<!tpu.dma_semaphore, #tpu.memory_space<semaphore_mem>>)
      %scan3A_52 = arith.constant 0 : i32
      %scan3A_53 = arith.constant 0 : i32
      %scan3A_54 = arith.constant 19 : i32
      %scan3A_55 = arith.addi %scan3A_53, %scan3A_54 : i32
      %scan3A_56 = arith.constant 1 : i32
      scf.for %scan3A_73 = %scan3A_53 to %scan3A_55 step %scan3A_56  : i32 {
        %mul3A_74 = arith.constant 2 : i32
        %mul3A_75 = arith.muli %mul3A_74, %scan3A_73 : i32
        %add3A_76 = arith.constant 1 : i32
        %add3A_77 = arith.addi %mul3A_75, %add3A_76 : i32
        %dma_start3A_78 = arith.constant 0 : i32
        %dma_start3A_79 = tpu.memref_slice %run_scoped3A[%add3A_77, %dma_start3A_78] : memref<40x128xi32, #tpu.memory_space<vmem>> -> memref<1x128xi32, #tpu.memory_space<vmem>>
        %dma_start3A_80 = tpu.memref_squeeze %dma_start3A_79 : memref<1x128xi32, #tpu.memory_space<vmem>> -> memref<128xi32, #tpu.memory_space<vmem>>
        %dma_start3A_81 = arith.constant 0 : i32
        %dma_start3A_82 = arith.constant 0 : i32
        %dma_start3A_83 = tpu.memref_slice %arg2[%dma_start3A_81, %dma_start3A_82] : memref<10240x128xf32, #tpu.memory_space<hbm>> -> memref<10240x128xf32, #tpu.memory_space<hbm>>
        tpu.enqueue_indirect_dma source(%dma_start3A_83 : memref<10240x128xf32, #tpu.memory_space<hbm>>) target(%run_scoped3A_5 : memref<128x128xf32, #tpu.memory_space<vmem>>) offsets(%dma_start3A_80 : memref<128xi32, #tpu.memory_space<vmem>>) semaphore(%arg9 : memref<!tpu.dma_semaphore, #tpu.memory_space<semaphore_mem>>)
        %mul3A_84 = arith.constant 2 : i32
        %mul3A_85 = arith.muli %mul3A_84, %scan3A_73 : i32
        %dma_wait3A_86 = arith.constant 0 : i32
        %dma_wait3A_87 = tpu.memref_slice %run_scoped3A[%mul3A_85, %dma_wait3A_86] : memref<40x128xi32, #tpu.memory_space<vmem>> -> memref<1x128xi32, #tpu.memory_space<vmem>>
        %dma_wait3A_88 = tpu.memref_squeeze %dma_wait3A_87 : memref<1x128xi32, #tpu.memory_space<vmem>> -> memref<128xi32, #tpu.memory_space<vmem>>
        %dma_wait3A_89 = arith.constant 0 : i32
        %dma_wait3A_90 = arith.constant 0 : i32
        %dma_wait3A_91 = tpu.memref_slice %arg2[%dma_wait3A_89, %dma_wait3A_90] : memref<10240x128xf32, #tpu.memory_space<hbm>> -> memref<10240x128xf32, #tpu.memory_space<hbm>>
        tpu.wait_indirect_dma semaphore(%arg8 : memref<!tpu.dma_semaphore, #tpu.memory_space<semaphore_mem>>) src(%dma_wait3A_91 : memref<10240x128xf32, #tpu.memory_space<hbm>>) dst(%run_scoped3A_4 : memref<128x128xf32, #tpu.memory_space<vmem>>)
        "tpu.region"() ({
          %run_scoped3A_112 = tpu.sem_alloc : memref<!tpu.dma_semaphore, #tpu.memory_space<semaphore_mem>>
          %dma_start3A_113 = arith.constant 0 : i32
          %dma_start3A_114 = tpu.memref_slice %run_scoped3A_3[%mul3A_85, %dma_start3A_113] : memref<40x128xi32, #tpu.memory_space<vmem>> -> memref<1x128xi32, #tpu.memory_space<vmem>>
          %dma_start3A_115 = tpu.memref_squeeze %dma_start3A_114 : memref<1x128xi32, #tpu.memory_space<vmem>> -> memref<128xi32, #tpu.memory_space<vmem>>
          %dma_start3A_116 = arith.constant 0 : i32
          %dma_start3A_117 = arith.constant 0 : i32
          %dma_start3A_118 = tpu.memref_slice %arg7[%dma_start3A_116, %dma_start3A_117] : memref<10240x128xf32, #tpu.memory_space<vmem_shared>> -> memref<10240x128xf32, #tpu.memory_space<vmem_shared>>
          tpu.enqueue_indirect_dma source(%run_scoped3A_4 : memref<128x128xf32, #tpu.memory_space<vmem>>) target(%dma_start3A_118 : memref<10240x128xf32, #tpu.memory_space<vmem_shared>>) offsets(%dma_start3A_115 : memref<128xi32, #tpu.memory_space<vmem>>) semaphore(%run_scoped3A_112 : memref<!tpu.dma_semaphore, #tpu.memory_space<semaphore_mem>>) {add = true}
          %dma_wait3A_119 = arith.constant 0 : i32
          %dma_wait3A_120 = tpu.memref_slice %run_scoped3A_3[%mul3A_85, %dma_wait3A_119] : memref<40x128xi32, #tpu.memory_space<vmem>> -> memref<1x128xi32, #tpu.memory_space<vmem>>
          %dma_wait3A_121 = tpu.memref_squeeze %dma_wait3A_120 : memref<1x128xi32, #tpu.memory_space<vmem>> -> memref<128xi32, #tpu.memory_space<vmem>>
          %dma_wait3A_122 = arith.constant 0 : i32
          %dma_wait3A_123 = arith.constant 0 : i32
          %dma_wait3A_124 = tpu.memref_slice %arg7[%dma_wait3A_122, %dma_wait3A_123] : memref<10240x128xf32, #tpu.memory_space<vmem_shared>> -> memref<10240x128xf32, #tpu.memory_space<vmem_shared>>
          tpu.wait_indirect_dma semaphore(%run_scoped3A_112 : memref<!tpu.dma_semaphore, #tpu.memory_space<semaphore_mem>>) src(%run_scoped3A_4 : memref<128x128xf32, #tpu.memory_space<vmem>>) dst(%dma_wait3A_124 : memref<10240x128xf32, #tpu.memory_space<vmem_shared>>)
          tpu.yield
        }) : () -> ()
        %mul3A_92 = arith.constant 2 : i32
        %mul3A_93 = arith.muli %mul3A_92, %scan3A_73 : i32
        %add3A_94 = arith.constant 2 : i32
        %add3A_95 = arith.addi %mul3A_93, %add3A_94 : i32
        %dma_start3A_96 = arith.constant 0 : i32
        %dma_start3A_97 = tpu.memref_slice %run_scoped3A[%add3A_95, %dma_start3A_96] : memref<40x128xi32, #tpu.memory_space<vmem>> -> memref<1x128xi32, #tpu.memory_space<vmem>>
        %dma_start3A_98 = tpu.memref_squeeze %dma_start3A_97 : memref<1x128xi32, #tpu.memory_space<vmem>> -> memref<128xi32, #tpu.memory_space<vmem>>
        %dma_start3A_99 = arith.constant 0 : i32
        %dma_start3A_100 = arith.constant 0 : i32
        %dma_start3A_101 = tpu.memref_slice %arg2[%dma_start3A_99, %dma_start3A_100] : memref<10240x128xf32, #tpu.memory_space<hbm>> -> memref<10240x128xf32, #tpu.memory_space<hbm>>
        tpu.enqueue_indirect_dma source(%dma_start3A_101 : memref<10240x128xf32, #tpu.memory_space<hbm>>) target(%run_scoped3A_4 : memref<128x128xf32, #tpu.memory_space<vmem>>) offsets(%dma_start3A_98 : memref<128xi32, #tpu.memory_space<vmem>>) semaphore(%arg8 : memref<!tpu.dma_semaphore, #tpu.memory_space<semaphore_mem>>)
        %mul3A_102 = arith.constant 2 : i32
        %mul3A_103 = arith.muli %mul3A_102, %scan3A_73 : i32
        %add3A_104 = arith.constant 1 : i32
        %add3A_105 = arith.addi %mul3A_103, %add3A_104 : i32
        %dma_wait3A_106 = arith.constant 0 : i32
        %dma_wait3A_107 = tpu.memref_slice %run_scoped3A[%add3A_105, %dma_wait3A_106] : memref<40x128xi32, #tpu.memory_space<vmem>> -> memref<1x128xi32, #tpu.memory_space<vmem>>
        %dma_wait3A_108 = tpu.memref_squeeze %dma_wait3A_107 : memref<1x128xi32, #tpu.memory_space<vmem>> -> memref<128xi32, #tpu.memory_space<vmem>>
        %dma_wait3A_109 = arith.constant 0 : i32
        %dma_wait3A_110 = arith.constant 0 : i32
        %dma_wait3A_111 = tpu.memref_slice %arg2[%dma_wait3A_109, %dma_wait3A_110] : memref<10240x128xf32, #tpu.memory_space<hbm>> -> memref<10240x128xf32, #tpu.memory_space<hbm>>
        tpu.wait_indirect_dma semaphore(%arg9 : memref<!tpu.dma_semaphore, #tpu.memory_space<semaphore_mem>>) src(%dma_wait3A_111 : memref<10240x128xf32, #tpu.memory_space<hbm>>) dst(%run_scoped3A_5 : memref<128x128xf32, #tpu.memory_space<vmem>>)
        "tpu.region"() ({
          %run_scoped3A_112 = tpu.sem_alloc : memref<!tpu.dma_semaphore, #tpu.memory_space<semaphore_mem>>
          %dma_start3A_113 = arith.constant 0 : i32
          %dma_start3A_114 = tpu.memref_slice %run_scoped3A_3[%add3A_105, %dma_start3A_113] : memref<40x128xi32, #tpu.memory_space<vmem>> -> memref<1x128xi32, #tpu.memory_space<vmem>>
          %dma_start3A_115 = tpu.memref_squeeze %dma_start3A_114 : memref<1x128xi32, #tpu.memory_space<vmem>> -> memref<128xi32, #tpu.memory_space<vmem>>
          %dma_start3A_116 = arith.constant 0 : i32
          %dma_start3A_117 = arith.constant 0 : i32
          %dma_start3A_118 = tpu.memref_slice %arg7[%dma_start3A_116, %dma_start3A_117] : memref<10240x128xf32, #tpu.memory_space<vmem_shared>> -> memref<10240x128xf32, #tpu.memory_space<vmem_shared>>
          tpu.enqueue_indirect_dma source(%run_scoped3A_5 : memref<128x128xf32, #tpu.memory_space<vmem>>) target(%dma_start3A_118 : memref<10240x128xf32, #tpu.memory_space<vmem_shared>>) offsets(%dma_start3A_115 : memref<128xi32, #tpu.memory_space<vmem>>) semaphore(%run_scoped3A_112 : memref<!tpu.dma_semaphore, #tpu.memory_space<semaphore_mem>>) {add = true}
          %dma_wait3A_119 = arith.constant 0 : i32
          %dma_wait3A_120 = tpu.memref_slice %run_scoped3A_3[%add3A_105, %dma_wait3A_119] : memref<40x128xi32, #tpu.memory_space<vmem>> -> memref<1x128xi32, #tpu.memory_space<vmem>>
          %dma_wait3A_121 = tpu.memref_squeeze %dma_wait3A_120 : memref<1x128xi32, #tpu.memory_space<vmem>> -> memref<128xi32, #tpu.memory_space<vmem>>
          %dma_wait3A_122 = arith.constant 0 : i32
          %dma_wait3A_123 = arith.constant 0 : i32
          %dma_wait3A_124 = tpu.memref_slice %arg7[%dma_wait3A_122, %dma_wait3A_123] : memref<10240x128xf32, #tpu.memory_space<vmem_shared>> -> memref<10240x128xf32, #tpu.memory_space<vmem_shared>>
          tpu.wait_indirect_dma semaphore(%run_scoped3A_112 : memref<!tpu.dma_semaphore, #tpu.memory_space<semaphore_mem>>) src(%run_scoped3A_5 : memref<128x128xf32, #tpu.memory_space<vmem>>) dst(%dma_wait3A_124 : memref<10240x128xf32, #tpu.memory_space<vmem_shared>>)
          tpu.yield
        }) : () -> ()
      }
      %scan3A_57 = arith.constant 19 : i32
      %dma_wait3A_58 = arith.constant 38 : i32
      %dma_wait3A_59 = arith.constant 0 : i32
      %dma_wait3A_60 = tpu.memref_slice %run_scoped3A[%dma_wait3A_58, %dma_wait3A_59] : memref<40x128xi32, #tpu.memory_space<vmem>> -> memref<1x128xi32, #tpu.memory_space<vmem>>
      %dma_wait3A_61 = tpu.memref_squeeze %dma_wait3A_60 : memref<1x128xi32, #tpu.memory_space<vmem>> -> memref<128xi32, #tpu.memory_space<vmem>>
      %dma_wait3A_62 = arith.constant 0 : i32
      %dma_wait3A_63 = arith.constant 0 : i32
      %dma_wait3A_64 = tpu.memref_slice %arg2[%dma_wait3A_62, %dma_wait3A_63] : memref<10240x128xf32, #tpu.memory_space<hbm>> -> memref<10240x128xf32, #tpu.memory_space<hbm>>
      tpu.wait_indirect_dma semaphore(%arg8 : memref<!tpu.dma_semaphore, #tpu.memory_space<semaphore_mem>>) src(%dma_wait3A_64 : memref<10240x128xf32, #tpu.memory_space<hbm>>) dst(%run_scoped3A_4 : memref<128x128xf32, #tpu.memory_space<vmem>>)
      %run_scoped3A_65 = arith.constant 38 : i32
      "tpu.region"() ({
        %run_scoped3A_73 = tpu.sem_alloc : memref<!tpu.dma_semaphore, #tpu.memory_space<semaphore_mem>>
        %dma_start3A_74 = arith.constant 0 : i32
        %dma_start3A_75 = tpu.memref_slice %run_scoped3A_3[%run_scoped3A_65, %dma_start3A_74] : memref<40x128xi32, #tpu.memory_space<vmem>> -> memref<1x128xi32, #tpu.memory_space<vmem>>
        %dma_start3A_76 = tpu.memref_squeeze %dma_start3A_75 : memref<1x128xi32, #tpu.memory_space<vmem>> -> memref<128xi32, #tpu.memory_space<vmem>>
        %dma_start3A_77 = arith.constant 0 : i32
        %dma_start3A_78 = arith.constant 0 : i32
        %dma_start3A_79 = tpu.memref_slice %arg7[%dma_start3A_77, %dma_start3A_78] : memref<10240x128xf32, #tpu.memory_space<vmem_shared>> -> memref<10240x128xf32, #tpu.memory_space<vmem_shared>>
        tpu.enqueue_indirect_dma source(%run_scoped3A_4 : memref<128x128xf32, #tpu.memory_space<vmem>>) target(%dma_start3A_79 : memref<10240x128xf32, #tpu.memory_space<vmem_shared>>) offsets(%dma_start3A_76 : memref<128xi32, #tpu.memory_space<vmem>>) semaphore(%run_scoped3A_73 : memref<!tpu.dma_semaphore, #tpu.memory_space<semaphore_mem>>) {add = true}
        %dma_wait3A_80 = arith.constant 0 : i32
        %dma_wait3A_81 = tpu.memref_slice %run_scoped3A_3[%run_scoped3A_65, %dma_wait3A_80] : memref<40x128xi32, #tpu.memory_space<vmem>> -> memref<1x128xi32, #tpu.memory_space<vmem>>
        %dma_wait3A_82 = tpu.memref_squeeze %dma_wait3A_81 : memref<1x128xi32, #tpu.memory_space<vmem>> -> memref<128xi32, #tpu.memory_space<vmem>>
        %dma_wait3A_83 = arith.constant 0 : i32
        %dma_wait3A_84 = arith.constant 0 : i32
        %dma_wait3A_85 = tpu.memref_slice %arg7[%dma_wait3A_83, %dma_wait3A_84] : memref<10240x128xf32, #tpu.memory_space<vmem_shared>> -> memref<10240x128xf32, #tpu.memory_space<vmem_shared>>
        tpu.wait_indirect_dma semaphore(%run_scoped3A_73 : memref<!tpu.dma_semaphore, #tpu.memory_space<semaphore_mem>>) src(%run_scoped3A_4 : memref<128x128xf32, #tpu.memory_space<vmem>>) dst(%dma_wait3A_85 : memref<10240x128xf32, #tpu.memory_space<vmem_shared>>)
        tpu.yield
      }) : () -> ()
      %barrier3A_66 = arith.constant 0 : index
      tpu.barrier barrier_id(%barrier3A_66)
      %scan3A_67 = arith.constant 0 : i32
      %scan3A_68 = arith.constant 0 : i32
      %scan3A_69 = arith.constant 8 : i32
      %scan3A_70 = arith.addi %scan3A_68, %scan3A_69 : i32
      %scan3A_71 = arith.constant 1 : i32
      scf.for %scan3A_73 = %scan3A_68 to %scan3A_70 step %scan3A_71  : i32 {
        %mul3A_74 = arith.constant 80 : i32
        %mul3A_75 = arith.muli %scan3A_73, %mul3A_74 : i32
        %add3A_76 = arith.addi %mul3A_2, %mul3A_75 : i32
        "tpu.region"() ({
          %run_scoped3A_77 = tpu.sem_alloc : memref<!tpu.dma_semaphore, #tpu.memory_space<semaphore_mem>>
          %dma_start3A_78 = arith.constant 0 : i32
          %dma_start3A_79 = tpu.memref_slice %arg6[%arg0, %add3A_76, %dma_start3A_78] : memref<2x10240x128xf32, #tpu.memory_space<hbm>> -> memref<1x80x128xf32, #tpu.memory_space<hbm>>
          %dma_start3A_80 = tpu.memref_squeeze %dma_start3A_79 : memref<1x80x128xf32, #tpu.memory_space<hbm>> -> memref<80x128xf32, #tpu.memory_space<hbm>>
          %dma_start3A_81 = arith.constant 0 : i32
          %dma_start3A_82 = tpu.memref_slice %arg7[%add3A_76, %dma_start3A_81] : memref<10240x128xf32, #tpu.memory_space<vmem_shared>> -> memref<80x128xf32, #tpu.memory_space<vmem_shared>>
          tpu.enqueue_dma source(%dma_start3A_82 : memref<80x128xf32, #tpu.memory_space<vmem_shared>>) target(%dma_start3A_80 : memref<80x128xf32, #tpu.memory_space<hbm>>) target_semaphore(%run_scoped3A_77 : memref<!tpu.dma_semaphore, #tpu.memory_space<semaphore_mem>>)
          %dma_wait3A_83 = arith.constant 0 : i32
          %dma_wait3A_84 = tpu.memref_slice %arg6[%arg0, %add3A_76, %dma_wait3A_83] : memref<2x10240x128xf32, #tpu.memory_space<hbm>> -> memref<1x80x128xf32, #tpu.memory_space<hbm>>
          %dma_wait3A_85 = tpu.memref_squeeze %dma_wait3A_84 : memref<1x80x128xf32, #tpu.memory_space<hbm>> -> memref<80x128xf32, #tpu.memory_space<hbm>>
          %dma_wait3A_86 = arith.constant 0 : i32
          %dma_wait3A_87 = tpu.memref_slice %arg7[%add3A_76, %dma_wait3A_86] : memref<10240x128xf32, #tpu.memory_space<vmem_shared>> -> memref<80x128xf32, #tpu.memory_space<vmem_shared>>
          tpu.wait_dma2 semaphore(%run_scoped3A_77 : memref<!tpu.dma_semaphore, #tpu.memory_space<semaphore_mem>>) src(%dma_wait3A_87 : memref<80x128xf32, #tpu.memory_space<vmem_shared>>) dst(%dma_wait3A_85 : memref<80x128xf32, #tpu.memory_space<hbm>>)
          tpu.yield
        }) : () -> ()
      }
      %scan3A_72 = arith.constant 8 : i32
      tpu.yield
    }) : () -> ()
    return
  }
}

module attributes {stable_mosaic.version = 14 : i64} {
  func.func @body(%arg0: memref<2x10240x16xf32, #tpu.memory_space<vmem>>, %arg1: memref<10000x128xf32, #tpu.memory_space<vmem>>, %arg2: memref<128x128xf32, #tpu.memory_space<vmem>>, %arg3: memref<10240x1xf32, #tpu.memory_space<vmem>>, %arg4: memref<10240x128xf32, #tpu.memory_space<vmem>>) attributes {dimension_semantics = [], scalar_prefetch = 0 : i64, scratch_operands = 0 : i64, tpu.core_type = #tpu.core_type<tc>} {
    %get3A = arith.constant 0 : index
    %get3A_0 = arith.constant 0 : index
    %get3A_1 = arith.constant 0 : index
    %get3A_2 = vector.load %arg0[%get3A, %get3A_0, %get3A_1] : memref<2x10240x16xf32, #tpu.memory_space<vmem>>, vector<1x10240x16xf32>
    %get3A_3 = vector.shape_cast %get3A_2 : vector<1x10240x16xf32> to vector<10240x16xf32>
    %reduce_sum3A = arith.constant dense<0.000000e+00> : vector<10240xf32>
    %reduce_sum3A_4 = vector.multi_reduction <add>, %get3A_3, %reduce_sum3A [1] : vector<10240x16xf32> to vector<10240xf32>
    %broadcast_in_dim3A = vector.shape_cast %reduce_sum3A_4 : vector<10240xf32> to vector<10240x1xf32>
    %get3A_5 = arith.constant 1 : index
    %get3A_6 = arith.constant 0 : index
    %get3A_7 = arith.constant 0 : index
    %get3A_8 = vector.load %arg0[%get3A_5, %get3A_6, %get3A_7] : memref<2x10240x16xf32, #tpu.memory_space<vmem>>, vector<1x10240x16xf32>
    %get3A_9 = vector.shape_cast %get3A_8 : vector<1x10240x16xf32> to vector<10240x16xf32>
    %reduce_sum3A_10 = arith.constant dense<0.000000e+00> : vector<10240xf32>
    %reduce_sum3A_11 = vector.multi_reduction <add>, %get3A_9, %reduce_sum3A_10 [1] : vector<10240x16xf32> to vector<10240xf32>
    %broadcast_in_dim3A_12 = vector.shape_cast %reduce_sum3A_11 : vector<10240xf32> to vector<10240x1xf32>
    %add3A = arith.addf %broadcast_in_dim3A, %broadcast_in_dim3A_12 : vector<10240x1xf32>
    %mul3A = arith.constant 6.250000e-02 : f32
    %mul3A_13 = vector.broadcast %mul3A : f32 to vector<10240x1xf32>
    %mul3A_14 = arith.mulf %add3A, %mul3A_13 : vector<10240x1xf32>
    %add3A_15 = arith.constant 1.000000e+00 : f32
    %add3A_16 = vector.broadcast %add3A_15 : f32 to vector<10240x1xf32>
    %add3A_17 = arith.addf %mul3A_14, %add3A_16 : vector<10240x1xf32>
    %rsqrt3A = math.rsqrt %add3A_17 : vector<10240x1xf32>
    %swap3A = arith.constant 0 : index
    %swap3A_18 = arith.constant 0 : index
    %swap3A_19 = vector.load %arg3[%swap3A, %swap3A_18] : memref<10240x1xf32, #tpu.memory_space<vmem>>, vector<10240x1xf32>
    tpu.vector_store %arg3[%swap3A, %swap3A_18], %rsqrt3A {strides = array<i32>} : memref<10240x1xf32, #tpu.memory_space<vmem>>, vector<10240x1xf32>,
    %get3A_20 = arith.constant 0 : index
    %get3A_21 = arith.constant 0 : index
    %get3A_22 = vector.load %arg1[%get3A_20, %get3A_21] : memref<10000x128xf32, #tpu.memory_space<vmem>>, vector<10000x128xf32>
    %get3A_23 = arith.constant 0 : index
    %get3A_24 = arith.constant 0 : index
    %get3A_25 = vector.load %arg2[%get3A_23, %get3A_24] : memref<128x128xf32, #tpu.memory_space<vmem>>, vector<128x128xf32>
    %dot_general3A = arith.constant dense<0.000000e+00> : vector<10000x128xf32>
    %dot_general3A_26 = tpu.matmul %get3A_22, %get3A_25, %dot_general3A {dimension_numbers = #tpu.dot_dimension_numbers<[1], [0], [0], [1], [0, 0, 1, 1], [], []>, transpose_lhs_hint = false} : vector<10000x128xf32>, vector<128x128xf32>, vector<10000x128xf32> -> vector<10000x128xf32>
    %slice3A = vector.extract_strided_slice %rsqrt3A {offsets = [0, 0], sizes = [10000, 1], strides = [1, 1]} : vector<10240x1xf32> to vector<10000x1xf32>
    %mul3A_27 = vector.broadcast %slice3A : vector<10000x1xf32> to vector<10000x128xf32>
    %mul3A_28 = arith.mulf %mul3A_27, %dot_general3A_26 : vector<10000x128xf32>
    %swap3A_29 = arith.constant 0 : index
    %swap3A_30 = arith.constant 0 : index
    %swap3A_31 = vector.load %arg4[%swap3A_29, %swap3A_30] : memref<10240x128xf32, #tpu.memory_space<vmem>>, vector<10000x128xf32>
    tpu.vector_store %arg4[%swap3A_29, %swap3A_30], %mul3A_28 {strides = array<i32>} : memref<10240x128xf32, #tpu.memory_space<vmem>>, vector<10000x128xf32>,
    %broadcast_in_dim3A_32 = arith.constant 0.000000e+00 : f32
    %broadcast_in_dim3A_33 = vector.broadcast %broadcast_in_dim3A_32 : f32 to vector<240x128xf32>
    %swap3A_34 = arith.constant 10000 : index
    %swap3A_35 = arith.constant 0 : index
    %swap3A_36 = vector.load %arg4[%swap3A_34, %swap3A_35] : memref<10240x128xf32, #tpu.memory_space<vmem>>, vector<240x128xf32>
    tpu.vector_store %arg4[%swap3A_34, %swap3A_35], %broadcast_in_dim3A_33 {strides = array<i32>} : memref<10240x128xf32, #tpu.memory_space<vmem>>, vector<240x128xf32>,
    return
  }
}

module attributes {stable_mosaic.version = 14 : i64} {
  func.func @body(%arg0: memref<2x10240x128xf32, #tpu.memory_space<vmem>>, %arg1: memref<10240x1xf32, #tpu.memory_space<vmem>>, %arg2: memref<1x128xf32, #tpu.memory_space<vmem>>, %arg3: memref<128x128xf32, #tpu.memory_space<vmem>>, %arg4: memref<10240x128xf32, #tpu.memory_space<vmem>>) attributes {dimension_semantics = [], scalar_prefetch = 0 : i64, scratch_operands = 0 : i64, tpu.core_type = #tpu.core_type<tc>} {
    %get3A = arith.constant 0 : index
    %get3A_0 = arith.constant 0 : index
    %get3A_1 = vector.load %arg1[%get3A, %get3A_0] : memref<10240x1xf32, #tpu.memory_space<vmem>>, vector<10240x1xf32>
    %get3A_2 = arith.constant 0 : index
    %get3A_3 = arith.constant 0 : index
    %get3A_4 = arith.constant 0 : index
    %get3A_5 = vector.load %arg0[%get3A_2, %get3A_3, %get3A_4] : memref<2x10240x128xf32, #tpu.memory_space<vmem>>, vector<1x10240x128xf32>
    %get3A_6 = vector.shape_cast %get3A_5 : vector<1x10240x128xf32> to vector<10240x128xf32>
    %get3A_7 = arith.constant 1 : index
    %get3A_8 = arith.constant 0 : index
    %get3A_9 = arith.constant 0 : index
    %get3A_10 = vector.load %arg0[%get3A_7, %get3A_8, %get3A_9] : memref<2x10240x128xf32, #tpu.memory_space<vmem>>, vector<1x10240x128xf32>
    %get3A_11 = vector.shape_cast %get3A_10 : vector<1x10240x128xf32> to vector<10240x128xf32>
    %add3A = arith.addf %get3A_6, %get3A_11 : vector<10240x128xf32>
    %mul3A = vector.broadcast %get3A_1 : vector<10240x1xf32> to vector<10240x128xf32>
    %mul3A_12 = arith.mulf %mul3A, %add3A : vector<10240x128xf32>
    %get3A_13 = arith.constant 0 : index
    %get3A_14 = arith.constant 0 : index
    %get3A_15 = vector.load %arg2[%get3A_13, %get3A_14] : memref<1x128xf32, #tpu.memory_space<vmem>>, vector<1x128xf32>
    %add3A_16 = vector.broadcast %get3A_15 : vector<1x128xf32> to vector<10240x128xf32>
    %add3A_17 = arith.addf %mul3A_12, %add3A_16 : vector<10240x128xf32>
    %max3A = arith.constant 0.000000e+00 : f32
    %max3A_18 = vector.broadcast %max3A : f32 to vector<10240x128xf32>
    %max3A_19 = arith.maximumf %add3A_17, %max3A_18 : vector<10240x128xf32>
    %get3A_20 = arith.constant 0 : index
    %get3A_21 = arith.constant 0 : index
    %get3A_22 = vector.load %arg3[%get3A_20, %get3A_21] : memref<128x128xf32, #tpu.memory_space<vmem>>, vector<128x128xf32>
    %dot_general3A = arith.constant dense<0.000000e+00> : vector<10240x128xf32>
    %dot_general3A_23 = tpu.matmul %max3A_19, %get3A_22, %dot_general3A {dimension_numbers = #tpu.dot_dimension_numbers<[1], [0], [0], [1], [0, 0, 1, 1], [], []>, transpose_lhs_hint = false} : vector<10240x128xf32>, vector<128x128xf32>, vector<10240x128xf32> -> vector<10240x128xf32>
    %mul3A_24 = vector.broadcast %get3A_1 : vector<10240x1xf32> to vector<10240x128xf32>
    %mul3A_25 = arith.mulf %mul3A_24, %dot_general3A_23 : vector<10240x128xf32>
    %swap3A = arith.constant 0 : index
    %swap3A_26 = arith.constant 0 : index
    %swap3A_27 = vector.load %arg4[%swap3A, %swap3A_26] : memref<10240x128xf32, #tpu.memory_space<vmem>>, vector<10240x128xf32>
    tpu.vector_store %arg4[%swap3A, %swap3A_26], %mul3A_25 {strides = array<i32>} : memref<10240x128xf32, #tpu.memory_space<vmem>>, vector<10240x128xf32>,
    return
  }
}

module attributes {stable_mosaic.version = 14 : i64} {
  func.func @body(%arg0: memref<2x10240x128xf32, #tpu.memory_space<vmem>>, %arg1: memref<10240x1xf32, #tpu.memory_space<vmem>>, %arg2: memref<1x128xf32, #tpu.memory_space<vmem>>, %arg3: memref<10240x128xf32, #tpu.memory_space<vmem>>) attributes {dimension_semantics = [], scalar_prefetch = 0 : i64, scratch_operands = 0 : i64, tpu.core_type = #tpu.core_type<tc>} {
    %get3A = arith.constant 0 : index
    %get3A_0 = arith.constant 0 : index
    %get3A_1 = vector.load %arg1[%get3A, %get3A_0] : memref<10240x1xf32, #tpu.memory_space<vmem>>, vector<10240x1xf32>
    %get3A_2 = arith.constant 0 : index
    %get3A_3 = arith.constant 0 : index
    %get3A_4 = arith.constant 0 : index
    %get3A_5 = vector.load %arg0[%get3A_2, %get3A_3, %get3A_4] : memref<2x10240x128xf32, #tpu.memory_space<vmem>>, vector<1x10240x128xf32>
    %get3A_6 = vector.shape_cast %get3A_5 : vector<1x10240x128xf32> to vector<10240x128xf32>
    %get3A_7 = arith.constant 1 : index
    %get3A_8 = arith.constant 0 : index
    %get3A_9 = arith.constant 0 : index
    %get3A_10 = vector.load %arg0[%get3A_7, %get3A_8, %get3A_9] : memref<2x10240x128xf32, #tpu.memory_space<vmem>>, vector<1x10240x128xf32>
    %get3A_11 = vector.shape_cast %get3A_10 : vector<1x10240x128xf32> to vector<10240x128xf32>
    %add3A = arith.addf %get3A_6, %get3A_11 : vector<10240x128xf32>
    %mul3A = vector.broadcast %get3A_1 : vector<10240x1xf32> to vector<10240x128xf32>
    %mul3A_12 = arith.mulf %mul3A, %add3A : vector<10240x128xf32>
    %get3A_13 = arith.constant 0 : index
    %get3A_14 = arith.constant 0 : index
    %get3A_15 = vector.load %arg2[%get3A_13, %get3A_14] : memref<1x128xf32, #tpu.memory_space<vmem>>, vector<1x128xf32>
    %add3A_16 = vector.broadcast %get3A_15 : vector<1x128xf32> to vector<10240x128xf32>
    %add3A_17 = arith.addf %mul3A_12, %add3A_16 : vector<10240x128xf32>
    %swap3A = arith.constant 0 : index
    %swap3A_18 = arith.constant 0 : index
    %swap3A_19 = vector.load %arg3[%swap3A, %swap3A_18] : memref<10240x128xf32, #tpu.memory_space<vmem>>, vector<10240x128xf32>
    tpu.vector_store %arg3[%swap3A, %swap3A_18], %add3A_17 {strides = array<i32>} : memref<10240x128xf32, #tpu.memory_space<vmem>>, vector<10240x128xf32>,
    return
  }
}

</mosaic_0001>

<sc_bundles>
// kernel: kernel.10.cloned.1.call-start
scs
__scs_entry_jumppad:
0x0: {  	(pc) =	sbr.rel $0x88, $3  }
0x1: {  	(tag) =	ssettag $0x0;
	lr =	simm.s32 $0x1  }
0x2: {  	[smem:$0x3F99] =	sst lr;
	_ =	strace $0xD0000000  }
0x3: {  	_ = 	snop  }
0x4: {  	_ = 	snop  }
0x5: {  	_ = 	snop  }
0x6: {  	_ = 	snop  }
0x7: {  	_ = 	snop  }
__scs_overlays_trampoline_lowered:
0x8: {  	[smem:$0x3FA8] =	sst s0  }
0x9: {  	[smem:$0x3FA9] =	sst s1  }
0xa: {  	[smem:$0x3FAA] =	sst s2  }
0xb: {  	[smem:$0x3FAB] =	sst s3  }
0xc: {  	[smem:$0x3FAC] =	sst s4  }
0xd: {  	[smem:$0x3FAD] =	sst s5  }
0xe: {  	[smem:$0x3FAE] =	sst s6  }
0xf: {  	[smem:$0x3FAF] =	sst s7  }
0x10: {  	[smem:$0x3FB0] =	sst s8  }
0x11: {  	[smem:$0x3FB1] =	sst s9;
	s0 =	simm.s32 @!p0 $0x0  }
0x12: {  	s1 =	sld [smem:$0x3F97];
	s0 =	simm.s32 @p0 $0x1  }
0x13: {  	[smem:$0x3FB2] =	sst s0;
	s0 =	simm.s32 @!p1 $0x0  }
0x14: {  	s2 =	sld [smem:$0x3F96];
	s0 =	simm.s32 @p1 $0x1  }
0x15: {  	[smem:$0x3FB3] =	sst s0;
	s0 =	simm.s32 @!p2 $0x0  }
0x16: {  	s3 =	sld [smem:$0x3FDB];
	s0 =	simm.s32 @p2 $0x1  }
0x17: {  	s4 =	simm.s32 $0x1BF5;
	[smem:$0x3FB5] =	sst s0  }
0x18: {  	s0 =	sld [smem:$0x3F98];
	_ =	swait.ge [sflag:s4], $0x0  }
0x19: {  	s7 =	sld [smem:$0x3F99]  }
0x1a: {  	s8 =	sadd.s32 $0xFFFFE003, lr  }
0x1b: {  	s9 =	sadd.s32 $0xFFFFFEF7, lr;
	s5 =	simm.s32 $0xFFFFFFFF;
	p2 =	slt.u32 s8, $0xFFFFF086  }
0x1c: {  	p1 =	slt.u32 s9, $0xF7A;
	s5 =	simm.s32 @!p2 $0x0  }
0x1d: {  	s5 =	simm.s32 @p1 $0x1;
	p0 =	seq.s32 s7, s2  }
0x1e: {  	s7 =	smul.u32 @!p0 $0xF7A, s2;
	p2 =	seq.s32 @!p0 s5, $0x0  }
0x1f: {  	s9 =	smul.u32 $0xF7A, s1;
	s8 =	simm.s32 @!p0 $0x1BF5;
	p2 =	por !p2, p0  }
0x20: {  	[sflag:s8] =	ssyncset.s32 @!p0 $0xFFFFF086;
	s6 =	sadd.s32 @!p0 s3, s7;
	s7 =	simm.s32 @!p0 $0x108  }
0x21: {  	s3 =	sadd.s32 s3, s9;
	s6 =	sadd.s32 @!p0 $0x88, s6;
	s7 =	simm.s32 @p2 $0x1082  }
0x22: {  	[simem:s7], [sflag:s8] =	dma.local @!p0 [hbm:s6], $0xF7A  }
0x23: {  	s9 =	sor.u32 $0xD0000000, s2;
	s6 =	simm.s32 $0x108;
	_ =	swait.ge @!p0 [sflag:s8], $0x0  }
0x24: {  	s3 =	sadd.s32 $0x88, s3;
	s6 =	simm.s32 @!p1 $0x1082;
	[sflag:s4] =	ssyncset.s32 $0xFFFFF086  }
0x25: {  	[simem:s6], [sflag:s4] =	dma.local [hbm:s3], $0xF7A  }
0x26: {  	[smem:$0x3F99] =	sst s1;
	(tag) =	ssettag s2;
	_ =	strace s9  }
0x27: {  	s1 =	sld [smem:$0x3FA9]  }
0x28: {  	s2 =	sld [smem:$0x3FAA]  }
0x29: {  	s4 =	sld [smem:$0x3FAC]  }
0x2a: {  	p0 =	seq.s32 s5, $0x0;
	s5 =	sld [smem:$0x3FAD]  }
0x2b: {  	s6 =	sld [smem:$0x3FAE]  }
0x2c: {  	s7 =	sld [smem:$0x3FAF]  }
0x2d: {  	s3 =	simm.s32 $0x108;
	s8 =	sld [smem:$0x3FB0]  }
0x2e: {  	s3 =	simm.s32 @!p0 $0x1082;
	s9 =	sld [smem:$0x3FB1]  }
0x2f: {  	lr =	sadd.s32 s0, s3;
	s0 =	sld [smem:$0x3FA8]  }
0x30: {  	s3 =	sld [smem:$0x3FAB]  }
0x31: {  	[smem:$0x3FB4] =	sst s10  }
0x32: {  	s10 =	sld [smem:$0x3FB2];
	_ =	sdelay $0x3  }
0x33: {  	p0 =	seq.s32 s10, $0x1;
	s10 =	sld [smem:$0x3FB4];
	_ =	sdelay $0x3  }
0x34: {  	[smem:$0x3FB4] =	sst s10  }
0x35: {  	s10 =	sld [smem:$0x3FB3];
	_ =	sdelay $0x3  }
0x36: {  	p1 =	seq.s32 s10, $0x1;
	s10 =	sld [smem:$0x3FB4];
	_ =	sdelay $0x3  }
0x37: {  	[smem:$0x3FB4] =	sst s10  }
0x38: {  	s10 =	sld [smem:$0x3FB5]  }
0x39: {  	_ = 	snop;
	(pc) =	sbr.ind lr, $3  }
0x3a: {  	_ = 	snop  }
0x3b: {  	_ = 	snop  }
0x3c: {  	p2 =	seq.s32 s10, $0x1;
	s10 =	sld [smem:$0x3FB4]  }
0x3d: {  	_ =	shalt  }
0x3e: {  	_ =	shalt  }
0x3f: {  	_ =	shalt  }
0x40: {  	_ =	shalt  }
0x41: {  	_ =	shalt  }
0x42: {  	_ =	shalt  }
0x43: {  	_ =	shalt  }
0x44: {  	_ =	shalt  }
0x45: {  	_ =	shalt  }
0x46: {  	_ =	shalt  }
0x47: {  	_ =	shalt  }
0x48: {  	_ =	shalt  }
0x49: {  	_ =	shalt  }
0x4a: {  	_ =	shalt  }
0x4b: {  	_ =	shalt  }
0x4c: {  	_ =	shalt  }
0x4d: {  	_ =	shalt  }
0x4e: {  	_ =	shalt  }
0x4f: {  	_ =	shalt  }
0x50: {  	_ =	shalt  }
0x51: {  	_ =	shalt  }
0x52: {  	_ =	shalt  }
0x53: {  	_ =	shalt  }
0x54: {  	_ =	shalt  }
0x55: {  	_ =	shalt  }
0x56: {  	_ =	shalt  }
0x57: {  	_ =	shalt  }
0x58: {  	_ =	shalt  }
0x59: {  	_ =	shalt  }
0x5a: {  	_ =	shalt  }
0x5b: {  	_ =	shalt  }
0x5c: {  	_ =	shalt  }
0x5d: {  	_ =	shalt  }
0x5e: {  	_ =	shalt  }
0x5f: {  	_ =	shalt  }
0x60: {  	_ =	shalt  }
0x61: {  	_ =	shalt  }
0x62: {  	_ =	shalt  }
0x63: {  	_ =	shalt  }
0x64: {  	_ =	shalt  }
0x65: {  	_ =	shalt  }
0x66: {  	_ =	shalt  }
0x67: {  	_ =	shalt  }
0x68: {  	_ =	shalt  }
0x69: {  	_ =	shalt  }
0x6a: {  	_ =	shalt  }
0x6b: {  	_ =	shalt  }
0x6c: {  	_ =	shalt  }
0x6d: {  	_ =	shalt  }
0x6e: {  	_ =	shalt  }
0x6f: {  	_ =	shalt  }
0x70: {  	_ =	shalt  }
0x71: {  	_ =	shalt  }
0x72: {  	_ =	shalt  }
0x73: {  	_ =	shalt  }
0x74: {  	_ =	shalt  }
0x75: {  	_ =	shalt  }
0x76: {  	_ =	shalt  }
0x77: {  	_ =	shalt  }
0x78: {  	_ =	shalt  }
0x79: {  	_ =	shalt  }
0x7a: {  	_ =	shalt  }
0x7b: {  	_ =	shalt  }
0x7c: {  	_ =	shalt  }
0x7d: {  	_ =	shalt  }
0x7e: {  	_ =	shalt  }
0x7f: {  	_ =	shalt  }
0x80: {  	_ =	shalt  }
0x81: {  	_ =	shalt  }
0x82: {  	_ =	shalt  }
0x83: {  	_ =	shalt  }
0x84: {  	_ =	shalt  }
0x85: {  	_ =	shalt  }
0x86: {  	_ =	shalt  }
0x87: {  	_ =	shalt  }
.Lfunc_end0:
.L_simem_size_0:
called_computation_lowered:
.L_overlay_start_0:
0x88: {  	s2 =	sld [smem:$0x3FD9]  }
0x89: {  	s3 =	sld [smem:$0x3FFE];
	_ =	sdelay $0x1  }
0x8a: {  	s1 =	srdreg.scid  }
0x8b: {  	s0 =	sand.u32 $0x1, s1  }
0x8c: {  	s17 =	sshll.u32 s0, $0xA;
	s2 =	sadd.s32 s3, s2  }
0x8d: {  	s2 =	sadd.s32 s2, s17  }
0x8e: {  	[smem:$0x3FC0] =	sst s2  }
0x8f: {  	_ = 	snop  }
0x90: {  	s2 =	sld [smem:$0x3FD0];
	(tm) =	ssettm $0x1  }
0x91: {  	s18 =	sld [smem:$0x3FFB];
	_ =	sdelay $0x3  }
0x92: {  	_ =	strace s18  }
0x93: {  	s3 =	sld [smem:$0x3FFC];
	_ =	sdelay $0x3  }
0x94: {  	_ =	strace s3  }
0x95: {  	s3 =	sld [smem:$0x3FFD];
	_ =	sdelay $0x3  }
0x96: {  	_ =	strace s3  }
0x97: {  	_ =	strace $0x8FFFFFFF  }
0x98: {  	s19 =	sld [smem:$0x3FDB];
	_ =	sdelay $0x1  }
0x99: {  	s4 =	simm.s32 $_scs_section_size  }
0x9a: {  	s5 =	simm.s32 $_size__tile_overlayer_lowered;
	s6 =	simm.s32 $_tile_overlayer_lowered  }
0x9b: {  	s22 =	simm.s32 $0x1BFF;
	s21 =	sshll.u32 s6, $0x1;
	s3 =	sadd.s32 s4, s19  }
0x9c: {  	s7 =	simm.s32 $0x0;
	s20 =	sshll.u32 s5, $0x1;
	s5 =	sadd.s32 s21, s3  }
0x9d: {  	[timem:s7], [sflag:s22] =	dma.local [hbm:s5], s20  }
0x9e: {  	_ =	swait.ge [sflag:s22], s20  }
0x9f: {  	s4 =	ssub.s32 $0x0, s20;
	[sflag:s22] =	ssyncset.done $0x0  }
0xa0: {  	[sflag:s22] =	ssyncadd.s32 s4;
	_ =	sdelay $0x1  }
0xa1: {  	s23 =	simm.s32 $0x1B8B  }
0xa2: {  	_ =	swait.ge [sflag:s23], $0x1  }
0xa3: {  	[sflag:s23] =	ssyncset.done $0x0  }
0xa4: {  	s25 =	simm.s32 $0x1B8E;
	s24 =	sld [smem:$0x3FFE];
	[sflag:s23] =	ssyncadd.s32 $0xFFFFFFFF  }
0xa5: {  	s26 =	simm.s32 $execute0_lowered;
	[smem:$0x3FD2] =	sst s25  }
0xa6: {  	s5 =	sshll.u32 s26, $0x1;
	_ =	strace $0x80000046;
	[dreg:$0x1] =	wrdreg $0xFFFFFFFF  }
0xa7: {  	s28 =	simm.s32 $_size_execute0_lowered;
	s3 =	sadd.s32 s3, s5;
	[dreg:$0x0] =	wrdreg $0x0  }
0xa8: {  	s5 =	sshll.u32 s28, $0x1;
	[dreg:$0x2] =	wrdreg s3  }
0xa9: {  	[dreg:$0x3] =	wrdreg s5  }
0xaa: {  	[dreg:$0x4] =	wrdreg $0xC0  }
0xab: {  	_ =	task [dreg:s7], $0x5FFFF  }
0xac: {  	[dreg:$0x1] =	wrdreg $0xFFFFFFFF  }
0xad: {  	[dreg:$0x0] =	wrdreg $0x60  }
0xae: {  	[dreg:$0x2] =	wrdreg s2  }
0xaf: {  	[dreg:$0x3] =	wrdreg s24  }
0xb0: {  	[dreg:$0x4] =	wrdreg $0x68000  }
0xb1: {  	[dreg:$0x5] =	wrdreg $0x9  }
0xb2: {  	_ =	task.clear_ibuf [dreg:s7], $0x6FFFF;
	_ =	strace $0x90000046  }
0xb3: {  	s29 =	simm.s32 $0x9;
	_ =	strace $0x80000048  }
0xb4: {  	_ =	swait.ge [sflag:s29], $0x1  }
0xb5: {  	[sflag:s29] =	ssyncadd.s32 $0xFFFFFFFF  }
0xb6: {  	_ =	strace $0x90000048  }
0xb7: {  	_ =	sfence  }
0xb8: {  	s30 =	sld [smem:$0x0];
	_ =	sdelay $0x2  }
0xb9: {  	s31 =	sshll.u32 s1, $0xD;
	s1 =	sshrl.u32 s1, $0x2  }
0xba: {  	s3 =	sand.u32 $0x4000, s31;
	s1 =	sadd.s32 s1, s30  }
0xbb: {  	s0 =	sor.u32 s3, s0;
	s1 =	sshll.u32 s1, $0x11  }
0xbc: {  	s0 =	sor.u32 s1, s0  }
0xbd: {  	s0 =	sadd.s32 $0x8F2B, s0  }
0xbe: {  	[sflag:s0] =	ssyncadd.remote.s32 $0x1  }
0xbf: {  	_ =	sfence.sel $0xFFFF  }
0xc0: {  	[dreg:$0x0] =	wrdreg $0xFFFFFFFF;
	(pc) =	sbr.abs _section_cstart, $3  }
0xc1: {  	[dreg:$0x1] =	wrdreg $0xFFFFFFFF  }
0xc2: {  	_ =	task.clear_ibuf [dreg:s7], $0x2FFFF;
	_ =	strace $0x9FFFFFFF  }
0xc3: {  	(tm) =	ssettm $0x7FFFFFFF  }
tec
execute0_lowered:
.L_overlay_start_1:
0x0: {  	(tag) =	ssettag $0x1  }
0x1: {  	s5 =	rddreg [dreg:$0x0]  }
0x2: {  	s6 =	rddreg [dreg:$0x1]  }
0x3: {  	s2 =	rddreg [dreg:$0x2]  }
0x4: {  	s0 =	stileid.u32;
	s4 =	srdreg.scid  }
0x5: {  	s1 =	rddreg [dreg:$0x3];
	s3 =	simm.s32 $0x0;
	s13 =	simm.s32 $0x80  }
0x6: {  	s14 =	simm.s32 $0x0;
	s7 =	smul.u32 $0x14000, s0;
	s8 =	sand.u32 $0x1, s4  }
0x7: {  	[smem:$0x7FF] =	sst s3;
	s4 =	sadd.s32 $0x2C00, s6;
	s28 =	smul.u32 $0x50000, s0  }
0x8: {  	s26 =	sshll.u32 s0, $0x1;
	s31 =	sshll.u32 s0, $0x6;
	s9 =	smul.u32 $0x140000, s8  }
0x9: {  	_ =	strace $0x80000047;
	s11 =	ssub.s32 $0x2, s8;
	s8 =	sor.u32 s8, s26  }
0xa: {  	s25 =	sshrl.u32 s7, $0x3;
	s12 =	sshrl.u32 s11, $0x1;
	s8 =	smul.u32 $0x500, s8  }
0xb: {  	s29 =	sshrl.u32 s28, $0x2;
	s10 =	sadd.s32 s25, s6;
	s7 =	sadd.s32 s7, s9  }
0xc: {  	s11 =	ssub.s32 s11, s12;
	s30 =	sadd.s32 s29, s2;
	s9 =	simm.s32 $0x1  }
0xd: {  	s7 =	sshrl.u32 s7, $0x3;
	s5 =	sadd.s32 s5, s8;
	s8 =	smax.u32 s11, $0x1  }
0xe: {  	s11 =	sor.u32 $0x1C01, s31;
	s12 =	sshrl.u32 s30, $0x3;
	s7 =	sadd.s32 s7, s6  }
0xf: {  	s6 =	sadd.s32 $0x3400, s10;
	s10 =	simm.s32 $0x2800;
	s7 =	sadd.s32 $0x2B400, s7  }
.LBB2_1:
0x10: {  	[tilespmem:s3], [sflag:$0x1] =	stream.linear.gather [hbm4b:s5+s3], $0x2780, $0x38;
	[tilespmem:$0x9000] =	vst v63  }
0x11: {  	_ =	swait.ge [sflag:s9], $0x2780  }
0x12: {  	[sflag:s9] =	ssyncset.done $0x0  }
0x13: {  	[sflag:s9] =	ssyncadd.s32 $0xFFFFD880  }
0x14: {  	[tilespmem:s10], [sflag:$0x1] =	stream.linear.gather [hbm4b:s4+s3], $0x4000, $0x38;
	[tilespmem:$0x9000] =	vst v63  }
0x15: {  	_ =	swait.ge [sflag:s9], $0x4000  }
0x16: {  	[sflag:s9] =	ssyncset.done $0x0  }
0x17: {  	[sflag:s9] =	ssyncadd.s32 $0xFFFFC000  }
0x18: {  	[spmem:s12], [sflag:s11] =	dma.local [hbm:s6], $0x2800  }
0x19: {  	_ =	swait.ge [sflag:s9], $0x2800  }
0x1a: {  	[sflag:s9] =	ssyncset.done $0x0  }
0x1b: {  	[sflag:s9] =	ssyncadd.s32 $0xFFFFD800  }
0x1c: {  	s15 =	simm.s32 $0x0;
	[bflag:$0x0] =	sbarrier.arrive $0xFFFF  }
0x1d: {  	[spmem:s2] =	stream.indirect.scatter.add.f32 [tilespmem:s10], [sflag:$0x1], $0x10, s15, s13, $0xb8;
	[tilespmem:$0x9000] =	vst v63  }
0x1e: {  	_ =	swait.ge [sflag:s9], $0x800  }
0x1f: {  	s15 =	simm.s32 $0x200;
	[sflag:s9] =	ssyncset.done $0x0  }
.LBB2_2:
0x20: {  	s16 =	sshra.s32 s15, $0x2;
	[sflag:s9] =	ssyncadd.s32 $0xFFFFF800;
	p0 =	sne.s32 s15, $0x9C00  }
0x21: {  	[spmem:s2] =	stream.indirect.scatter.add.f32 [tilespmem:s10], [sflag:$0x1], $0x10, s16, s13, $0xb8;
	[tilespmem:$0x9000] =	vst v63  }
.Ltmp0:
0x22: {  	_ = 	snop;
	(pc) =	sbr.rel @p0 .LBB2_2-.Ltmp0, $4  }
0x23: {  	_ = 	snop  }
0x24: {  	s15 =	sadd.s32 $0x200, s15  }
0x25: {  	_ =	swait.ge [sflag:s9], $0x800  }
0x26: {  	[sflag:s9] =	ssyncset.done $0x0  }
0x27: {  	s14 =	sadd.s32 $0x1, s14  }
0x28: {  	[sflag:s9] =	ssyncadd.s32 $0xFFFFF800;
	p0 =	sne.s32 s14, s8  }
.Ltmp1:
0x29: {  	[bflag:$0x0] =	sbarrier.arrive $0xFFFF;
	(pc) =	sbr.rel @p0 .LBB2_1-.Ltmp1, $4  }
0x2a: {  	[hbm:s7], [sflag:s11] =	dma.local [spmem:s12], $0x2800  }
0x2b: {  	_ =	swait.ge [sflag:s9], $0x2800  }
0x2c: {  	[sflag:s9] =	ssyncset.done $0x0  }
0x2d: {  	[sflag:s9] =	ssyncadd.s32 $0xFFFFD800  }
0x2e: {  	_ =	sfence.sel $0x180000  }
0x2f: {  	[bflag:$0x0] =	sbarrier.arrive $0xFFFF  }
0x30: {  	p0 =	sne.s32 s0, $0x0;
	_ =	strace $0x90000047  }
0x31: {  	s0 =	sadd.s32 @!p0 $0x100000, s1;
	[bflag:$0x2] =	sbarrier.arrive $0xFFFF  }
0x32: {  	[sflag:s0] =	ssyncadd.tile.s32 @!p0 $0x1;
	_ =	shalt  }
.Lfunc_end2:
_tile_overlayer_lowered:
.L_overlay_start_2:
0x33: {  	(tag) =	ssettag $0x2  }
0x34: {  	s0 =	rddreg [dreg:$0x0];
	s2 =	stileid.u32  }
0x35: {  	s1 =	rddreg [dreg:$0x1];
	p0 =	sne.s32 s2, $0x0  }
0x36: {  	s3 =	rddreg [dreg:$0x2];
	[bflag:$0x3] =	sbarrier.arrive $0xFFFF;
	s2 =	simm.s32 @!p0 $0x1C01  }
0x37: {  	[timem:s3], [sflag:s2] =	dma.local @!p0 [hbm:s0], s1  }
0x38: {  	s0 =	simm.s32 @!p0 $0x1  }
0x39: {  	_ =	swait.ge @!p0 [sflag:s0], s1  }
0x3a: {  	s1 =	ssub.s32 @!p0 $0x0, s1;
	[sflag:s0] =	ssyncset.done @!p0 $0x0  }
0x3b: {  	[sflag:s0] =	ssyncadd.s32 @!p0 s1  }
0x3c: {  	[bflag:$0x3] =	sbarrier.arrive $0xFFFF  }
0x3d: {  	_ =	shalt  }

// kernel: kernel.13.cloned.1.call-start
scs
__scs_entry_jumppad:
0x0: {  	(pc) =	sbr.rel $0x88, $3  }
0x1: {  	(tag) =	ssettag $0x0;
	lr =	simm.s32 $0x1  }
0x2: {  	[smem:$0x3F99] =	sst lr;
	_ =	strace $0xD0000000  }
0x3: {  	_ = 	snop  }
0x4: {  	_ = 	snop  }
0x5: {  	_ = 	snop  }
0x6: {  	_ = 	snop  }
0x7: {  	_ = 	snop  }
__scs_overlays_trampoline_lowered:
0x8: {  	[smem:$0x3FA8] =	sst s0  }
0x9: {  	[smem:$0x3FA9] =	sst s1  }
0xa: {  	[smem:$0x3FAA] =	sst s2  }
0xb: {  	[smem:$0x3FAB] =	sst s3  }
0xc: {  	[smem:$0x3FAC] =	sst s4  }
0xd: {  	[smem:$0x3FAD] =	sst s5  }
0xe: {  	[smem:$0x3FAE] =	sst s6  }
0xf: {  	[smem:$0x3FAF] =	sst s7  }
0x10: {  	[smem:$0x3FB0] =	sst s8  }
0x11: {  	[smem:$0x3FB1] =	sst s9;
	s0 =	simm.s32 @!p0 $0x0  }
0x12: {  	s1 =	sld [smem:$0x3F97];
	s0 =	simm.s32 @p0 $0x1  }
0x13: {  	[smem:$0x3FB2] =	sst s0;
	s0 =	simm.s32 @!p1 $0x0  }
0x14: {  	s2 =	sld [smem:$0x3F96];
	s0 =	simm.s32 @p1 $0x1  }
0x15: {  	[smem:$0x3FB3] =	sst s0;
	s0 =	simm.s32 @!p2 $0x0  }
0x16: {  	s3 =	sld [smem:$0x3FDB];
	s0 =	simm.s32 @p2 $0x1  }
0x17: {  	s4 =	simm.s32 $0x1BF5;
	[smem:$0x3FB5] =	sst s0  }
0x18: {  	s0 =	sld [smem:$0x3F98];
	_ =	swait.ge [sflag:s4], $0x0  }
0x19: {  	s7 =	sld [smem:$0x3F99]  }
0x1a: {  	s8 =	sadd.s32 $0xFFFFE003, lr  }
0x1b: {  	s9 =	sadd.s32 $0xFFFFFEF7, lr;
	s5 =	simm.s32 $0xFFFFFFFF;
	p2 =	slt.u32 s8, $0xFFFFF086  }
0x1c: {  	p1 =	slt.u32 s9, $0xF7A;
	s5 =	simm.s32 @!p2 $0x0  }
0x1d: {  	s5 =	simm.s32 @p1 $0x1;
	p0 =	seq.s32 s7, s2  }
0x1e: {  	s7 =	smul.u32 @!p0 $0xF7A, s2;
	p2 =	seq.s32 @!p0 s5, $0x0  }
0x1f: {  	s9 =	smul.u32 $0xF7A, s1;
	s8 =	simm.s32 @!p0 $0x1BF5;
	p2 =	por !p2, p0  }
0x20: {  	[sflag:s8] =	ssyncset.s32 @!p0 $0xFFFFF086;
	s6 =	sadd.s32 @!p0 s3, s7;
	s7 =	simm.s32 @!p0 $0x108  }
0x21: {  	s3 =	sadd.s32 s3, s9;
	s6 =	sadd.s32 @!p0 $0x88, s6;
	s7 =	simm.s32 @p2 $0x1082  }
0x22: {  	[simem:s7], [sflag:s8] =	dma.local @!p0 [hbm:s6], $0xF7A  }
0x23: {  	s9 =	sor.u32 $0xD0000000, s2;
	s6 =	simm.s32 $0x108;
	_ =	swait.ge @!p0 [sflag:s8], $0x0  }
0x24: {  	s3 =	sadd.s32 $0x88, s3;
	s6 =	simm.s32 @!p1 $0x1082;
	[sflag:s4] =	ssyncset.s32 $0xFFFFF086  }
0x25: {  	[simem:s6], [sflag:s4] =	dma.local [hbm:s3], $0xF7A  }
0x26: {  	[smem:$0x3F99] =	sst s1;
	(tag) =	ssettag s2;
	_ =	strace s9  }
0x27: {  	s1 =	sld [smem:$0x3FA9]  }
0x28: {  	s2 =	sld [smem:$0x3FAA]  }
0x29: {  	s4 =	sld [smem:$0x3FAC]  }
0x2a: {  	p0 =	seq.s32 s5, $0x0;
	s5 =	sld [smem:$0x3FAD]  }
0x2b: {  	s6 =	sld [smem:$0x3FAE]  }
0x2c: {  	s7 =	sld [smem:$0x3FAF]  }
0x2d: {  	s3 =	simm.s32 $0x108;
	s8 =	sld [smem:$0x3FB0]  }
0x2e: {  	s3 =	simm.s32 @!p0 $0x1082;
	s9 =	sld [smem:$0x3FB1]  }
0x2f: {  	lr =	sadd.s32 s0, s3;
	s0 =	sld [smem:$0x3FA8]  }
0x30: {  	s3 =	sld [smem:$0x3FAB]  }
0x31: {  	[smem:$0x3FB4] =	sst s10  }
0x32: {  	s10 =	sld [smem:$0x3FB2];
	_ =	sdelay $0x3  }
0x33: {  	p0 =	seq.s32 s10, $0x1;
	s10 =	sld [smem:$0x3FB4];
	_ =	sdelay $0x3  }
0x34: {  	[smem:$0x3FB4] =	sst s10  }
0x35: {  	s10 =	sld [smem:$0x3FB3];
	_ =	sdelay $0x3  }
0x36: {  	p1 =	seq.s32 s10, $0x1;
	s10 =	sld [smem:$0x3FB4];
	_ =	sdelay $0x3  }
0x37: {  	[smem:$0x3FB4] =	sst s10  }
0x38: {  	s10 =	sld [smem:$0x3FB5]  }
0x39: {  	_ = 	snop;
	(pc) =	sbr.ind lr, $3  }
0x3a: {  	_ = 	snop  }
0x3b: {  	_ = 	snop  }
0x3c: {  	p2 =	seq.s32 s10, $0x1;
	s10 =	sld [smem:$0x3FB4]  }
0x3d: {  	_ =	shalt  }
0x3e: {  	_ =	shalt  }
0x3f: {  	_ =	shalt  }
0x40: {  	_ =	shalt  }
0x41: {  	_ =	shalt  }
0x42: {  	_ =	shalt  }
0x43: {  	_ =	shalt  }
0x44: {  	_ =	shalt  }
0x45: {  	_ =	shalt  }
0x46: {  	_ =	shalt  }
0x47: {  	_ =	shalt  }
0x48: {  	_ =	shalt  }
0x49: {  	_ =	shalt  }
0x4a: {  	_ =	shalt  }
0x4b: {  	_ =	shalt  }
0x4c: {  	_ =	shalt  }
0x4d: {  	_ =	shalt  }
0x4e: {  	_ =	shalt  }
0x4f: {  	_ =	shalt  }
0x50: {  	_ =	shalt  }
0x51: {  	_ =	shalt  }
0x52: {  	_ =	shalt  }
0x53: {  	_ =	shalt  }
0x54: {  	_ =	shalt  }
0x55: {  	_ =	shalt  }
0x56: {  	_ =	shalt  }
0x57: {  	_ =	shalt  }
0x58: {  	_ =	shalt  }
0x59: {  	_ =	shalt  }
0x5a: {  	_ =	shalt  }
0x5b: {  	_ =	shalt  }
0x5c: {  	_ =	shalt  }
0x5d: {  	_ =	shalt  }
0x5e: {  	_ =	shalt  }
0x5f: {  	_ =	shalt  }
0x60: {  	_ =	shalt  }
0x61: {  	_ =	shalt  }
0x62: {  	_ =	shalt  }
0x63: {  	_ =	shalt  }
0x64: {  	_ =	shalt  }
0x65: {  	_ =	shalt  }
0x66: {  	_ =	shalt  }
0x67: {  	_ =	shalt  }
0x68: {  	_ =	shalt  }
0x69: {  	_ =	shalt  }
0x6a: {  	_ =	shalt  }
0x6b: {  	_ =	shalt  }
0x6c: {  	_ =	shalt  }
0x6d: {  	_ =	shalt  }
0x6e: {  	_ =	shalt  }
0x6f: {  	_ =	shalt  }
0x70: {  	_ =	shalt  }
0x71: {  	_ =	shalt  }
0x72: {  	_ =	shalt  }
0x73: {  	_ =	shalt  }
0x74: {  	_ =	shalt  }
0x75: {  	_ =	shalt  }
0x76: {  	_ =	shalt  }
0x77: {  	_ =	shalt  }
0x78: {  	_ =	shalt  }
0x79: {  	_ =	shalt  }
0x7a: {  	_ =	shalt  }
0x7b: {  	_ =	shalt  }
0x7c: {  	_ =	shalt  }
0x7d: {  	_ =	shalt  }
0x7e: {  	_ =	shalt  }
0x7f: {  	_ =	shalt  }
0x80: {  	_ =	shalt  }
0x81: {  	_ =	shalt  }
0x82: {  	_ =	shalt  }
0x83: {  	_ =	shalt  }
0x84: {  	_ =	shalt  }
0x85: {  	_ =	shalt  }
0x86: {  	_ =	shalt  }
0x87: {  	_ =	shalt  }
.Lfunc_end0:
.L_simem_size_0:
called_computation.1_lowered:
.L_overlay_start_0:
0x88: {  	s2 =	sld [smem:$0x3FD9]  }
0x89: {  	s3 =	sld [smem:$0x3FFE];
	_ =	sdelay $0x1  }
0x8a: {  	s1 =	srdreg.scid  }
0x8b: {  	s0 =	sand.u32 $0x1, s1  }
0x8c: {  	s17 =	sshll.u32 s0, $0xA;
	s2 =	sadd.s32 s3, s2  }
0x8d: {  	s2 =	sadd.s32 s2, s17  }
0x8e: {  	[smem:$0x3FC0] =	sst s2  }
0x8f: {  	_ = 	snop  }
0x90: {  	s2 =	sld [smem:$0x3FD0];
	(tm) =	ssettm $0x1  }
0x91: {  	s18 =	sld [smem:$0x3FFB];
	_ =	sdelay $0x3  }
0x92: {  	_ =	strace s18  }
0x93: {  	s3 =	sld [smem:$0x3FFC];
	_ =	sdelay $0x3  }
0x94: {  	_ =	strace s3  }
0x95: {  	s3 =	sld [smem:$0x3FFD];
	_ =	sdelay $0x3  }
0x96: {  	_ =	strace s3  }
0x97: {  	_ =	strace $0x8FFFFFFF  }
0x98: {  	s19 =	sld [smem:$0x3FDB];
	_ =	sdelay $0x1  }
0x99: {  	s4 =	simm.s32 $_scs_section_size  }
0x9a: {  	s5 =	simm.s32 $_size__tile_overlayer_lowered;
	s6 =	simm.s32 $_tile_overlayer_lowered  }
0x9b: {  	s22 =	simm.s32 $0x1BFF;
	s21 =	sshll.u32 s6, $0x1;
	s3 =	sadd.s32 s4, s19  }
0x9c: {  	s7 =	simm.s32 $0x0;
	s20 =	sshll.u32 s5, $0x1;
	s5 =	sadd.s32 s21, s3  }
0x9d: {  	[timem:s7], [sflag:s22] =	dma.local [hbm:s5], s20  }
0x9e: {  	_ =	swait.ge [sflag:s22], s20  }
0x9f: {  	s4 =	ssub.s32 $0x0, s20;
	[sflag:s22] =	ssyncset.done $0x0  }
0xa0: {  	[sflag:s22] =	ssyncadd.s32 s4;
	_ =	sdelay $0x1  }
0xa1: {  	s23 =	simm.s32 $0x1B8B  }
0xa2: {  	_ =	swait.ge [sflag:s23], $0x1  }
0xa3: {  	[sflag:s23] =	ssyncset.done $0x0  }
0xa4: {  	s25 =	simm.s32 $0x1B8E;
	s24 =	sld [smem:$0x3FFE];
	[sflag:s23] =	ssyncadd.s32 $0xFFFFFFFF  }
0xa5: {  	s26 =	simm.s32 $execute0_lowered;
	[smem:$0x3FD2] =	sst s25  }
0xa6: {  	s5 =	sshll.u32 s26, $0x1;
	_ =	strace $0x80000049;
	[dreg:$0x1] =	wrdreg $0xFFFFFFFF  }
0xa7: {  	s28 =	simm.s32 $_size_execute0_lowered;
	s3 =	sadd.s32 s3, s5;
	[dreg:$0x0] =	wrdreg $0x0  }
0xa8: {  	s5 =	sshll.u32 s28, $0x1;
	[dreg:$0x2] =	wrdreg s3  }
0xa9: {  	[dreg:$0x3] =	wrdreg s5  }
0xaa: {  	[dreg:$0x4] =	wrdreg $0xC0  }
0xab: {  	_ =	task [dreg:s7], $0x5FFFF  }
0xac: {  	[dreg:$0x1] =	wrdreg $0xFFFFFFFF  }
0xad: {  	[dreg:$0x0] =	wrdreg $0x60  }
0xae: {  	[dreg:$0x2] =	wrdreg s24  }
0xaf: {  	[dreg:$0x3] =	wrdreg s2  }
0xb0: {  	[dreg:$0x4] =	wrdreg $0x0  }
0xb1: {  	[dreg:$0x5] =	wrdreg $0x9  }
0xb2: {  	_ =	task.clear_ibuf [dreg:s7], $0x6FFFF;
	_ =	strace $0x90000049  }
0xb3: {  	s29 =	simm.s32 $0x9;
	_ =	strace $0x8000004B  }
0xb4: {  	_ =	swait.ge [sflag:s29], $0x1  }
0xb5: {  	[sflag:s29] =	ssyncadd.s32 $0xFFFFFFFF  }
0xb6: {  	_ =	strace $0x9000004B  }
0xb7: {  	_ =	sfence  }
0xb8: {  	s30 =	sld [smem:$0x0];
	_ =	sdelay $0x2  }
0xb9: {  	s31 =	sshll.u32 s1, $0xD;
	s1 =	sshrl.u32 s1, $0x2  }
0xba: {  	s3 =	sand.u32 $0x4000, s31;
	s1 =	sadd.s32 s1, s30  }
0xbb: {  	s0 =	sor.u32 s3, s0;
	s1 =	sshll.u32 s1, $0x11  }
0xbc: {  	s0 =	sor.u32 s1, s0  }
0xbd: {  	s0 =	sadd.s32 $0x8F2B, s0  }
0xbe: {  	[sflag:s0] =	ssyncadd.remote.s32 $0x1  }
0xbf: {  	_ =	sfence.sel $0xFFFF  }
0xc0: {  	[dreg:$0x0] =	wrdreg $0xFFFFFFFF;
	(pc) =	sbr.abs _section_cstart, $3  }
0xc1: {  	[dreg:$0x1] =	wrdreg $0xFFFFFFFF  }
0xc2: {  	_ =	task.clear_ibuf [dreg:s7], $0x2FFFF;
	_ =	strace $0x9FFFFFFF  }
0xc3: {  	(tm) =	ssettm $0x7FFFFFFF  }
tec
execute0_lowered:
.L_overlay_start_1:
0x0: {  	(tag) =	ssettag $0x1  }
0x1: {  	s1 =	rddreg [dreg:$0x0];
	s0 =	stileid.u32  }
0x2: {  	s2 =	srdreg.scid;
	s3 =	rddreg [dreg:$0x1]  }
0x3: {  	s29 =	simm.s32 $0x14000;
	s30 =	simm.s32 $0x3;
	s31 =	simm.s32 $0x15400  }
0x4: {  	s4 =	sand.u32 $0x1, s2;
	s5 =	sshll.u32 s0, $0x1;
	s2 =	rddreg [dreg:$0x2]  }
0x5: {  	s6 =	sadd.s32 $0x7B400, s1;
	s7 =	sadd.s32 $0x85400, s1;
	s11 =	smul.u32 $0x14000, s0  }
0x6: {  	s16 =	sadd.s32 $0x2C00, s1;
	s5 =	sor.u32 s4, s5;
	s8 =	ssub.s32 $0x2, s4  }
0x7: {  	s9 =	smul.u32 $0x140000, s4;
	p0 =	sne.s32 s4, $0x0;
	s4 =	simm.s32 $0x1A800  }
0x8: {  	s5 =	smul.u32 $0x2800, s5;
	s10 =	sshrl.u32 s8, $0x1;
	s12 =	sor.u32 $0x2800, s11  }
0x9: {  	s17 =	sadd.s32 $0x7800, s11;
	s13 =	sadd.s32 $0xA000, s11;
	s8 =	ssub.s32 s8, s10  }
0xa: {  	s22 =	sadd.s32 s9, s11;
	s24 =	sadd.s32 s9, s12;
	s19 =	sadd.s32 s9, s17  }
0xb: {  	s14 =	sadd.s32 s9, s13;
	s12 =	sadd.s32 s12, s2;
	s5 =	sshrl.u32 s5, $0x3  }
0xc: {  	s23 =	sshrl.u32 s22, $0x3;
	s26 =	sshrl.u32 s24, $0x3;
	s10 =	sshrl.u32 s19, $0x3  }
0xd: {  	s22 =	sadd.s32 $0xC800, s11;
	s8 =	smax.u32 s8, $0x1;
	s20 =	sadd.s32 s6, s5  }
0xe: {  	s21 =	sadd.s32 s3, s5;
	s5 =	sadd.s32 $0x280, s5;
	s25 =	sadd.s32 s7, s23  }
0xf: {  	s23 =	sadd.s32 $0xF000, s11;
	s24 =	sadd.s32 s9, s22;
	[dreg:$0x4] =	wrdreg s20  }
0x10: {  	[dreg:$0x5] =	wrdreg s21;
	s6 =	sadd.s32 s6, s5;
	s3 =	sadd.s32 s3, s5  }
0x11: {  	[dreg:$0x8] =	wrdreg s25;
	s5 =	sadd.s32 $0x5000, s11;
	s20 =	sadd.s32 s7, s10  }
0x12: {  	s21 =	sshrl.u32 s14, $0x3;
	s15 =	sadd.s32 s9, s23;
	[dreg:$0x6] =	wrdreg s6  }
0x13: {  	s11 =	sadd.s32 $0x11800, s11;
	s14 =	sshrl.u32 s24, $0x3;
	[dreg:$0x7] =	wrdreg s3  }
0x14: {  	s3 =	sadd.s32 s7, s26;
	s18 =	sadd.s32 s9, s5;
	[dreg:$0xb] =	wrdreg s20  }
0x15: {  	s15 =	sshrl.u32 s15, $0x3;
	s9 =	sadd.s32 s9, s11;
	s14 =	sadd.s32 s7, s14  }
0x16: {  	s26 =	smul.u32 $0x50000, s0;
	[dreg:$0x9] =	wrdreg s3;
	s6 =	sshrl.u32 s18, $0x3  }
0x17: {  	[dreg:$0xd] =	wrdreg s14;
	s25 =	sadd.s32 s7, s15;
	s9 =	sshrl.u32 s9, $0x3  }
0x18: {  	s15 =	simm.s32 $0x0;
	s3 =	sadd.s32 s5, s2;
	s5 =	sadd.s32 s17, s2  }
0x19: {  	s14 =	sadd.s32 s13, s2;
	s17 =	sadd.s32 s23, s2;
	[dreg:$0xe] =	wrdreg s25  }
0x1a: {  	s6 =	sadd.s32 s7, s6;
	[smem:$0x7FF] =	sst s15;
	s23 =	sshrl.u32 s5, $0x3  }
0x1b: {  	s24 =	sshrl.u32 s14, $0x3;
	[dreg:$0xa] =	wrdreg s6;
	s6 =	sadd.s32 s7, s21  }
0x1c: {  	s5 =	simm.s32 $0x1;
	s7 =	sadd.s32 s7, s9;
	[dreg:$0xc] =	wrdreg s6  }
0x1d: {  	s9 =	smul.u32 $0x2800, s0;
	s21 =	sadd.s32 s11, s2;
	[dreg:$0xf] =	wrdreg s7  }
0x1e: {  	s7 =	sshrl.u32 s26, $0x2;
	s6 =	sadd.s32 s22, s2;
	s26 =	sshrl.u32 s12, $0x3  }
0x1f: {  	s22 =	sshrl.u32 s3, $0x3;
	s28 =	sshrl.u32 s21, $0x3;
	s3 =	simm.s32 $0x16800  }
0x20: {  	_ =	strace $0x8000004A;
	s1 =	sadd.s32 s9, s1;
	[dreg:$0x10] =	wrdreg s8  }
0x21: {  	s18 =	sadd.s32 s7, s2;
	s20 =	sadd.s32 s9, s16;
	[dreg:$0x11] =	wrdreg s26  }
0x22: {  	s25 =	sshrl.u32 s6, $0x3;
	s26 =	sshrl.u32 s17, $0x3;
	s6 =	simm.s32 $0x2  }
0x23: {  	s7 =	simm.s32 $0x16700;
	s19 =	sadd.s32 $0x2AC00, s1;
	s1 =	simm.s32 $0x80  }
.LBB2_1:
0x24: {  	s8 =	sshll.u32 @p0 s0, $0x6;
	s10 =	simm.s32 @p0 $0x3  }
0x25: {  	s9 =	sadd.s32 @p0 $0x0, s19;
	s11 =	sshrl.u32 @p0 s18, $0x3;
	s8 =	sor.u32 @p0 $0x1C03, s8  }
0x26: {  	[spmem:s11], [sflag:s8] =	dma.local @p0 [hbm:s9], $0x500  }
0x27: {  	s12 =	sshrl.u32 @!p0 s18, $0x3;
	_ =	swait.ge @p0 [sflag:s10], $0x500  }
0x28: {  	s13 =	sadd.s32 @!p0 $0x0, s20;
	s9 =	sshll.u32 @!p0 s0, $0x6;
	[sflag:s10] =	ssyncset.done @p0 $0x0  }
0x29: {  	s11 =	simm.s32 @!p0 $0x4;
	s9 =	sor.u32 @!p0 $0x1C04, s9;
	[sflag:s10] =	ssyncadd.s32 @p0 $0xFFFFFB00  }
0x2a: {  	[spmem:s12], [sflag:s9] =	dma.local @!p0 [hbm:s13], $0x500  }
0x2b: {  	s14 =	simm.s32 $0xA00;
	_ =	swait.ge @!p0 [sflag:s11], $0x500  }
0x2c: {  	s12 =	simm.s32 $0x500;
	s13 =	sadd.s32 $0x2800, s18;
	[sflag:s11] =	ssyncset.done @!p0 $0x0  }
.LBB2_2:
0x2d: {  	[sflag:s11] =	ssyncadd.s32 @!p0 $0xFFFFFB00  }
0x2e: {  	s17 =	sadd.s32 @p0 s12, s19;
	s21 =	sshrl.u32 @p0 s13, $0x3  }
0x2f: {  	[spmem:s21], [sflag:s8] =	dma.local @p0 [hbm:s17], $0x500  }
0x30: {  	s17 =	sshrl.u32 @!p0 s13, $0x3;
	_ =	swait.ge @p0 [sflag:s10], $0x500  }
0x31: {  	[sflag:s10] =	ssyncset.done @p0 $0x0  }
0x32: {  	s12 =	sadd.s32 @!p0 s12, s20;
	[sflag:s10] =	ssyncadd.s32 @p0 $0xFFFFFB00  }
0x33: {  	[spmem:s17], [sflag:s9] =	dma.local @!p0 [hbm:s12], $0x500  }
0x34: {  	s12 =	smov.u32 s14;
	s14 =	sadd.s32 $0x500, s14  }
0x35: {  	p1 =	sne.s32 s14, $0x2800  }
.Ltmp0:
0x36: {  	_ = 	snop;
	(pc) =	sbr.rel @p1 .LBB2_2-.Ltmp0, $3  }
0x37: {  	_ =	sdelay $0x1  }
0x38: {  	_ =	swait.ge @!p0 [sflag:s11], $0x500  }
0x39: {  	s13 =	sadd.s32 $0x2800, s13;
	[sflag:s11] =	ssyncset.done @!p0 $0x0  }
0x3a: {  	s10 =	simm.s32 @p0 $0x3  }
0x3b: {  	[sflag:s11] =	ssyncadd.s32 @!p0 $0xFFFFFB00;
	s11 =	sadd.s32 @p0 s12, s19;
	s14 =	sshrl.u32 @p0 s13, $0x3  }
0x3c: {  	[spmem:s14], [sflag:s8] =	dma.local @p0 [hbm:s11], $0x500  }
0x3d: {  	_ =	swait.ge @p0 [sflag:s10], $0x500  }
0x3e: {  	s8 =	sshrl.u32 @!p0 s13, $0x3;
	[sflag:s10] =	ssyncset.done @p0 $0x0  }
0x3f: {  	s11 =	simm.s32 @!p0 $0x4;
	[sflag:s10] =	ssyncadd.s32 @p0 $0xFFFFFB00;
	s10 =	sadd.s32 @!p0 s12, s20  }
0x40: {  	[spmem:s8], [sflag:s9] =	dma.local @!p0 [hbm:s10], $0x500  }
0x41: {  	_ =	swait.ge @!p0 [sflag:s11], $0x500  }
0x42: {  	[sflag:s11] =	ssyncset.done @!p0 $0x0  }
0x43: {  	[sflag:s11] =	ssyncadd.s32 @!p0 $0xFFFFFB00  }
0x44: {  	[bflag:$0x0] =	sbarrier.arrive $0xFFFF  }
0x45: {  	s10 =	simm.s32 $0x0;
	s11 =	rddreg [dreg:$0x4]  }
0x46: {  	[tilespmem:s29], [sflag:$0x3] =	stream.linear.gather [hbm4b:s11+s10], $0x1400, $0x38;
	[tilespmem:$0x1E800] =	vst v63  }
0x47: {  	_ =	swait.ge [sflag:s30], $0x1400  }
0x48: {  	[sflag:s30] =	ssyncset.done $0x0  }
0x49: {  	s12 =	rddreg [dreg:$0x5];
	[sflag:s30] =	ssyncadd.s32 $0xFFFFEC00  }
0x4a: {  	[tilespmem:s31], [sflag:$0x3] =	stream.linear.gather [hbm4b:s12+s10], $0x1400, $0x38;
	[tilespmem:$0x1E800] =	vst v63  }
0x4b: {  	_ =	swait.ge [sflag:s30], $0x1400  }
0x4c: {  	[sflag:s30] =	ssyncset.done $0x0  }
0x4d: {  	[sflag:s30] =	ssyncadd.s32 $0xFFFFEC00  }
0x4e: {  	[tilespmem:s3], [sflag:$0x1] =	stream.indirect.gather [hbm4b:s16+s1], $0x80, s29, s1, $0xb8;
	[tilespmem:$0x1E800] =	vst v63  }
0x4f: {  	s13 =	simm.s32 $0x14080  }
0x50: {  	[tilespmem:s4], [sflag:$0x2] =	stream.indirect.gather [hbm4b:s16+s1], $0x80, s13, s1, $0xb8;
	[tilespmem:$0x1E800] =	vst v63  }
0x51: {  	_ =	swait.ge [sflag:s5], $0x4000  }
0x52: {  	[sflag:s5] =	ssyncset.done $0x0  }
0x53: {  	s14 =	simm.s32 $0x15400;
	[sflag:s5] =	ssyncadd.s32 $0xFFFFC000  }
0x54: {  	[spmem:s2] =	stream.indirect.scatter.add.f32 [tilespmem:s3], [sflag:$0x3], $0x80, s14, s1, $0xb8;
	[tilespmem:$0x1E800] =	vst v63  }
0x55: {  	_ =	swait.ge [sflag:s30], $0x4000  }
0x56: {  	[sflag:s30] =	ssyncset.done $0x0  }
0x57: {  	s17 =	simm.s32 $0x14100;
	[sflag:s30] =	ssyncadd.s32 $0xFFFFC000  }
0x58: {  	[tilespmem:s3], [sflag:$0x1] =	stream.indirect.gather [hbm4b:s16+s1], $0x80, s17, s1, $0xb8;
	[tilespmem:$0x1E800] =	vst v63  }
0x59: {  	_ =	swait.ge [sflag:s6], $0x4000  }
0x5a: {  	[sflag:s6] =	ssyncset.done $0x0  }
0x5b: {  	s21 =	simm.s32 $0x15480;
	[sflag:s6] =	ssyncadd.s32 $0xFFFFC000  }
0x5c: {  	[spmem:s2] =	stream.indirect.scatter.add.f32 [tilespmem:s4], [sflag:$0x3], $0x80, s21, s1, $0xb8;
	[tilespmem:$0x1E800] =	vst v63  }
0x5d: {  	_ =	swait.ge [sflag:s30], $0x4000  }
0x5e: {  	s9 =	simm.s32 $0x800;
	s8 =	simm.s32 $0x100;
	[sflag:s30] =	ssyncset.done $0x0  }
.LBB2_4:
0x5f: {  	s10 =	sadd.s32 $0x14080, s8  }
0x60: {  	[sflag:s30] =	ssyncadd.s32 $0xFFFFC000;
	s11 =	smov.u32 s9;
	s12 =	sadd.s32 $0x400, s9  }
0x61: {  	[tilespmem:s4], [sflag:$0x2] =	stream.indirect.gather [hbm4b:s16+s1], $0x80, s10, s1, $0xb8;
	[tilespmem:$0x1E800] =	vst v63  }
0x62: {  	p1 =	sne.s32 s9, $0x4800;
	_ =	swait.ge [sflag:s5], $0x4000  }
0x63: {  	[sflag:s5] =	ssyncset.done $0x0  }
0x64: {  	s9 =	sadd.s32 $0x15400, s8;
	[sflag:s5] =	ssyncadd.s32 $0xFFFFC000  }
0x65: {  	[spmem:s2] =	stream.indirect.scatter.add.f32 [tilespmem:s3], [sflag:$0x3], $0x80, s9, s1, $0xb8;
	[tilespmem:$0x1E800] =	vst v63  }
0x66: {  	_ =	swait.ge [sflag:s30], $0x4000  }
0x67: {  	[sflag:s30] =	ssyncset.done $0x0  }
0x68: {  	s9 =	sadd.s32 $0x14100, s8;
	[sflag:s30] =	ssyncadd.s32 $0xFFFFC000  }
0x69: {  	[tilespmem:s3], [sflag:$0x1] =	stream.indirect.gather [hbm4b:s16+s1], $0x80, s9, s1, $0xb8;
	[tilespmem:$0x1E800] =	vst v63  }
0x6a: {  	_ =	swait.ge [sflag:s6], $0x4000  }
.Ltmp1:
0x6b: {  	[sflag:s6] =	ssyncset.done $0x0;
	(pc) =	sbr.rel @p1 .LBB2_4-.Ltmp1, $4  }
0x6c: {  	s8 =	sadd.s32 $0x15480, s8;
	[sflag:s6] =	ssyncadd.s32 $0xFFFFC000  }
0x6d: {  	[spmem:s2] =	stream.indirect.scatter.add.f32 [tilespmem:s4], [sflag:$0x3], $0x80, s8, s1, $0xb8;
	[tilespmem:$0x1E800] =	vst v63  }
0x6e: {  	_ =	swait.ge [sflag:s30], $0x4000  }
0x6f: {  	s9 =	smov.u32 s12;
	s8 =	sshra.s32 s11, $0x2;
	[sflag:s30] =	ssyncset.done $0x0  }
0x70: {  	s9 =	sadd.s32 $0x14080, s8;
	[sflag:s30] =	ssyncadd.s32 $0xFFFFC000  }
0x71: {  	[tilespmem:s4], [sflag:$0x2] =	stream.indirect.gather [hbm4b:s16+s1], $0x80, s9, s1, $0xb8;
	[tilespmem:$0x1E800] =	vst v63  }
0x72: {  	_ =	swait.ge [sflag:s5], $0x4000  }
0x73: {  	[sflag:s5] =	ssyncset.done $0x0  }
0x74: {  	s13 =	sadd.s32 $0x15400, s8;
	[sflag:s5] =	ssyncadd.s32 $0xFFFFC000  }
0x75: {  	[spmem:s2] =	stream.indirect.scatter.add.f32 [tilespmem:s3], [sflag:$0x3], $0x80, s13, s1, $0xb8;
	[tilespmem:$0x1E800] =	vst v63  }
0x76: {  	_ =	swait.ge [sflag:s30], $0x4000  }
0x77: {  	[sflag:s30] =	ssyncset.done $0x0  }
0x78: {  	s14 =	sadd.s32 $0x14100, s8;
	[sflag:s30] =	ssyncadd.s32 $0xFFFFC000  }
0x79: {  	[tilespmem:s3], [sflag:$0x1] =	stream.indirect.gather [hbm4b:s16+s1], $0x80, s14, s1, $0xb8;
	[tilespmem:$0x1E800] =	vst v63  }
0x7a: {  	_ =	swait.ge [sflag:s6], $0x4000  }
0x7b: {  	[sflag:s6] =	ssyncset.done $0x0  }
0x7c: {  	s17 =	sadd.s32 $0x15480, s8;
	[sflag:s6] =	ssyncadd.s32 $0xFFFFC000  }
0x7d: {  	[spmem:s2] =	stream.indirect.scatter.add.f32 [tilespmem:s4], [sflag:$0x3], $0x80, s17, s1, $0xb8;
	[tilespmem:$0x1E800] =	vst v63  }
0x7e: {  	_ =	swait.ge [sflag:s30], $0x4000  }
0x7f: {  	[sflag:s30] =	ssyncset.done $0x0  }
0x80: {  	s21 =	simm.s32 $0x15380;
	[sflag:s30] =	ssyncadd.s32 $0xFFFFC000  }
0x81: {  	[tilespmem:s4], [sflag:$0x2] =	stream.indirect.gather [hbm4b:s16+s1], $0x80, s21, s1, $0xb8;
	[tilespmem:$0x1E800] =	vst v63  }
0x82: {  	_ =	swait.ge [sflag:s5], $0x4000  }
0x83: {  	[sflag:s5] =	ssyncset.done $0x0  }
0x84: {  	[sflag:s5] =	ssyncadd.s32 $0xFFFFC000  }
0x85: {  	[spmem:s2] =	stream.indirect.scatter.add.f32 [tilespmem:s3], [sflag:$0x3], $0x80, s7, s1, $0xb8;
	[tilespmem:$0x1E800] =	vst v63  }
0x86: {  	_ =	swait.ge [sflag:s30], $0x4000  }
0x87: {  	[sflag:s30] =	ssyncset.done $0x0  }
0x88: {  	[sflag:s30] =	ssyncadd.s32 $0xFFFFC000  }
0x89: {  	_ =	swait.ge [sflag:s6], $0x4000  }
0x8a: {  	[sflag:s6] =	ssyncset.done $0x0  }
0x8b: {  	s9 =	simm.s32 $0x16780;
	[sflag:s6] =	ssyncadd.s32 $0xFFFFC000  }
0x8c: {  	[spmem:s2] =	stream.indirect.scatter.add.f32 [tilespmem:s4], [sflag:$0x3], $0x80, s9, s1, $0xb8;
	[tilespmem:$0x1E800] =	vst v63  }
0x8d: {  	_ =	swait.ge [sflag:s30], $0x4000  }
0x8e: {  	[sflag:s30] =	ssyncset.done $0x0  }
0x8f: {  	s10 =	simm.s32 $0x0;
	s11 =	rddreg [dreg:$0x6];
	[sflag:s30] =	ssyncadd.s32 $0xFFFFC000  }
0x90: {  	[tilespmem:s29], [sflag:$0x3] =	stream.linear.gather [hbm4b:s11+s10], $0x1380, $0x38;
	[tilespmem:$0x1E800] =	vst v63  }
0x91: {  	_ =	swait.ge [sflag:s30], $0x1380  }
0x92: {  	[sflag:s30] =	ssyncset.done $0x0  }
0x93: {  	s12 =	rddreg [dreg:$0x7];
	[sflag:s30] =	ssyncadd.s32 $0xFFFFEC80  }
0x94: {  	[tilespmem:s31], [sflag:$0x3] =	stream.linear.gather [hbm4b:s12+s10], $0x1380, $0x38;
	[tilespmem:$0x1E800] =	vst v63  }
0x95: {  	_ =	swait.ge [sflag:s30], $0x1380  }
0x96: {  	[sflag:s30] =	ssyncset.done $0x0  }
0x97: {  	[sflag:s30] =	ssyncadd.s32 $0xFFFFEC80  }
0x98: {  	[tilespmem:s3], [sflag:$0x1] =	stream.indirect.gather [hbm4b:s16+s1], $0x80, s29, s1, $0xb8;
	[tilespmem:$0x1E800] =	vst v63  }
0x99: {  	s13 =	simm.s32 $0x14080  }
0x9a: {  	[tilespmem:s4], [sflag:$0x2] =	stream.indirect.gather [hbm4b:s16+s1], $0x80, s13, s1, $0xb8;
	[tilespmem:$0x1E800] =	vst v63  }
0x9b: {  	_ =	swait.ge [sflag:s5], $0x4000  }
0x9c: {  	[sflag:s5] =	ssyncset.done $0x0  }
0x9d: {  	s14 =	simm.s32 $0x15400;
	[sflag:s5] =	ssyncadd.s32 $0xFFFFC000  }
0x9e: {  	[spmem:s2] =	stream.indirect.scatter.add.f32 [tilespmem:s3], [sflag:$0x3], $0x80, s14, s1, $0xb8;
	[tilespmem:$0x1E800] =	vst v63  }
0x9f: {  	_ =	swait.ge [sflag:s30], $0x4000  }
0xa0: {  	[sflag:s30] =	ssyncset.done $0x0  }
0xa1: {  	s17 =	simm.s32 $0x14100;
	[sflag:s30] =	ssyncadd.s32 $0xFFFFC000  }
0xa2: {  	[tilespmem:s3], [sflag:$0x1] =	stream.indirect.gather [hbm4b:s16+s1], $0x80, s17, s1, $0xb8;
	[tilespmem:$0x1E800] =	vst v63  }
0xa3: {  	_ =	swait.ge [sflag:s6], $0x4000  }
0xa4: {  	[sflag:s6] =	ssyncset.done $0x0  }
0xa5: {  	s21 =	simm.s32 $0x15480;
	[sflag:s6] =	ssyncadd.s32 $0xFFFFC000  }
0xa6: {  	[spmem:s2] =	stream.indirect.scatter.add.f32 [tilespmem:s4], [sflag:$0x3], $0x80, s21, s1, $0xb8;
	[tilespmem:$0x1E800] =	vst v63  }
0xa7: {  	_ =	swait.ge [sflag:s30], $0x4000  }
0xa8: {  	s8 =	simm.s32 $0x100;
	s9 =	simm.s32 $0x800;
	[sflag:s30] =	ssyncset.done $0x0  }
.LBB2_6:
0xa9: {  	s10 =	sadd.s32 $0x14080, s8  }
0xaa: {  	[sflag:s30] =	ssyncadd.s32 $0xFFFFC000;
	s11 =	smov.u32 s9;
	s12 =	sadd.s32 $0x400, s9  }
0xab: {  	[tilespmem:s4], [sflag:$0x2] =	stream.indirect.gather [hbm4b:s16+s1], $0x80, s10, s1, $0xb8;
	[tilespmem:$0x1E800] =	vst v63  }
0xac: {  	p1 =	sne.s32 s9, $0x4800;
	_ =	swait.ge [sflag:s5], $0x4000  }
0xad: {  	[sflag:s5] =	ssyncset.done $0x0  }
0xae: {  	s9 =	sadd.s32 $0x15400, s8;
	[sflag:s5] =	ssyncadd.s32 $0xFFFFC000  }
0xaf: {  	[spmem:s2] =	stream.indirect.scatter.add.f32 [tilespmem:s3], [sflag:$0x3], $0x80, s9, s1, $0xb8;
	[tilespmem:$0x1E800] =	vst v63  }
0xb0: {  	_ =	swait.ge [sflag:s30], $0x4000  }
0xb1: {  	[sflag:s30] =	ssyncset.done $0x0  }
0xb2: {  	s9 =	sadd.s32 $0x14100, s8;
	[sflag:s30] =	ssyncadd.s32 $0xFFFFC000  }
0xb3: {  	[tilespmem:s3], [sflag:$0x1] =	stream.indirect.gather [hbm4b:s16+s1], $0x80, s9, s1, $0xb8;
	[tilespmem:$0x1E800] =	vst v63  }
0xb4: {  	_ =	swait.ge [sflag:s6], $0x4000  }
.Ltmp2:
0xb5: {  	[sflag:s6] =	ssyncset.done $0x0;
	(pc) =	sbr.rel @p1 .LBB2_6-.Ltmp2, $4  }
0xb6: {  	s8 =	sadd.s32 $0x15480, s8;
	[sflag:s6] =	ssyncadd.s32 $0xFFFFC000  }
0xb7: {  	[spmem:s2] =	stream.indirect.scatter.add.f32 [tilespmem:s4], [sflag:$0x3], $0x80, s8, s1, $0xb8;
	[tilespmem:$0x1E800] =	vst v63  }
0xb8: {  	_ =	swait.ge [sflag:s30], $0x4000  }
0xb9: {  	s9 =	smov.u32 s12;
	s8 =	sshra.s32 s11, $0x2;
	[sflag:s30] =	ssyncset.done $0x0  }
0xba: {  	s9 =	sadd.s32 $0x14080, s8;
	[sflag:s30] =	ssyncadd.s32 $0xFFFFC000  }
0xbb: {  	[tilespmem:s4], [sflag:$0x2] =	stream.indirect.gather [hbm4b:s16+s1], $0x80, s9, s1, $0xb8;
	[tilespmem:$0x1E800] =	vst v63  }
0xbc: {  	_ =	swait.ge [sflag:s5], $0x4000  }
0xbd: {  	[sflag:s5] =	ssyncset.done $0x0  }
0xbe: {  	s10 =	sadd.s32 $0x15400, s8;
	[sflag:s5] =	ssyncadd.s32 $0xFFFFC000  }
0xbf: {  	[spmem:s2] =	stream.indirect.scatter.add.f32 [tilespmem:s3], [sflag:$0x3], $0x80, s10, s1, $0xb8;
	[tilespmem:$0x1E800] =	vst v63  }
0xc0: {  	_ =	swait.ge [sflag:s30], $0x4000  }
0xc1: {  	[sflag:s30] =	ssyncset.done $0x0  }
0xc2: {  	s11 =	sadd.s32 $0x14100, s8;
	[sflag:s30] =	ssyncadd.s32 $0xFFFFC000  }
0xc3: {  	[tilespmem:s3], [sflag:$0x1] =	stream.indirect.gather [hbm4b:s16+s1], $0x80, s11, s1, $0xb8;
	[tilespmem:$0x1E800] =	vst v63  }
0xc4: {  	_ =	swait.ge [sflag:s6], $0x4000  }
0xc5: {  	[sflag:s6] =	ssyncset.done $0x0  }
0xc6: {  	s12 =	sadd.s32 $0x15480, s8;
	[sflag:s6] =	ssyncadd.s32 $0xFFFFC000  }
0xc7: {  	[spmem:s2] =	stream.indirect.scatter.add.f32 [tilespmem:s4], [sflag:$0x3], $0x80, s12, s1, $0xb8;
	[tilespmem:$0x1E800] =	vst v63  }
0xc8: {  	_ =	swait.ge [sflag:s30], $0x4000  }
0xc9: {  	[sflag:s30] =	ssyncset.done $0x0  }
0xca: {  	[sflag:s30] =	ssyncadd.s32 $0xFFFFC000  }
0xcb: {  	_ =	swait.ge [sflag:s5], $0x4000  }
0xcc: {  	[sflag:s5] =	ssyncset.done $0x0  }
0xcd: {  	[sflag:s5] =	ssyncadd.s32 $0xFFFFC000  }
0xce: {  	[spmem:s2] =	stream.indirect.scatter.add.f32 [tilespmem:s3], [sflag:$0x3], $0x80, s7, s1, $0xb8;
	[tilespmem:$0x1E800] =	vst v63  }
0xcf: {  	_ =	swait.ge [sflag:s30], $0x4000  }
0xd0: {  	[sflag:s30] =	ssyncset.done $0x0  }
0xd1: {  	[sflag:s30] =	ssyncadd.s32 $0xFFFFC000  }
0xd2: {  	s13 =	sshll.u32 s0, $0x6;
	[bflag:$0x0] =	sbarrier.arrive $0xFFFF  }
0xd3: {  	s14 =	sshrl.u32 s18, $0x3;
	s8 =	sor.u32 $0x1C03, s13;
	s10 =	rddreg [dreg:$0x8]  }
0xd4: {  	[hbm:s10], [sflag:s8] =	dma.local [spmem:s14], $0x500  }
0xd5: {  	_ =	swait.ge [sflag:s30], $0x500  }
0xd6: {  	[sflag:s30] =	ssyncset.done $0x0;
	s17 =	rddreg [dreg:$0x9]  }
0xd7: {  	s21 =	rddreg [dreg:$0x11];
	[sflag:s30] =	ssyncadd.s32 $0xFFFFFB00  }
0xd8: {  	[hbm:s17], [sflag:s8] =	dma.local [spmem:s21], $0x500  }
0xd9: {  	_ =	swait.ge [sflag:s30], $0x500  }
0xda: {  	[sflag:s30] =	ssyncset.done $0x0  }
0xdb: {  	s10 =	rddreg [dreg:$0xa];
	[sflag:s30] =	ssyncadd.s32 $0xFFFFFB00  }
0xdc: {  	[hbm:s10], [sflag:s8] =	dma.local [spmem:s22], $0x500  }
0xdd: {  	_ =	swait.ge [sflag:s30], $0x500  }
0xde: {  	[sflag:s30] =	ssyncset.done $0x0  }
0xdf: {  	s11 =	rddreg [dreg:$0xb];
	[sflag:s30] =	ssyncadd.s32 $0xFFFFFB00  }
0xe0: {  	[hbm:s11], [sflag:s8] =	dma.local [spmem:s23], $0x500  }
0xe1: {  	_ =	swait.ge [sflag:s30], $0x500  }
0xe2: {  	[sflag:s30] =	ssyncset.done $0x0  }
0xe3: {  	s12 =	rddreg [dreg:$0xc];
	[sflag:s30] =	ssyncadd.s32 $0xFFFFFB00  }
0xe4: {  	[hbm:s12], [sflag:s8] =	dma.local [spmem:s24], $0x500  }
0xe5: {  	_ =	swait.ge [sflag:s30], $0x500  }
0xe6: {  	[sflag:s30] =	ssyncset.done $0x0  }
0xe7: {  	s13 =	rddreg [dreg:$0xd];
	[sflag:s30] =	ssyncadd.s32 $0xFFFFFB00  }
0xe8: {  	[hbm:s13], [sflag:s8] =	dma.local [spmem:s25], $0x500  }
0xe9: {  	_ =	swait.ge [sflag:s30], $0x500  }
0xea: {  	[sflag:s30] =	ssyncset.done $0x0  }
0xeb: {  	s14 =	rddreg [dreg:$0xe];
	[sflag:s30] =	ssyncadd.s32 $0xFFFFFB00  }
0xec: {  	[hbm:s14], [sflag:s8] =	dma.local [spmem:s26], $0x500  }
0xed: {  	_ =	swait.ge [sflag:s30], $0x500  }
0xee: {  	[sflag:s30] =	ssyncset.done $0x0  }
0xef: {  	s17 =	rddreg [dreg:$0xf];
	[sflag:s30] =	ssyncadd.s32 $0xFFFFFB00  }
0xf0: {  	[hbm:s17], [sflag:s8] =	dma.local [spmem:s28], $0x500  }
0xf1: {  	_ =	swait.ge [sflag:s30], $0x500  }
0xf2: {  	s15 =	sadd.s32 $0x1, s15;
	s21 =	rddreg [dreg:$0x10]  }
0xf3: {  	p1 =	sne.s32 s15, s21  }
.Ltmp3:
0xf4: {  	_ = 	snop;
	(pc) =	sbr.rel @p1 .LBB2_1-.Ltmp3, $3  }
0xf5: {  	_ =	sdelay $0x1  }
0xf6: {  	[sflag:s30] =	ssyncset.done $0x0  }
0xf7: {  	[sflag:s30] =	ssyncadd.s32 $0xFFFFFB00  }
0xf8: {  	_ =	sfence.sel $0x180000  }
0xf9: {  	[bflag:$0x0] =	sbarrier.arrive $0xFFFF  }
0xfa: {  	_ =	strace $0x9000004A  }
0xfb: {  	[bflag:$0x2] =	sbarrier.arrive $0xFFFF  }
0xfc: {  	p0 =	sne.s32 s0, $0x0;
	s0 =	rddreg [dreg:$0x3]  }
0xfd: {  	s0 =	sadd.s32 @!p0 $0x100000, s0  }
0xfe: {  	[sflag:s0] =	ssyncadd.tile.s32 @!p0 $0x1;
	_ =	shalt  }
.Lfunc_end2:
_tile_overlayer_lowered:
.L_overlay_start_2:
0xff: {  	(tag) =	ssettag $0x2  }
0x100: {  	s0 =	rddreg [dreg:$0x0];
	s2 =	stileid.u32  }
0x101: {  	s1 =	rddreg [dreg:$0x1];
	p0 =	sne.s32 s2, $0x0  }
0x102: {  	s3 =	rddreg [dreg:$0x2];
	[bflag:$0x3] =	sbarrier.arrive $0xFFFF;
	s2 =	simm.s32 @!p0 $0x1C03  }
0x103: {  	[timem:s3], [sflag:s2] =	dma.local @!p0 [hbm:s0], s1  }
0x104: {  	s0 =	simm.s32 @!p0 $0x3  }
0x105: {  	_ =	swait.ge @!p0 [sflag:s0], s1  }
0x106: {  	s1 =	ssub.s32 @!p0 $0x0, s1;
	[sflag:s0] =	ssyncset.done @!p0 $0x0  }
0x107: {  	[sflag:s0] =	ssyncadd.s32 @!p0 s1  }
0x108: {  	[bflag:$0x3] =	sbarrier.arrive $0xFFFF  }
0x109: {  	_ =	shalt  }

// kernel: kernel.16.cloned.1.call-start
scs
__scs_entry_jumppad:
0x0: {  	(pc) =	sbr.rel $0x88, $3  }
0x1: {  	(tag) =	ssettag $0x0;
	lr =	simm.s32 $0x1  }
0x2: {  	[smem:$0x3F99] =	sst lr;
	_ =	strace $0xD0000000  }
0x3: {  	_ = 	snop  }
0x4: {  	_ = 	snop  }
0x5: {  	_ = 	snop  }
0x6: {  	_ = 	snop  }
0x7: {  	_ = 	snop  }
__scs_overlays_trampoline_lowered:
0x8: {  	[smem:$0x3FA8] =	sst s0  }
0x9: {  	[smem:$0x3FA9] =	sst s1  }
0xa: {  	[smem:$0x3FAA] =	sst s2  }
0xb: {  	[smem:$0x3FAB] =	sst s3  }
0xc: {  	[smem:$0x3FAC] =	sst s4  }
0xd: {  	[smem:$0x3FAD] =	sst s5  }
0xe: {  	[smem:$0x3FAE] =	sst s6  }
0xf: {  	[smem:$0x3FAF] =	sst s7  }
0x10: {  	[smem:$0x3FB0] =	sst s8  }
0x11: {  	[smem:$0x3FB1] =	sst s9;
	s0 =	simm.s32 @!p0 $0x0  }
0x12: {  	s1 =	sld [smem:$0x3F97];
	s0 =	simm.s32 @p0 $0x1  }
0x13: {  	[smem:$0x3FB2] =	sst s0;
	s0 =	simm.s32 @!p1 $0x0  }
0x14: {  	s2 =	sld [smem:$0x3F96];
	s0 =	simm.s32 @p1 $0x1  }
0x15: {  	[smem:$0x3FB3] =	sst s0;
	s0 =	simm.s32 @!p2 $0x0  }
0x16: {  	s3 =	sld [smem:$0x3FDB];
	s0 =	simm.s32 @p2 $0x1  }
0x17: {  	s4 =	simm.s32 $0x1BF5;
	[smem:$0x3FB5] =	sst s0  }
0x18: {  	s0 =	sld [smem:$0x3F98];
	_ =	swait.ge [sflag:s4], $0x0  }
0x19: {  	s7 =	sld [smem:$0x3F99]  }
0x1a: {  	s8 =	sadd.s32 $0xFFFFE003, lr  }
0x1b: {  	s9 =	sadd.s32 $0xFFFFFEF7, lr;
	s5 =	simm.s32 $0xFFFFFFFF;
	p2 =	slt.u32 s8, $0xFFFFF086  }
0x1c: {  	p1 =	slt.u32 s9, $0xF7A;
	s5 =	simm.s32 @!p2 $0x0  }
0x1d: {  	s5 =	simm.s32 @p1 $0x1;
	p0 =	seq.s32 s7, s2  }
0x1e: {  	s7 =	smul.u32 @!p0 $0xF7A, s2;
	p2 =	seq.s32 @!p0 s5, $0x0  }
0x1f: {  	s9 =	smul.u32 $0xF7A, s1;
	s8 =	simm.s32 @!p0 $0x1BF5;
	p2 =	por !p2, p0  }
0x20: {  	[sflag:s8] =	ssyncset.s32 @!p0 $0xFFFFF086;
	s6 =	sadd.s32 @!p0 s3, s7;
	s7 =	simm.s32 @!p0 $0x108  }
0x21: {  	s3 =	sadd.s32 s3, s9;
	s6 =	sadd.s32 @!p0 $0x88, s6;
	s7 =	simm.s32 @p2 $0x1082  }
0x22: {  	[simem:s7], [sflag:s8] =	dma.local @!p0 [hbm:s6], $0xF7A  }
0x23: {  	s9 =	sor.u32 $0xD0000000, s2;
	s6 =	simm.s32 $0x108;
	_ =	swait.ge @!p0 [sflag:s8], $0x0  }
0x24: {  	s3 =	sadd.s32 $0x88, s3;
	s6 =	simm.s32 @!p1 $0x1082;
	[sflag:s4] =	ssyncset.s32 $0xFFFFF086  }
0x25: {  	[simem:s6], [sflag:s4] =	dma.local [hbm:s3], $0xF7A  }
0x26: {  	[smem:$0x3F99] =	sst s1;
	(tag) =	ssettag s2;
	_ =	strace s9  }
0x27: {  	s1 =	sld [smem:$0x3FA9]  }
0x28: {  	s2 =	sld [smem:$0x3FAA]  }
0x29: {  	s4 =	sld [smem:$0x3FAC]  }
0x2a: {  	p0 =	seq.s32 s5, $0x0;
	s5 =	sld [smem:$0x3FAD]  }
0x2b: {  	s6 =	sld [smem:$0x3FAE]  }
0x2c: {  	s7 =	sld [smem:$0x3FAF]  }
0x2d: {  	s3 =	simm.s32 $0x108;
	s8 =	sld [smem:$0x3FB0]  }
0x2e: {  	s3 =	simm.s32 @!p0 $0x1082;
	s9 =	sld [smem:$0x3FB1]  }
0x2f: {  	lr =	sadd.s32 s0, s3;
	s0 =	sld [smem:$0x3FA8]  }
0x30: {  	s3 =	sld [smem:$0x3FAB]  }
0x31: {  	[smem:$0x3FB4] =	sst s10  }
0x32: {  	s10 =	sld [smem:$0x3FB2];
	_ =	sdelay $0x3  }
0x33: {  	p0 =	seq.s32 s10, $0x1;
	s10 =	sld [smem:$0x3FB4];
	_ =	sdelay $0x3  }
0x34: {  	[smem:$0x3FB4] =	sst s10  }
0x35: {  	s10 =	sld [smem:$0x3FB3];
	_ =	sdelay $0x3  }
0x36: {  	p1 =	seq.s32 s10, $0x1;
	s10 =	sld [smem:$0x3FB4];
	_ =	sdelay $0x3  }
0x37: {  	[smem:$0x3FB4] =	sst s10  }
0x38: {  	s10 =	sld [smem:$0x3FB5]  }
0x39: {  	_ = 	snop;
	(pc) =	sbr.ind lr, $3  }
0x3a: {  	_ = 	snop  }
0x3b: {  	_ = 	snop  }
0x3c: {  	p2 =	seq.s32 s10, $0x1;
	s10 =	sld [smem:$0x3FB4]  }
0x3d: {  	_ =	shalt  }
0x3e: {  	_ =	shalt  }
0x3f: {  	_ =	shalt  }
0x40: {  	_ =	shalt  }
0x41: {  	_ =	shalt  }
0x42: {  	_ =	shalt  }
0x43: {  	_ =	shalt  }
0x44: {  	_ =	shalt  }
0x45: {  	_ =	shalt  }
0x46: {  	_ =	shalt  }
0x47: {  	_ =	shalt  }
0x48: {  	_ =	shalt  }
0x49: {  	_ =	shalt  }
0x4a: {  	_ =	shalt  }
0x4b: {  	_ =	shalt  }
0x4c: {  	_ =	shalt  }
0x4d: {  	_ =	shalt  }
0x4e: {  	_ =	shalt  }
0x4f: {  	_ =	shalt  }
0x50: {  	_ =	shalt  }
0x51: {  	_ =	shalt  }
0x52: {  	_ =	shalt  }
0x53: {  	_ =	shalt  }
0x54: {  	_ =	shalt  }
0x55: {  	_ =	shalt  }
0x56: {  	_ =	shalt  }
0x57: {  	_ =	shalt  }
0x58: {  	_ =	shalt  }
0x59: {  	_ =	shalt  }
0x5a: {  	_ =	shalt  }
0x5b: {  	_ =	shalt  }
0x5c: {  	_ =	shalt  }
0x5d: {  	_ =	shalt  }
0x5e: {  	_ =	shalt  }
0x5f: {  	_ =	shalt  }
0x60: {  	_ =	shalt  }
0x61: {  	_ =	shalt  }
0x62: {  	_ =	shalt  }
0x63: {  	_ =	shalt  }
0x64: {  	_ =	shalt  }
0x65: {  	_ =	shalt  }
0x66: {  	_ =	shalt  }
0x67: {  	_ =	shalt  }
0x68: {  	_ =	shalt  }
0x69: {  	_ =	shalt  }
0x6a: {  	_ =	shalt  }
0x6b: {  	_ =	shalt  }
0x6c: {  	_ =	shalt  }
0x6d: {  	_ =	shalt  }
0x6e: {  	_ =	shalt  }
0x6f: {  	_ =	shalt  }
0x70: {  	_ =	shalt  }
0x71: {  	_ =	shalt  }
0x72: {  	_ =	shalt  }
0x73: {  	_ =	shalt  }
0x74: {  	_ =	shalt  }
0x75: {  	_ =	shalt  }
0x76: {  	_ =	shalt  }
0x77: {  	_ =	shalt  }
0x78: {  	_ =	shalt  }
0x79: {  	_ =	shalt  }
0x7a: {  	_ =	shalt  }
0x7b: {  	_ =	shalt  }
0x7c: {  	_ =	shalt  }
0x7d: {  	_ =	shalt  }
0x7e: {  	_ =	shalt  }
0x7f: {  	_ =	shalt  }
0x80: {  	_ =	shalt  }
0x81: {  	_ =	shalt  }
0x82: {  	_ =	shalt  }
0x83: {  	_ =	shalt  }
0x84: {  	_ =	shalt  }
0x85: {  	_ =	shalt  }
0x86: {  	_ =	shalt  }
0x87: {  	_ =	shalt  }
.Lfunc_end0:
.L_simem_size_0:
called_computation.2_lowered:
.L_overlay_start_0:
0x88: {  	s2 =	sld [smem:$0x3FD9]  }
0x89: {  	s3 =	sld [smem:$0x3FFE];
	_ =	sdelay $0x1  }
0x8a: {  	s1 =	srdreg.scid  }
0x8b: {  	s0 =	sand.u32 $0x1, s1  }
0x8c: {  	s17 =	sshll.u32 s0, $0xA;
	s2 =	sadd.s32 s3, s2  }
0x8d: {  	s2 =	sadd.s32 s2, s17  }
0x8e: {  	[smem:$0x3FC0] =	sst s2  }
0x8f: {  	_ = 	snop  }
0x90: {  	s2 =	sld [smem:$0x3FD0];
	(tm) =	ssettm $0x1  }
0x91: {  	s18 =	sld [smem:$0x3FFB];
	_ =	sdelay $0x3  }
0x92: {  	_ =	strace s18  }
0x93: {  	s3 =	sld [smem:$0x3FFC];
	_ =	sdelay $0x3  }
0x94: {  	_ =	strace s3  }
0x95: {  	s3 =	sld [smem:$0x3FFD];
	_ =	sdelay $0x3  }
0x96: {  	_ =	strace s3  }
0x97: {  	_ =	strace $0x8FFFFFFF  }
0x98: {  	s19 =	sld [smem:$0x3FDB];
	_ =	sdelay $0x1  }
0x99: {  	s4 =	simm.s32 $_scs_section_size  }
0x9a: {  	s5 =	simm.s32 $_size__tile_overlayer_lowered;
	s6 =	simm.s32 $_tile_overlayer_lowered  }
0x9b: {  	s22 =	simm.s32 $0x1BFF;
	s21 =	sshll.u32 s6, $0x1;
	s3 =	sadd.s32 s4, s19  }
0x9c: {  	s7 =	simm.s32 $0x0;
	s20 =	sshll.u32 s5, $0x1;
	s5 =	sadd.s32 s21, s3  }
0x9d: {  	[timem:s7], [sflag:s22] =	dma.local [hbm:s5], s20  }
0x9e: {  	_ =	swait.ge [sflag:s22], s20  }
0x9f: {  	s4 =	ssub.s32 $0x0, s20;
	[sflag:s22] =	ssyncset.done $0x0  }
0xa0: {  	[sflag:s22] =	ssyncadd.s32 s4;
	_ =	sdelay $0x1  }
0xa1: {  	s23 =	simm.s32 $0x1B8B  }
0xa2: {  	_ =	swait.ge [sflag:s23], $0x1  }
0xa3: {  	[sflag:s23] =	ssyncset.done $0x0  }
0xa4: {  	s25 =	simm.s32 $0x1B8E;
	s24 =	sld [smem:$0x3FFE];
	[sflag:s23] =	ssyncadd.s32 $0xFFFFFFFF  }
0xa5: {  	s26 =	simm.s32 $execute0_lowered;
	[smem:$0x3FD2] =	sst s25  }
0xa6: {  	s5 =	sshll.u32 s26, $0x1;
	_ =	strace $0x8000004C;
	[dreg:$0x1] =	wrdreg $0xFFFFFFFF  }
0xa7: {  	s28 =	simm.s32 $_size_execute0_lowered;
	s3 =	sadd.s32 s3, s5;
	[dreg:$0x0] =	wrdreg $0x0  }
0xa8: {  	s5 =	sshll.u32 s28, $0x1;
	[dreg:$0x2] =	wrdreg s3  }
0xa9: {  	[dreg:$0x3] =	wrdreg s5  }
0xaa: {  	[dreg:$0x4] =	wrdreg $0xC0  }
0xab: {  	_ =	task [dreg:s7], $0x5FFFF  }
0xac: {  	[dreg:$0x1] =	wrdreg $0xFFFFFFFF  }
0xad: {  	[dreg:$0x0] =	wrdreg $0x60  }
0xae: {  	[dreg:$0x2] =	wrdreg s24  }
0xaf: {  	[dreg:$0x3] =	wrdreg s2  }
0xb0: {  	[dreg:$0x4] =	wrdreg $0x0  }
0xb1: {  	[dreg:$0x5] =	wrdreg $0x9  }
0xb2: {  	_ =	task.clear_ibuf [dreg:s7], $0x6FFFF;
	_ =	strace $0x9000004C  }
0xb3: {  	s29 =	simm.s32 $0x9;
	_ =	strace $0x8000004E  }
0xb4: {  	_ =	swait.ge [sflag:s29], $0x1  }
0xb5: {  	[sflag:s29] =	ssyncadd.s32 $0xFFFFFFFF  }
0xb6: {  	_ =	strace $0x9000004E  }
0xb7: {  	_ =	sfence  }
0xb8: {  	s30 =	sld [smem:$0x0];
	_ =	sdelay $0x2  }
0xb9: {  	s31 =	sshll.u32 s1, $0xD;
	s1 =	sshrl.u32 s1, $0x2  }
0xba: {  	s3 =	sand.u32 $0x4000, s31;
	s1 =	sadd.s32 s1, s30  }
0xbb: {  	s0 =	sor.u32 s3, s0;
	s1 =	sshll.u32 s1, $0x11  }
0xbc: {  	s0 =	sor.u32 s1, s0  }
0xbd: {  	s0 =	sadd.s32 $0x8F2B, s0  }
0xbe: {  	[sflag:s0] =	ssyncadd.remote.s32 $0x1  }
0xbf: {  	_ =	sfence.sel $0xFFFF  }
0xc0: {  	[dreg:$0x0] =	wrdreg $0xFFFFFFFF;
	(pc) =	sbr.abs _section_cstart, $3  }
0xc1: {  	[dreg:$0x1] =	wrdreg $0xFFFFFFFF  }
0xc2: {  	_ =	task.clear_ibuf [dreg:s7], $0x2FFFF;
	_ =	strace $0x9FFFFFFF  }
0xc3: {  	(tm) =	ssettm $0x7FFFFFFF  }
tec
execute0_lowered:
.L_overlay_start_1:
0x0: {  	(tag) =	ssettag $0x1  }
0x1: {  	s1 =	rddreg [dreg:$0x0];
	s0 =	stileid.u32  }
0x2: {  	s2 =	srdreg.scid;
	s3 =	rddreg [dreg:$0x1]  }
0x3: {  	s29 =	simm.s32 $0x14000;
	s30 =	simm.s32 $0x3;
	s31 =	simm.s32 $0x15400  }
0x4: {  	s4 =	sand.u32 $0x1, s2;
	s5 =	sshll.u32 s0, $0x1;
	s2 =	rddreg [dreg:$0x2]  }
0x5: {  	s6 =	sadd.s32 $0x7B400, s1;
	s7 =	sadd.s32 $0x85400, s1;
	s11 =	smul.u32 $0x14000, s0  }
0x6: {  	s16 =	sadd.s32 $0x2C00, s1;
	s5 =	sor.u32 s4, s5;
	s8 =	ssub.s32 $0x2, s4  }
0x7: {  	s9 =	smul.u32 $0x140000, s4;
	p0 =	sne.s32 s4, $0x0;
	s4 =	simm.s32 $0x1A800  }
0x8: {  	s5 =	smul.u32 $0x2800, s5;
	s10 =	sshrl.u32 s8, $0x1;
	s12 =	sor.u32 $0x2800, s11  }
0x9: {  	s17 =	sadd.s32 $0x7800, s11;
	s13 =	sadd.s32 $0xA000, s11;
	s8 =	ssub.s32 s8, s10  }
0xa: {  	s22 =	sadd.s32 s9, s11;
	s24 =	sadd.s32 s9, s12;
	s19 =	sadd.s32 s9, s17  }
0xb: {  	s14 =	sadd.s32 s9, s13;
	s12 =	sadd.s32 s12, s2;
	s5 =	sshrl.u32 s5, $0x3  }
0xc: {  	s23 =	sshrl.u32 s22, $0x3;
	s26 =	sshrl.u32 s24, $0x3;
	s10 =	sshrl.u32 s19, $0x3  }
0xd: {  	s22 =	sadd.s32 $0xC800, s11;
	s8 =	smax.u32 s8, $0x1;
	s20 =	sadd.s32 s6, s5  }
0xe: {  	s21 =	sadd.s32 s3, s5;
	s5 =	sadd.s32 $0x280, s5;
	s25 =	sadd.s32 s7, s23  }
0xf: {  	s23 =	sadd.s32 $0xF000, s11;
	s24 =	sadd.s32 s9, s22;
	[dreg:$0x4] =	wrdreg s20  }
0x10: {  	[dreg:$0x5] =	wrdreg s21;
	s6 =	sadd.s32 s6, s5;
	s3 =	sadd.s32 s3, s5  }
0x11: {  	[dreg:$0x8] =	wrdreg s25;
	s5 =	sadd.s32 $0x5000, s11;
	s20 =	sadd.s32 s7, s10  }
0x12: {  	s21 =	sshrl.u32 s14, $0x3;
	s15 =	sadd.s32 s9, s23;
	[dreg:$0x6] =	wrdreg s6  }
0x13: {  	s11 =	sadd.s32 $0x11800, s11;
	s14 =	sshrl.u32 s24, $0x3;
	[dreg:$0x7] =	wrdreg s3  }
0x14: {  	s3 =	sadd.s32 s7, s26;
	s18 =	sadd.s32 s9, s5;
	[dreg:$0xb] =	wrdreg s20  }
0x15: {  	s15 =	sshrl.u32 s15, $0x3;
	s9 =	sadd.s32 s9, s11;
	s14 =	sadd.s32 s7, s14  }
0x16: {  	s26 =	smul.u32 $0x50000, s0;
	[dreg:$0x9] =	wrdreg s3;
	s6 =	sshrl.u32 s18, $0x3  }
0x17: {  	[dreg:$0xd] =	wrdreg s14;
	s25 =	sadd.s32 s7, s15;
	s9 =	sshrl.u32 s9, $0x3  }
0x18: {  	s15 =	simm.s32 $0x0;
	s3 =	sadd.s32 s5, s2;
	s5 =	sadd.s32 s17, s2  }
0x19: {  	s14 =	sadd.s32 s13, s2;
	s17 =	sadd.s32 s23, s2;
	[dreg:$0xe] =	wrdreg s25  }
0x1a: {  	s6 =	sadd.s32 s7, s6;
	[smem:$0x7FF] =	sst s15;
	s23 =	sshrl.u32 s5, $0x3  }
0x1b: {  	s24 =	sshrl.u32 s14, $0x3;
	[dreg:$0xa] =	wrdreg s6;
	s6 =	sadd.s32 s7, s21  }
0x1c: {  	s5 =	simm.s32 $0x1;
	s7 =	sadd.s32 s7, s9;
	[dreg:$0xc] =	wrdreg s6  }
0x1d: {  	s9 =	smul.u32 $0x2800, s0;
	s21 =	sadd.s32 s11, s2;
	[dreg:$0xf] =	wrdreg s7  }
0x1e: {  	s7 =	sshrl.u32 s26, $0x2;
	s6 =	sadd.s32 s22, s2;
	s26 =	sshrl.u32 s12, $0x3  }
0x1f: {  	s22 =	sshrl.u32 s3, $0x3;
	s28 =	sshrl.u32 s21, $0x3;
	s3 =	simm.s32 $0x16800  }
0x20: {  	_ =	strace $0x8000004D;
	s1 =	sadd.s32 s9, s1;
	[dreg:$0x10] =	wrdreg s8  }
0x21: {  	s18 =	sadd.s32 s7, s2;
	s20 =	sadd.s32 s9, s16;
	[dreg:$0x11] =	wrdreg s26  }
0x22: {  	s25 =	sshrl.u32 s6, $0x3;
	s26 =	sshrl.u32 s17, $0x3;
	s6 =	simm.s32 $0x2  }
0x23: {  	s7 =	simm.s32 $0x16700;
	s19 =	sadd.s32 $0x2AC00, s1;
	s1 =	simm.s32 $0x80  }
.LBB2_1:
0x24: {  	s8 =	sshll.u32 @p0 s0, $0x6;
	s10 =	simm.s32 @p0 $0x3  }
0x25: {  	s9 =	sadd.s32 @p0 $0x0, s19;
	s11 =	sshrl.u32 @p0 s18, $0x3;
	s8 =	sor.u32 @p0 $0x1C03, s8  }
0x26: {  	[spmem:s11], [sflag:s8] =	dma.local @p0 [hbm:s9], $0x500  }
0x27: {  	s12 =	sshrl.u32 @!p0 s18, $0x3;
	_ =	swait.ge @p0 [sflag:s10], $0x500  }
0x28: {  	s13 =	sadd.s32 @!p0 $0x0, s20;
	s9 =	sshll.u32 @!p0 s0, $0x6;
	[sflag:s10] =	ssyncset.done @p0 $0x0  }
0x29: {  	s11 =	simm.s32 @!p0 $0x4;
	s9 =	sor.u32 @!p0 $0x1C04, s9;
	[sflag:s10] =	ssyncadd.s32 @p0 $0xFFFFFB00  }
0x2a: {  	[spmem:s12], [sflag:s9] =	dma.local @!p0 [hbm:s13], $0x500  }
0x2b: {  	s14 =	simm.s32 $0xA00;
	_ =	swait.ge @!p0 [sflag:s11], $0x500  }
0x2c: {  	s12 =	simm.s32 $0x500;
	s13 =	sadd.s32 $0x2800, s18;
	[sflag:s11] =	ssyncset.done @!p0 $0x0  }
.LBB2_2:
0x2d: {  	[sflag:s11] =	ssyncadd.s32 @!p0 $0xFFFFFB00  }
0x2e: {  	s17 =	sadd.s32 @p0 s12, s19;
	s21 =	sshrl.u32 @p0 s13, $0x3  }
0x2f: {  	[spmem:s21], [sflag:s8] =	dma.local @p0 [hbm:s17], $0x500  }
0x30: {  	s17 =	sshrl.u32 @!p0 s13, $0x3;
	_ =	swait.ge @p0 [sflag:s10], $0x500  }
0x31: {  	[sflag:s10] =	ssyncset.done @p0 $0x0  }
0x32: {  	s12 =	sadd.s32 @!p0 s12, s20;
	[sflag:s10] =	ssyncadd.s32 @p0 $0xFFFFFB00  }
0x33: {  	[spmem:s17], [sflag:s9] =	dma.local @!p0 [hbm:s12], $0x500  }
0x34: {  	s12 =	smov.u32 s14;
	s14 =	sadd.s32 $0x500, s14  }
0x35: {  	p1 =	sne.s32 s14, $0x2800  }
.Ltmp0:
0x36: {  	_ = 	snop;
	(pc) =	sbr.rel @p1 .LBB2_2-.Ltmp0, $3  }
0x37: {  	_ =	sdelay $0x1  }
0x38: {  	_ =	swait.ge @!p0 [sflag:s11], $0x500  }
0x39: {  	s13 =	sadd.s32 $0x2800, s13;
	[sflag:s11] =	ssyncset.done @!p0 $0x0  }
0x3a: {  	s10 =	simm.s32 @p0 $0x3  }
0x3b: {  	[sflag:s11] =	ssyncadd.s32 @!p0 $0xFFFFFB00;
	s11 =	sadd.s32 @p0 s12, s19;
	s14 =	sshrl.u32 @p0 s13, $0x3  }
0x3c: {  	[spmem:s14], [sflag:s8] =	dma.local @p0 [hbm:s11], $0x500  }
0x3d: {  	_ =	swait.ge @p0 [sflag:s10], $0x500  }
0x3e: {  	s8 =	sshrl.u32 @!p0 s13, $0x3;
	[sflag:s10] =	ssyncset.done @p0 $0x0  }
0x3f: {  	s11 =	simm.s32 @!p0 $0x4;
	[sflag:s10] =	ssyncadd.s32 @p0 $0xFFFFFB00;
	s10 =	sadd.s32 @!p0 s12, s20  }
0x40: {  	[spmem:s8], [sflag:s9] =	dma.local @!p0 [hbm:s10], $0x500  }
0x41: {  	_ =	swait.ge @!p0 [sflag:s11], $0x500  }
0x42: {  	[sflag:s11] =	ssyncset.done @!p0 $0x0  }
0x43: {  	[sflag:s11] =	ssyncadd.s32 @!p0 $0xFFFFFB00  }
0x44: {  	[bflag:$0x0] =	sbarrier.arrive $0xFFFF  }
0x45: {  	s10 =	simm.s32 $0x0;
	s11 =	rddreg [dreg:$0x4]  }
0x46: {  	[tilespmem:s29], [sflag:$0x3] =	stream.linear.gather [hbm4b:s11+s10], $0x1400, $0x38;
	[tilespmem:$0x1E800] =	vst v63  }
0x47: {  	_ =	swait.ge [sflag:s30], $0x1400  }
0x48: {  	[sflag:s30] =	ssyncset.done $0x0  }
0x49: {  	s12 =	rddreg [dreg:$0x5];
	[sflag:s30] =	ssyncadd.s32 $0xFFFFEC00  }
0x4a: {  	[tilespmem:s31], [sflag:$0x3] =	stream.linear.gather [hbm4b:s12+s10], $0x1400, $0x38;
	[tilespmem:$0x1E800] =	vst v63  }
0x4b: {  	_ =	swait.ge [sflag:s30], $0x1400  }
0x4c: {  	[sflag:s30] =	ssyncset.done $0x0  }
0x4d: {  	[sflag:s30] =	ssyncadd.s32 $0xFFFFEC00  }
0x4e: {  	[tilespmem:s3], [sflag:$0x1] =	stream.indirect.gather [hbm4b:s16+s1], $0x80, s29, s1, $0xb8;
	[tilespmem:$0x1E800] =	vst v63  }
0x4f: {  	s13 =	simm.s32 $0x14080  }
0x50: {  	[tilespmem:s4], [sflag:$0x2] =	stream.indirect.gather [hbm4b:s16+s1], $0x80, s13, s1, $0xb8;
	[tilespmem:$0x1E800] =	vst v63  }
0x51: {  	_ =	swait.ge [sflag:s5], $0x4000  }
0x52: {  	[sflag:s5] =	ssyncset.done $0x0  }
0x53: {  	s14 =	simm.s32 $0x15400;
	[sflag:s5] =	ssyncadd.s32 $0xFFFFC000  }
0x54: {  	[spmem:s2] =	stream.indirect.scatter.add.f32 [tilespmem:s3], [sflag:$0x3], $0x80, s14, s1, $0xb8;
	[tilespmem:$0x1E800] =	vst v63  }
0x55: {  	_ =	swait.ge [sflag:s30], $0x4000  }
0x56: {  	[sflag:s30] =	ssyncset.done $0x0  }
0x57: {  	s17 =	simm.s32 $0x14100;
	[sflag:s30] =	ssyncadd.s32 $0xFFFFC000  }
0x58: {  	[tilespmem:s3], [sflag:$0x1] =	stream.indirect.gather [hbm4b:s16+s1], $0x80, s17, s1, $0xb8;
	[tilespmem:$0x1E800] =	vst v63  }
0x59: {  	_ =	swait.ge [sflag:s6], $0x4000  }
0x5a: {  	[sflag:s6] =	ssyncset.done $0x0  }
0x5b: {  	s21 =	simm.s32 $0x15480;
	[sflag:s6] =	ssyncadd.s32 $0xFFFFC000  }
0x5c: {  	[spmem:s2] =	stream.indirect.scatter.add.f32 [tilespmem:s4], [sflag:$0x3], $0x80, s21, s1, $0xb8;
	[tilespmem:$0x1E800] =	vst v63  }
0x5d: {  	_ =	swait.ge [sflag:s30], $0x4000  }
0x5e: {  	s9 =	simm.s32 $0x800;
	s8 =	simm.s32 $0x100;
	[sflag:s30] =	ssyncset.done $0x0  }
.LBB2_4:
0x5f: {  	s10 =	sadd.s32 $0x14080, s8  }
0x60: {  	[sflag:s30] =	ssyncadd.s32 $0xFFFFC000;
	s11 =	smov.u32 s9;
	s12 =	sadd.s32 $0x400, s9  }
0x61: {  	[tilespmem:s4], [sflag:$0x2] =	stream.indirect.gather [hbm4b:s16+s1], $0x80, s10, s1, $0xb8;
	[tilespmem:$0x1E800] =	vst v63  }
0x62: {  	p1 =	sne.s32 s9, $0x4800;
	_ =	swait.ge [sflag:s5], $0x4000  }
0x63: {  	[sflag:s5] =	ssyncset.done $0x0  }
0x64: {  	s9 =	sadd.s32 $0x15400, s8;
	[sflag:s5] =	ssyncadd.s32 $0xFFFFC000  }
0x65: {  	[spmem:s2] =	stream.indirect.scatter.add.f32 [tilespmem:s3], [sflag:$0x3], $0x80, s9, s1, $0xb8;
	[tilespmem:$0x1E800] =	vst v63  }
0x66: {  	_ =	swait.ge [sflag:s30], $0x4000  }
0x67: {  	[sflag:s30] =	ssyncset.done $0x0  }
0x68: {  	s9 =	sadd.s32 $0x14100, s8;
	[sflag:s30] =	ssyncadd.s32 $0xFFFFC000  }
0x69: {  	[tilespmem:s3], [sflag:$0x1] =	stream.indirect.gather [hbm4b:s16+s1], $0x80, s9, s1, $0xb8;
	[tilespmem:$0x1E800] =	vst v63  }
0x6a: {  	_ =	swait.ge [sflag:s6], $0x4000  }
.Ltmp1:
0x6b: {  	[sflag:s6] =	ssyncset.done $0x0;
	(pc) =	sbr.rel @p1 .LBB2_4-.Ltmp1, $4  }
0x6c: {  	s8 =	sadd.s32 $0x15480, s8;
	[sflag:s6] =	ssyncadd.s32 $0xFFFFC000  }
0x6d: {  	[spmem:s2] =	stream.indirect.scatter.add.f32 [tilespmem:s4], [sflag:$0x3], $0x80, s8, s1, $0xb8;
	[tilespmem:$0x1E800] =	vst v63  }
0x6e: {  	_ =	swait.ge [sflag:s30], $0x4000  }
0x6f: {  	s9 =	smov.u32 s12;
	s8 =	sshra.s32 s11, $0x2;
	[sflag:s30] =	ssyncset.done $0x0  }
0x70: {  	s9 =	sadd.s32 $0x14080, s8;
	[sflag:s30] =	ssyncadd.s32 $0xFFFFC000  }
0x71: {  	[tilespmem:s4], [sflag:$0x2] =	stream.indirect.gather [hbm4b:s16+s1], $0x80, s9, s1, $0xb8;
	[tilespmem:$0x1E800] =	vst v63  }
0x72: {  	_ =	swait.ge [sflag:s5], $0x4000  }
0x73: {  	[sflag:s5] =	ssyncset.done $0x0  }
0x74: {  	s13 =	sadd.s32 $0x15400, s8;
	[sflag:s5] =	ssyncadd.s32 $0xFFFFC000  }
0x75: {  	[spmem:s2] =	stream.indirect.scatter.add.f32 [tilespmem:s3], [sflag:$0x3], $0x80, s13, s1, $0xb8;
	[tilespmem:$0x1E800] =	vst v63  }
0x76: {  	_ =	swait.ge [sflag:s30], $0x4000  }
0x77: {  	[sflag:s30] =	ssyncset.done $0x0  }
0x78: {  	s14 =	sadd.s32 $0x14100, s8;
	[sflag:s30] =	ssyncadd.s32 $0xFFFFC000  }
0x79: {  	[tilespmem:s3], [sflag:$0x1] =	stream.indirect.gather [hbm4b:s16+s1], $0x80, s14, s1, $0xb8;
	[tilespmem:$0x1E800] =	vst v63  }
0x7a: {  	_ =	swait.ge [sflag:s6], $0x4000  }
0x7b: {  	[sflag:s6] =	ssyncset.done $0x0  }
0x7c: {  	s17 =	sadd.s32 $0x15480, s8;
	[sflag:s6] =	ssyncadd.s32 $0xFFFFC000  }
0x7d: {  	[spmem:s2] =	stream.indirect.scatter.add.f32 [tilespmem:s4], [sflag:$0x3], $0x80, s17, s1, $0xb8;
	[tilespmem:$0x1E800] =	vst v63  }
0x7e: {  	_ =	swait.ge [sflag:s30], $0x4000  }
0x7f: {  	[sflag:s30] =	ssyncset.done $0x0  }
0x80: {  	s21 =	simm.s32 $0x15380;
	[sflag:s30] =	ssyncadd.s32 $0xFFFFC000  }
0x81: {  	[tilespmem:s4], [sflag:$0x2] =	stream.indirect.gather [hbm4b:s16+s1], $0x80, s21, s1, $0xb8;
	[tilespmem:$0x1E800] =	vst v63  }
0x82: {  	_ =	swait.ge [sflag:s5], $0x4000  }
0x83: {  	[sflag:s5] =	ssyncset.done $0x0  }
0x84: {  	[sflag:s5] =	ssyncadd.s32 $0xFFFFC000  }
0x85: {  	[spmem:s2] =	stream.indirect.scatter.add.f32 [tilespmem:s3], [sflag:$0x3], $0x80, s7, s1, $0xb8;
	[tilespmem:$0x1E800] =	vst v63  }
0x86: {  	_ =	swait.ge [sflag:s30], $0x4000  }
0x87: {  	[sflag:s30] =	ssyncset.done $0x0  }
0x88: {  	[sflag:s30] =	ssyncadd.s32 $0xFFFFC000  }
0x89: {  	_ =	swait.ge [sflag:s6], $0x4000  }
0x8a: {  	[sflag:s6] =	ssyncset.done $0x0  }
0x8b: {  	s9 =	simm.s32 $0x16780;
	[sflag:s6] =	ssyncadd.s32 $0xFFFFC000  }
0x8c: {  	[spmem:s2] =	stream.indirect.scatter.add.f32 [tilespmem:s4], [sflag:$0x3], $0x80, s9, s1, $0xb8;
	[tilespmem:$0x1E800] =	vst v63  }
0x8d: {  	_ =	swait.ge [sflag:s30], $0x4000  }
0x8e: {  	[sflag:s30] =	ssyncset.done $0x0  }
0x8f: {  	s10 =	simm.s32 $0x0;
	s11 =	rddreg [dreg:$0x6];
	[sflag:s30] =	ssyncadd.s32 $0xFFFFC000  }
0x90: {  	[tilespmem:s29], [sflag:$0x3] =	stream.linear.gather [hbm4b:s11+s10], $0x1380, $0x38;
	[tilespmem:$0x1E800] =	vst v63  }
0x91: {  	_ =	swait.ge [sflag:s30], $0x1380  }
0x92: {  	[sflag:s30] =	ssyncset.done $0x0  }
0x93: {  	s12 =	rddreg [dreg:$0x7];
	[sflag:s30] =	ssyncadd.s32 $0xFFFFEC80  }
0x94: {  	[tilespmem:s31], [sflag:$0x3] =	stream.linear.gather [hbm4b:s12+s10], $0x1380, $0x38;
	[tilespmem:$0x1E800] =	vst v63  }
0x95: {  	_ =	swait.ge [sflag:s30], $0x1380  }
0x96: {  	[sflag:s30] =	ssyncset.done $0x0  }
0x97: {  	[sflag:s30] =	ssyncadd.s32 $0xFFFFEC80  }
0x98: {  	[tilespmem:s3], [sflag:$0x1] =	stream.indirect.gather [hbm4b:s16+s1], $0x80, s29, s1, $0xb8;
	[tilespmem:$0x1E800] =	vst v63  }
0x99: {  	s13 =	simm.s32 $0x14080  }
0x9a: {  	[tilespmem:s4], [sflag:$0x2] =	stream.indirect.gather [hbm4b:s16+s1], $0x80, s13, s1, $0xb8;
	[tilespmem:$0x1E800] =	vst v63  }
0x9b: {  	_ =	swait.ge [sflag:s5], $0x4000  }
0x9c: {  	[sflag:s5] =	ssyncset.done $0x0  }
0x9d: {  	s14 =	simm.s32 $0x15400;
	[sflag:s5] =	ssyncadd.s32 $0xFFFFC000  }
0x9e: {  	[spmem:s2] =	stream.indirect.scatter.add.f32 [tilespmem:s3], [sflag:$0x3], $0x80, s14, s1, $0xb8;
	[tilespmem:$0x1E800] =	vst v63  }
0x9f: {  	_ =	swait.ge [sflag:s30], $0x4000  }
0xa0: {  	[sflag:s30] =	ssyncset.done $0x0  }
0xa1: {  	s17 =	simm.s32 $0x14100;
	[sflag:s30] =	ssyncadd.s32 $0xFFFFC000  }
0xa2: {  	[tilespmem:s3], [sflag:$0x1] =	stream.indirect.gather [hbm4b:s16+s1], $0x80, s17, s1, $0xb8;
	[tilespmem:$0x1E800] =	vst v63  }
0xa3: {  	_ =	swait.ge [sflag:s6], $0x4000  }
0xa4: {  	[sflag:s6] =	ssyncset.done $0x0  }
0xa5: {  	s21 =	simm.s32 $0x15480;
	[sflag:s6] =	ssyncadd.s32 $0xFFFFC000  }
0xa6: {  	[spmem:s2] =	stream.indirect.scatter.add.f32 [tilespmem:s4], [sflag:$0x3], $0x80, s21, s1, $0xb8;
	[tilespmem:$0x1E800] =	vst v63  }
0xa7: {  	_ =	swait.ge [sflag:s30], $0x4000  }
0xa8: {  	s8 =	simm.s32 $0x100;
	s9 =	simm.s32 $0x800;
	[sflag:s30] =	ssyncset.done $0x0  }
.LBB2_6:
0xa9: {  	s10 =	sadd.s32 $0x14080, s8  }
0xaa: {  	[sflag:s30] =	ssyncadd.s32 $0xFFFFC000;
	s11 =	smov.u32 s9;
	s12 =	sadd.s32 $0x400, s9  }
0xab: {  	[tilespmem:s4], [sflag:$0x2] =	stream.indirect.gather [hbm4b:s16+s1], $0x80, s10, s1, $0xb8;
	[tilespmem:$0x1E800] =	vst v63  }
0xac: {  	p1 =	sne.s32 s9, $0x4800;
	_ =	swait.ge [sflag:s5], $0x4000  }
0xad: {  	[sflag:s5] =	ssyncset.done $0x0  }
0xae: {  	s9 =	sadd.s32 $0x15400, s8;
	[sflag:s5] =	ssyncadd.s32 $0xFFFFC000  }
0xaf: {  	[spmem:s2] =	stream.indirect.scatter.add.f32 [tilespmem:s3], [sflag:$0x3], $0x80, s9, s1, $0xb8;
	[tilespmem:$0x1E800] =	vst v63  }
0xb0: {  	_ =	swait.ge [sflag:s30], $0x4000  }
0xb1: {  	[sflag:s30] =	ssyncset.done $0x0  }
0xb2: {  	s9 =	sadd.s32 $0x14100, s8;
	[sflag:s30] =	ssyncadd.s32 $0xFFFFC000  }
0xb3: {  	[tilespmem:s3], [sflag:$0x1] =	stream.indirect.gather [hbm4b:s16+s1], $0x80, s9, s1, $0xb8;
	[tilespmem:$0x1E800] =	vst v63  }
0xb4: {  	_ =	swait.ge [sflag:s6], $0x4000  }
.Ltmp2:
0xb5: {  	[sflag:s6] =	ssyncset.done $0x0;
	(pc) =	sbr.rel @p1 .LBB2_6-.Ltmp2, $4  }
0xb6: {  	s8 =	sadd.s32 $0x15480, s8;
	[sflag:s6] =	ssyncadd.s32 $0xFFFFC000  }
0xb7: {  	[spmem:s2] =	stream.indirect.scatter.add.f32 [tilespmem:s4], [sflag:$0x3], $0x80, s8, s1, $0xb8;
	[tilespmem:$0x1E800] =	vst v63  }
0xb8: {  	_ =	swait.ge [sflag:s30], $0x4000  }
0xb9: {  	s9 =	smov.u32 s12;
	s8 =	sshra.s32 s11, $0x2;
	[sflag:s30] =	ssyncset.done $0x0  }
0xba: {  	s9 =	sadd.s32 $0x14080, s8;
	[sflag:s30] =	ssyncadd.s32 $0xFFFFC000  }
0xbb: {  	[tilespmem:s4], [sflag:$0x2] =	stream.indirect.gather [hbm4b:s16+s1], $0x80, s9, s1, $0xb8;
	[tilespmem:$0x1E800] =	vst v63  }
0xbc: {  	_ =	swait.ge [sflag:s5], $0x4000  }
0xbd: {  	[sflag:s5] =	ssyncset.done $0x0  }
0xbe: {  	s10 =	sadd.s32 $0x15400, s8;
	[sflag:s5] =	ssyncadd.s32 $0xFFFFC000  }
0xbf: {  	[spmem:s2] =	stream.indirect.scatter.add.f32 [tilespmem:s3], [sflag:$0x3], $0x80, s10, s1, $0xb8;
	[tilespmem:$0x1E800] =	vst v63  }
0xc0: {  	_ =	swait.ge [sflag:s30], $0x4000  }
0xc1: {  	[sflag:s30] =	ssyncset.done $0x0  }
0xc2: {  	s11 =	sadd.s32 $0x14100, s8;
	[sflag:s30] =	ssyncadd.s32 $0xFFFFC000  }
0xc3: {  	[tilespmem:s3], [sflag:$0x1] =	stream.indirect.gather [hbm4b:s16+s1], $0x80, s11, s1, $0xb8;
	[tilespmem:$0x1E800] =	vst v63  }
0xc4: {  	_ =	swait.ge [sflag:s6], $0x4000  }
0xc5: {  	[sflag:s6] =	ssyncset.done $0x0  }
0xc6: {  	s12 =	sadd.s32 $0x15480, s8;
	[sflag:s6] =	ssyncadd.s32 $0xFFFFC000  }
0xc7: {  	[spmem:s2] =	stream.indirect.scatter.add.f32 [tilespmem:s4], [sflag:$0x3], $0x80, s12, s1, $0xb8;
	[tilespmem:$0x1E800] =	vst v63  }
0xc8: {  	_ =	swait.ge [sflag:s30], $0x4000  }
0xc9: {  	[sflag:s30] =	ssyncset.done $0x0  }
0xca: {  	[sflag:s30] =	ssyncadd.s32 $0xFFFFC000  }
0xcb: {  	_ =	swait.ge [sflag:s5], $0x4000  }
0xcc: {  	[sflag:s5] =	ssyncset.done $0x0  }
0xcd: {  	[sflag:s5] =	ssyncadd.s32 $0xFFFFC000  }
0xce: {  	[spmem:s2] =	stream.indirect.scatter.add.f32 [tilespmem:s3], [sflag:$0x3], $0x80, s7, s1, $0xb8;
	[tilespmem:$0x1E800] =	vst v63  }
0xcf: {  	_ =	swait.ge [sflag:s30], $0x4000  }
0xd0: {  	[sflag:s30] =	ssyncset.done $0x0  }
0xd1: {  	[sflag:s30] =	ssyncadd.s32 $0xFFFFC000  }
0xd2: {  	s13 =	sshll.u32 s0, $0x6;
	[bflag:$0x0] =	sbarrier.arrive $0xFFFF  }
0xd3: {  	s14 =	sshrl.u32 s18, $0x3;
	s8 =	sor.u32 $0x1C03, s13;
	s10 =	rddreg [dreg:$0x8]  }
0xd4: {  	[hbm:s10], [sflag:s8] =	dma.local [spmem:s14], $0x500  }
0xd5: {  	_ =	swait.ge [sflag:s30], $0x500  }
0xd6: {  	[sflag:s30] =	ssyncset.done $0x0;
	s17 =	rddreg [dreg:$0x9]  }
0xd7: {  	s21 =	rddreg [dreg:$0x11];
	[sflag:s30] =	ssyncadd.s32 $0xFFFFFB00  }
0xd8: {  	[hbm:s17], [sflag:s8] =	dma.local [spmem:s21], $0x500  }
0xd9: {  	_ =	swait.ge [sflag:s30], $0x500  }
0xda: {  	[sflag:s30] =	ssyncset.done $0x0  }
0xdb: {  	s10 =	rddreg [dreg:$0xa];
	[sflag:s30] =	ssyncadd.s32 $0xFFFFFB00  }
0xdc: {  	[hbm:s10], [sflag:s8] =	dma.local [spmem:s22], $0x500  }
0xdd: {  	_ =	swait.ge [sflag:s30], $0x500  }
0xde: {  	[sflag:s30] =	ssyncset.done $0x0  }
0xdf: {  	s11 =	rddreg [dreg:$0xb];
	[sflag:s30] =	ssyncadd.s32 $0xFFFFFB00  }
0xe0: {  	[hbm:s11], [sflag:s8] =	dma.local [spmem:s23], $0x500  }
0xe1: {  	_ =	swait.ge [sflag:s30], $0x500  }
0xe2: {  	[sflag:s30] =	ssyncset.done $0x0  }
0xe3: {  	s12 =	rddreg [dreg:$0xc];
	[sflag:s30] =	ssyncadd.s32 $0xFFFFFB00  }
0xe4: {  	[hbm:s12], [sflag:s8] =	dma.local [spmem:s24], $0x500  }
0xe5: {  	_ =	swait.ge [sflag:s30], $0x500  }
0xe6: {  	[sflag:s30] =	ssyncset.done $0x0  }
0xe7: {  	s13 =	rddreg [dreg:$0xd];
	[sflag:s30] =	ssyncadd.s32 $0xFFFFFB00  }
0xe8: {  	[hbm:s13], [sflag:s8] =	dma.local [spmem:s25], $0x500  }
0xe9: {  	_ =	swait.ge [sflag:s30], $0x500  }
0xea: {  	[sflag:s30] =	ssyncset.done $0x0  }
0xeb: {  	s14 =	rddreg [dreg:$0xe];
	[sflag:s30] =	ssyncadd.s32 $0xFFFFFB00  }
0xec: {  	[hbm:s14], [sflag:s8] =	dma.local [spmem:s26], $0x500  }
0xed: {  	_ =	swait.ge [sflag:s30], $0x500  }
0xee: {  	[sflag:s30] =	ssyncset.done $0x0  }
0xef: {  	s17 =	rddreg [dreg:$0xf];
	[sflag:s30] =	ssyncadd.s32 $0xFFFFFB00  }
0xf0: {  	[hbm:s17], [sflag:s8] =	dma.local [spmem:s28], $0x500  }
0xf1: {  	_ =	swait.ge [sflag:s30], $0x500  }
0xf2: {  	s15 =	sadd.s32 $0x1, s15;
	s21 =	rddreg [dreg:$0x10]  }
0xf3: {  	p1 =	sne.s32 s15, s21  }
.Ltmp3:
0xf4: {  	_ = 	snop;
	(pc) =	sbr.rel @p1 .LBB2_1-.Ltmp3, $3  }
0xf5: {  	_ =	sdelay $0x1  }
0xf6: {  	[sflag:s30] =	ssyncset.done $0x0  }
0xf7: {  	[sflag:s30] =	ssyncadd.s32 $0xFFFFFB00  }
0xf8: {  	_ =	sfence.sel $0x180000  }
0xf9: {  	[bflag:$0x0] =	sbarrier.arrive $0xFFFF  }
0xfa: {  	_ =	strace $0x9000004D  }
0xfb: {  	[bflag:$0x2] =	sbarrier.arrive $0xFFFF  }
0xfc: {  	p0 =	sne.s32 s0, $0x0;
	s0 =	rddreg [dreg:$0x3]  }
0xfd: {  	s0 =	sadd.s32 @!p0 $0x100000, s0  }
0xfe: {  	[sflag:s0] =	ssyncadd.tile.s32 @!p0 $0x1;
	_ =	shalt  }
.Lfunc_end2:
_tile_overlayer_lowered:
.L_overlay_start_2:
0xff: {  	(tag) =	ssettag $0x2  }
0x100: {  	s0 =	rddreg [dreg:$0x0];
	s2 =	stileid.u32  }
0x101: {  	s1 =	rddreg [dreg:$0x1];
	p0 =	sne.s32 s2, $0x0  }
0x102: {  	s3 =	rddreg [dreg:$0x2];
	[bflag:$0x3] =	sbarrier.arrive $0xFFFF;
	s2 =	simm.s32 @!p0 $0x1C03  }
0x103: {  	[timem:s3], [sflag:s2] =	dma.local @!p0 [hbm:s0], s1  }
0x104: {  	s0 =	simm.s32 @!p0 $0x3  }
0x105: {  	_ =	swait.ge @!p0 [sflag:s0], s1  }
0x106: {  	s1 =	ssub.s32 @!p0 $0x0, s1;
	[sflag:s0] =	ssyncset.done @!p0 $0x0  }
0x107: {  	[sflag:s0] =	ssyncadd.s32 @!p0 s1  }
0x108: {  	[bflag:$0x3] =	sbarrier.arrive $0xFFFF  }
0x109: {  	_ =	shalt  }

// kernel: kernel.19.cloned.1.call-start
scs
__scs_entry_jumppad:
0x0: {  	(pc) =	sbr.rel $0x88, $3  }
0x1: {  	(tag) =	ssettag $0x0;
	lr =	simm.s32 $0x1  }
0x2: {  	[smem:$0x3F99] =	sst lr;
	_ =	strace $0xD0000000  }
0x3: {  	_ = 	snop  }
0x4: {  	_ = 	snop  }
0x5: {  	_ = 	snop  }
0x6: {  	_ = 	snop  }
0x7: {  	_ = 	snop  }
__scs_overlays_trampoline_lowered:
0x8: {  	[smem:$0x3FA8] =	sst s0  }
0x9: {  	[smem:$0x3FA9] =	sst s1  }
0xa: {  	[smem:$0x3FAA] =	sst s2  }
0xb: {  	[smem:$0x3FAB] =	sst s3  }
0xc: {  	[smem:$0x3FAC] =	sst s4  }
0xd: {  	[smem:$0x3FAD] =	sst s5  }
0xe: {  	[smem:$0x3FAE] =	sst s6  }
0xf: {  	[smem:$0x3FAF] =	sst s7  }
0x10: {  	[smem:$0x3FB0] =	sst s8  }
0x11: {  	[smem:$0x3FB1] =	sst s9;
	s0 =	simm.s32 @!p0 $0x0  }
0x12: {  	s1 =	sld [smem:$0x3F97];
	s0 =	simm.s32 @p0 $0x1  }
0x13: {  	[smem:$0x3FB2] =	sst s0;
	s0 =	simm.s32 @!p1 $0x0  }
0x14: {  	s2 =	sld [smem:$0x3F96];
	s0 =	simm.s32 @p1 $0x1  }
0x15: {  	[smem:$0x3FB3] =	sst s0;
	s0 =	simm.s32 @!p2 $0x0  }
0x16: {  	s3 =	sld [smem:$0x3FDB];
	s0 =	simm.s32 @p2 $0x1  }
0x17: {  	s4 =	simm.s32 $0x1BF5;
	[smem:$0x3FB5] =	sst s0  }
0x18: {  	s0 =	sld [smem:$0x3F98];
	_ =	swait.ge [sflag:s4], $0x0  }
0x19: {  	s7 =	sld [smem:$0x3F99]  }
0x1a: {  	s8 =	sadd.s32 $0xFFFFE003, lr  }
0x1b: {  	s9 =	sadd.s32 $0xFFFFFEF7, lr;
	s5 =	simm.s32 $0xFFFFFFFF;
	p2 =	slt.u32 s8, $0xFFFFF086  }
0x1c: {  	p1 =	slt.u32 s9, $0xF7A;
	s5 =	simm.s32 @!p2 $0x0  }
0x1d: {  	s5 =	simm.s32 @p1 $0x1;
	p0 =	seq.s32 s7, s2  }
0x1e: {  	s7 =	smul.u32 @!p0 $0xF7A, s2;
	p2 =	seq.s32 @!p0 s5, $0x0  }
0x1f: {  	s9 =	smul.u32 $0xF7A, s1;
	s8 =	simm.s32 @!p0 $0x1BF5;
	p2 =	por !p2, p0  }
0x20: {  	[sflag:s8] =	ssyncset.s32 @!p0 $0xFFFFF086;
	s6 =	sadd.s32 @!p0 s3, s7;
	s7 =	simm.s32 @!p0 $0x108  }
0x21: {  	s3 =	sadd.s32 s3, s9;
	s6 =	sadd.s32 @!p0 $0x88, s6;
	s7 =	simm.s32 @p2 $0x1082  }
0x22: {  	[simem:s7], [sflag:s8] =	dma.local @!p0 [hbm:s6], $0xF7A  }
0x23: {  	s9 =	sor.u32 $0xD0000000, s2;
	s6 =	simm.s32 $0x108;
	_ =	swait.ge @!p0 [sflag:s8], $0x0  }
0x24: {  	s3 =	sadd.s32 $0x88, s3;
	s6 =	simm.s32 @!p1 $0x1082;
	[sflag:s4] =	ssyncset.s32 $0xFFFFF086  }
0x25: {  	[simem:s6], [sflag:s4] =	dma.local [hbm:s3], $0xF7A  }
0x26: {  	[smem:$0x3F99] =	sst s1;
	(tag) =	ssettag s2;
	_ =	strace s9  }
0x27: {  	s1 =	sld [smem:$0x3FA9]  }
0x28: {  	s2 =	sld [smem:$0x3FAA]  }
0x29: {  	s4 =	sld [smem:$0x3FAC]  }
0x2a: {  	p0 =	seq.s32 s5, $0x0;
	s5 =	sld [smem:$0x3FAD]  }
0x2b: {  	s6 =	sld [smem:$0x3FAE]  }
0x2c: {  	s7 =	sld [smem:$0x3FAF]  }
0x2d: {  	s3 =	simm.s32 $0x108;
	s8 =	sld [smem:$0x3FB0]  }
0x2e: {  	s3 =	simm.s32 @!p0 $0x1082;
	s9 =	sld [smem:$0x3FB1]  }
0x2f: {  	lr =	sadd.s32 s0, s3;
	s0 =	sld [smem:$0x3FA8]  }
0x30: {  	s3 =	sld [smem:$0x3FAB]  }
0x31: {  	[smem:$0x3FB4] =	sst s10  }
0x32: {  	s10 =	sld [smem:$0x3FB2];
	_ =	sdelay $0x3  }
0x33: {  	p0 =	seq.s32 s10, $0x1;
	s10 =	sld [smem:$0x3FB4];
	_ =	sdelay $0x3  }
0x34: {  	[smem:$0x3FB4] =	sst s10  }
0x35: {  	s10 =	sld [smem:$0x3FB3];
	_ =	sdelay $0x3  }
0x36: {  	p1 =	seq.s32 s10, $0x1;
	s10 =	sld [smem:$0x3FB4];
	_ =	sdelay $0x3  }
0x37: {  	[smem:$0x3FB4] =	sst s10  }
0x38: {  	s10 =	sld [smem:$0x3FB5]  }
0x39: {  	_ = 	snop;
	(pc) =	sbr.ind lr, $3  }
0x3a: {  	_ = 	snop  }
0x3b: {  	_ = 	snop  }
0x3c: {  	p2 =	seq.s32 s10, $0x1;
	s10 =	sld [smem:$0x3FB4]  }
0x3d: {  	_ =	shalt  }
0x3e: {  	_ =	shalt  }
0x3f: {  	_ =	shalt  }
0x40: {  	_ =	shalt  }
0x41: {  	_ =	shalt  }
0x42: {  	_ =	shalt  }
0x43: {  	_ =	shalt  }
0x44: {  	_ =	shalt  }
0x45: {  	_ =	shalt  }
0x46: {  	_ =	shalt  }
0x47: {  	_ =	shalt  }
0x48: {  	_ =	shalt  }
0x49: {  	_ =	shalt  }
0x4a: {  	_ =	shalt  }
0x4b: {  	_ =	shalt  }
0x4c: {  	_ =	shalt  }
0x4d: {  	_ =	shalt  }
0x4e: {  	_ =	shalt  }
0x4f: {  	_ =	shalt  }
0x50: {  	_ =	shalt  }
0x51: {  	_ =	shalt  }
0x52: {  	_ =	shalt  }
0x53: {  	_ =	shalt  }
0x54: {  	_ =	shalt  }
0x55: {  	_ =	shalt  }
0x56: {  	_ =	shalt  }
0x57: {  	_ =	shalt  }
0x58: {  	_ =	shalt  }
0x59: {  	_ =	shalt  }
0x5a: {  	_ =	shalt  }
0x5b: {  	_ =	shalt  }
0x5c: {  	_ =	shalt  }
0x5d: {  	_ =	shalt  }
0x5e: {  	_ =	shalt  }
0x5f: {  	_ =	shalt  }
0x60: {  	_ =	shalt  }
0x61: {  	_ =	shalt  }
0x62: {  	_ =	shalt  }
0x63: {  	_ =	shalt  }
0x64: {  	_ =	shalt  }
0x65: {  	_ =	shalt  }
0x66: {  	_ =	shalt  }
0x67: {  	_ =	shalt  }
0x68: {  	_ =	shalt  }
0x69: {  	_ =	shalt  }
0x6a: {  	_ =	shalt  }
0x6b: {  	_ =	shalt  }
0x6c: {  	_ =	shalt  }
0x6d: {  	_ =	shalt  }
0x6e: {  	_ =	shalt  }
0x6f: {  	_ =	shalt  }
0x70: {  	_ =	shalt  }
0x71: {  	_ =	shalt  }
0x72: {  	_ =	shalt  }
0x73: {  	_ =	shalt  }
0x74: {  	_ =	shalt  }
0x75: {  	_ =	shalt  }
0x76: {  	_ =	shalt  }
0x77: {  	_ =	shalt  }
0x78: {  	_ =	shalt  }
0x79: {  	_ =	shalt  }
0x7a: {  	_ =	shalt  }
0x7b: {  	_ =	shalt  }
0x7c: {  	_ =	shalt  }
0x7d: {  	_ =	shalt  }
0x7e: {  	_ =	shalt  }
0x7f: {  	_ =	shalt  }
0x80: {  	_ =	shalt  }
0x81: {  	_ =	shalt  }
0x82: {  	_ =	shalt  }
0x83: {  	_ =	shalt  }
0x84: {  	_ =	shalt  }
0x85: {  	_ =	shalt  }
0x86: {  	_ =	shalt  }
0x87: {  	_ =	shalt  }
.Lfunc_end0:
.L_simem_size_0:
called_computation.3_lowered:
.L_overlay_start_0:
0x88: {  	s2 =	sld [smem:$0x3FD9]  }
0x89: {  	s3 =	sld [smem:$0x3FFE];
	_ =	sdelay $0x1  }
0x8a: {  	s1 =	srdreg.scid  }
0x8b: {  	s0 =	sand.u32 $0x1, s1  }
0x8c: {  	s17 =	sshll.u32 s0, $0xA;
	s2 =	sadd.s32 s3, s2  }
0x8d: {  	s2 =	sadd.s32 s2, s17  }
0x8e: {  	[smem:$0x3FC0] =	sst s2  }
0x8f: {  	_ = 	snop  }
0x90: {  	s2 =	sld [smem:$0x3FD0];
	(tm) =	ssettm $0x1  }
0x91: {  	s18 =	sld [smem:$0x3FFB];
	_ =	sdelay $0x3  }
0x92: {  	_ =	strace s18  }
0x93: {  	s3 =	sld [smem:$0x3FFC];
	_ =	sdelay $0x3  }
0x94: {  	_ =	strace s3  }
0x95: {  	s3 =	sld [smem:$0x3FFD];
	_ =	sdelay $0x3  }
0x96: {  	_ =	strace s3  }
0x97: {  	_ =	strace $0x8FFFFFFF  }
0x98: {  	s19 =	sld [smem:$0x3FDB];
	_ =	sdelay $0x1  }
0x99: {  	s4 =	simm.s32 $_scs_section_size  }
0x9a: {  	s5 =	simm.s32 $_size__tile_overlayer_lowered;
	s6 =	simm.s32 $_tile_overlayer_lowered  }
0x9b: {  	s22 =	simm.s32 $0x1BFF;
	s21 =	sshll.u32 s6, $0x1;
	s3 =	sadd.s32 s4, s19  }
0x9c: {  	s7 =	simm.s32 $0x0;
	s20 =	sshll.u32 s5, $0x1;
	s5 =	sadd.s32 s21, s3  }
0x9d: {  	[timem:s7], [sflag:s22] =	dma.local [hbm:s5], s20  }
0x9e: {  	_ =	swait.ge [sflag:s22], s20  }
0x9f: {  	s4 =	ssub.s32 $0x0, s20;
	[sflag:s22] =	ssyncset.done $0x0  }
0xa0: {  	[sflag:s22] =	ssyncadd.s32 s4;
	_ =	sdelay $0x1  }
0xa1: {  	s23 =	simm.s32 $0x1B8B  }
0xa2: {  	_ =	swait.ge [sflag:s23], $0x1  }
0xa3: {  	[sflag:s23] =	ssyncset.done $0x0  }
0xa4: {  	s25 =	simm.s32 $0x1B8E;
	s24 =	sld [smem:$0x3FFE];
	[sflag:s23] =	ssyncadd.s32 $0xFFFFFFFF  }
0xa5: {  	s26 =	simm.s32 $execute0_lowered;
	[smem:$0x3FD2] =	sst s25  }
0xa6: {  	s5 =	sshll.u32 s26, $0x1;
	_ =	strace $0x8000004F;
	[dreg:$0x1] =	wrdreg $0xFFFFFFFF  }
0xa7: {  	s28 =	simm.s32 $_size_execute0_lowered;
	s3 =	sadd.s32 s3, s5;
	[dreg:$0x0] =	wrdreg $0x0  }
0xa8: {  	s5 =	sshll.u32 s28, $0x1;
	[dreg:$0x2] =	wrdreg s3  }
0xa9: {  	[dreg:$0x3] =	wrdreg s5  }
0xaa: {  	[dreg:$0x4] =	wrdreg $0xC0  }
0xab: {  	_ =	task [dreg:s7], $0x5FFFF  }
0xac: {  	[dreg:$0x1] =	wrdreg $0xFFFFFFFF  }
0xad: {  	[dreg:$0x0] =	wrdreg $0x60  }
0xae: {  	[dreg:$0x2] =	wrdreg s24  }
0xaf: {  	[dreg:$0x3] =	wrdreg s2  }
0xb0: {  	[dreg:$0x4] =	wrdreg $0x0  }
0xb1: {  	[dreg:$0x5] =	wrdreg $0x9  }
0xb2: {  	_ =	task.clear_ibuf [dreg:s7], $0x6FFFF;
	_ =	strace $0x9000004F  }
0xb3: {  	s29 =	simm.s32 $0x9;
	_ =	strace $0x80000051  }
0xb4: {  	_ =	swait.ge [sflag:s29], $0x1  }
0xb5: {  	[sflag:s29] =	ssyncadd.s32 $0xFFFFFFFF  }
0xb6: {  	_ =	strace $0x90000051  }
0xb7: {  	_ =	sfence  }
0xb8: {  	s30 =	sld [smem:$0x0];
	_ =	sdelay $0x2  }
0xb9: {  	s31 =	sshll.u32 s1, $0xD;
	s1 =	sshrl.u32 s1, $0x2  }
0xba: {  	s3 =	sand.u32 $0x4000, s31;
	s1 =	sadd.s32 s1, s30  }
0xbb: {  	s0 =	sor.u32 s3, s0;
	s1 =	sshll.u32 s1, $0x11  }
0xbc: {  	s0 =	sor.u32 s1, s0  }
0xbd: {  	s0 =	sadd.s32 $0x8F2B, s0  }
0xbe: {  	[sflag:s0] =	ssyncadd.remote.s32 $0x1  }
0xbf: {  	_ =	sfence.sel $0xFFFF  }
0xc0: {  	[dreg:$0x0] =	wrdreg $0xFFFFFFFF;
	(pc) =	sbr.abs _section_cstart, $3  }
0xc1: {  	[dreg:$0x1] =	wrdreg $0xFFFFFFFF  }
0xc2: {  	_ =	task.clear_ibuf [dreg:s7], $0x2FFFF;
	_ =	strace $0x9FFFFFFF  }
0xc3: {  	(tm) =	ssettm $0x7FFFFFFF  }
tec
execute0_lowered:
.L_overlay_start_1:
0x0: {  	(tag) =	ssettag $0x1  }
0x1: {  	s1 =	rddreg [dreg:$0x0];
	s0 =	stileid.u32  }
0x2: {  	s2 =	srdreg.scid;
	s3 =	rddreg [dreg:$0x1]  }
0x3: {  	s29 =	simm.s32 $0x14000;
	s30 =	simm.s32 $0x3;
	s31 =	simm.s32 $0x15400  }
0x4: {  	s4 =	sand.u32 $0x1, s2;
	s5 =	sshll.u32 s0, $0x1;
	s2 =	rddreg [dreg:$0x2]  }
0x5: {  	s6 =	sadd.s32 $0x7B400, s1;
	s7 =	sadd.s32 $0x85400, s1;
	s11 =	smul.u32 $0x14000, s0  }
0x6: {  	s16 =	sadd.s32 $0x2C00, s1;
	s5 =	sor.u32 s4, s5;
	s8 =	ssub.s32 $0x2, s4  }
0x7: {  	s9 =	smul.u32 $0x140000, s4;
	p0 =	sne.s32 s4, $0x0;
	s4 =	simm.s32 $0x1A800  }
0x8: {  	s5 =	smul.u32 $0x2800, s5;
	s10 =	sshrl.u32 s8, $0x1;
	s12 =	sor.u32 $0x2800, s11  }
0x9: {  	s17 =	sadd.s32 $0x7800, s11;
	s13 =	sadd.s32 $0xA000, s11;
	s8 =	ssub.s32 s8, s10  }
0xa: {  	s22 =	sadd.s32 s9, s11;
	s24 =	sadd.s32 s9, s12;
	s19 =	sadd.s32 s9, s17  }
0xb: {  	s14 =	sadd.s32 s9, s13;
	s12 =	sadd.s32 s12, s2;
	s5 =	sshrl.u32 s5, $0x3  }
0xc: {  	s23 =	sshrl.u32 s22, $0x3;
	s26 =	sshrl.u32 s24, $0x3;
	s10 =	sshrl.u32 s19, $0x3  }
0xd: {  	s22 =	sadd.s32 $0xC800, s11;
	s8 =	smax.u32 s8, $0x1;
	s20 =	sadd.s32 s6, s5  }
0xe: {  	s21 =	sadd.s32 s3, s5;
	s5 =	sadd.s32 $0x280, s5;
	s25 =	sadd.s32 s7, s23  }
0xf: {  	s23 =	sadd.s32 $0xF000, s11;
	s24 =	sadd.s32 s9, s22;
	[dreg:$0x4] =	wrdreg s20  }
0x10: {  	[dreg:$0x5] =	wrdreg s21;
	s6 =	sadd.s32 s6, s5;
	s3 =	sadd.s32 s3, s5  }
0x11: {  	[dreg:$0x8] =	wrdreg s25;
	s5 =	sadd.s32 $0x5000, s11;
	s20 =	sadd.s32 s7, s10  }
0x12: {  	s21 =	sshrl.u32 s14, $0x3;
	s15 =	sadd.s32 s9, s23;
	[dreg:$0x6] =	wrdreg s6  }
0x13: {  	s11 =	sadd.s32 $0x11800, s11;
	s14 =	sshrl.u32 s24, $0x3;
	[dreg:$0x7] =	wrdreg s3  }
0x14: {  	s3 =	sadd.s32 s7, s26;
	s18 =	sadd.s32 s9, s5;
	[dreg:$0xb] =	wrdreg s20  }
0x15: {  	s15 =	sshrl.u32 s15, $0x3;
	s9 =	sadd.s32 s9, s11;
	s14 =	sadd.s32 s7, s14  }
0x16: {  	s26 =	smul.u32 $0x50000, s0;
	[dreg:$0x9] =	wrdreg s3;
	s6 =	sshrl.u32 s18, $0x3  }
0x17: {  	[dreg:$0xd] =	wrdreg s14;
	s25 =	sadd.s32 s7, s15;
	s9 =	sshrl.u32 s9, $0x3  }
0x18: {  	s15 =	simm.s32 $0x0;
	s3 =	sadd.s32 s5, s2;
	s5 =	sadd.s32 s17, s2  }
0x19: {  	s14 =	sadd.s32 s13, s2;
	s17 =	sadd.s32 s23, s2;
	[dreg:$0xe] =	wrdreg s25  }
0x1a: {  	s6 =	sadd.s32 s7, s6;
	[smem:$0x7FF] =	sst s15;
	s23 =	sshrl.u32 s5, $0x3  }
0x1b: {  	s24 =	sshrl.u32 s14, $0x3;
	[dreg:$0xa] =	wrdreg s6;
	s6 =	sadd.s32 s7, s21  }
0x1c: {  	s5 =	simm.s32 $0x1;
	s7 =	sadd.s32 s7, s9;
	[dreg:$0xc] =	wrdreg s6  }
0x1d: {  	s9 =	smul.u32 $0x2800, s0;
	s21 =	sadd.s32 s11, s2;
	[dreg:$0xf] =	wrdreg s7  }
0x1e: {  	s7 =	sshrl.u32 s26, $0x2;
	s6 =	sadd.s32 s22, s2;
	s26 =	sshrl.u32 s12, $0x3  }
0x1f: {  	s22 =	sshrl.u32 s3, $0x3;
	s28 =	sshrl.u32 s21, $0x3;
	s3 =	simm.s32 $0x16800  }
0x20: {  	_ =	strace $0x80000050;
	s1 =	sadd.s32 s9, s1;
	[dreg:$0x10] =	wrdreg s8  }
0x21: {  	s18 =	sadd.s32 s7, s2;
	s20 =	sadd.s32 s9, s16;
	[dreg:$0x11] =	wrdreg s26  }
0x22: {  	s25 =	sshrl.u32 s6, $0x3;
	s26 =	sshrl.u32 s17, $0x3;
	s6 =	simm.s32 $0x2  }
0x23: {  	s7 =	simm.s32 $0x16700;
	s19 =	sadd.s32 $0x2AC00, s1;
	s1 =	simm.s32 $0x80  }
.LBB2_1:
0x24: {  	s8 =	sshll.u32 @p0 s0, $0x6;
	s10 =	simm.s32 @p0 $0x3  }
0x25: {  	s9 =	sadd.s32 @p0 $0x0, s19;
	s11 =	sshrl.u32 @p0 s18, $0x3;
	s8 =	sor.u32 @p0 $0x1C03, s8  }
0x26: {  	[spmem:s11], [sflag:s8] =	dma.local @p0 [hbm:s9], $0x500  }
0x27: {  	s12 =	sshrl.u32 @!p0 s18, $0x3;
	_ =	swait.ge @p0 [sflag:s10], $0x500  }
0x28: {  	s13 =	sadd.s32 @!p0 $0x0, s20;
	s9 =	sshll.u32 @!p0 s0, $0x6;
	[sflag:s10] =	ssyncset.done @p0 $0x0  }
0x29: {  	s11 =	simm.s32 @!p0 $0x4;
	s9 =	sor.u32 @!p0 $0x1C04, s9;
	[sflag:s10] =	ssyncadd.s32 @p0 $0xFFFFFB00  }
0x2a: {  	[spmem:s12], [sflag:s9] =	dma.local @!p0 [hbm:s13], $0x500  }
0x2b: {  	s14 =	simm.s32 $0xA00;
	_ =	swait.ge @!p0 [sflag:s11], $0x500  }
0x2c: {  	s12 =	simm.s32 $0x500;
	s13 =	sadd.s32 $0x2800, s18;
	[sflag:s11] =	ssyncset.done @!p0 $0x0  }
.LBB2_2:
0x2d: {  	[sflag:s11] =	ssyncadd.s32 @!p0 $0xFFFFFB00  }
0x2e: {  	s17 =	sadd.s32 @p0 s12, s19;
	s21 =	sshrl.u32 @p0 s13, $0x3  }
0x2f: {  	[spmem:s21], [sflag:s8] =	dma.local @p0 [hbm:s17], $0x500  }
0x30: {  	s17 =	sshrl.u32 @!p0 s13, $0x3;
	_ =	swait.ge @p0 [sflag:s10], $0x500  }
0x31: {  	[sflag:s10] =	ssyncset.done @p0 $0x0  }
0x32: {  	s12 =	sadd.s32 @!p0 s12, s20;
	[sflag:s10] =	ssyncadd.s32 @p0 $0xFFFFFB00  }
0x33: {  	[spmem:s17], [sflag:s9] =	dma.local @!p0 [hbm:s12], $0x500  }
0x34: {  	s12 =	smov.u32 s14;
	s14 =	sadd.s32 $0x500, s14  }
0x35: {  	p1 =	sne.s32 s14, $0x2800  }
.Ltmp0:
0x36: {  	_ = 	snop;
	(pc) =	sbr.rel @p1 .LBB2_2-.Ltmp0, $3  }
0x37: {  	_ =	sdelay $0x1  }
0x38: {  	_ =	swait.ge @!p0 [sflag:s11], $0x500  }
0x39: {  	s13 =	sadd.s32 $0x2800, s13;
	[sflag:s11] =	ssyncset.done @!p0 $0x0  }
0x3a: {  	s10 =	simm.s32 @p0 $0x3  }
0x3b: {  	[sflag:s11] =	ssyncadd.s32 @!p0 $0xFFFFFB00;
	s11 =	sadd.s32 @p0 s12, s19;
	s14 =	sshrl.u32 @p0 s13, $0x3  }
0x3c: {  	[spmem:s14], [sflag:s8] =	dma.local @p0 [hbm:s11], $0x500  }
0x3d: {  	_ =	swait.ge @p0 [sflag:s10], $0x500  }
0x3e: {  	s8 =	sshrl.u32 @!p0 s13, $0x3;
	[sflag:s10] =	ssyncset.done @p0 $0x0  }
0x3f: {  	s11 =	simm.s32 @!p0 $0x4;
	[sflag:s10] =	ssyncadd.s32 @p0 $0xFFFFFB00;
	s10 =	sadd.s32 @!p0 s12, s20  }
0x40: {  	[spmem:s8], [sflag:s9] =	dma.local @!p0 [hbm:s10], $0x500  }
0x41: {  	_ =	swait.ge @!p0 [sflag:s11], $0x500  }
0x42: {  	[sflag:s11] =	ssyncset.done @!p0 $0x0  }
0x43: {  	[sflag:s11] =	ssyncadd.s32 @!p0 $0xFFFFFB00  }
0x44: {  	[bflag:$0x0] =	sbarrier.arrive $0xFFFF  }
0x45: {  	s10 =	simm.s32 $0x0;
	s11 =	rddreg [dreg:$0x4]  }
0x46: {  	[tilespmem:s29], [sflag:$0x3] =	stream.linear.gather [hbm4b:s11+s10], $0x1400, $0x38;
	[tilespmem:$0x1E800] =	vst v63  }
0x47: {  	_ =	swait.ge [sflag:s30], $0x1400  }
0x48: {  	[sflag:s30] =	ssyncset.done $0x0  }
0x49: {  	s12 =	rddreg [dreg:$0x5];
	[sflag:s30] =	ssyncadd.s32 $0xFFFFEC00  }
0x4a: {  	[tilespmem:s31], [sflag:$0x3] =	stream.linear.gather [hbm4b:s12+s10], $0x1400, $0x38;
	[tilespmem:$0x1E800] =	vst v63  }
0x4b: {  	_ =	swait.ge [sflag:s30], $0x1400  }
0x4c: {  	[sflag:s30] =	ssyncset.done $0x0  }
0x4d: {  	[sflag:s30] =	ssyncadd.s32 $0xFFFFEC00  }
0x4e: {  	[tilespmem:s3], [sflag:$0x1] =	stream.indirect.gather [hbm4b:s16+s1], $0x80, s29, s1, $0xb8;
	[tilespmem:$0x1E800] =	vst v63  }
0x4f: {  	s13 =	simm.s32 $0x14080  }
0x50: {  	[tilespmem:s4], [sflag:$0x2] =	stream.indirect.gather [hbm4b:s16+s1], $0x80, s13, s1, $0xb8;
	[tilespmem:$0x1E800] =	vst v63  }
0x51: {  	_ =	swait.ge [sflag:s5], $0x4000  }
0x52: {  	[sflag:s5] =	ssyncset.done $0x0  }
0x53: {  	s14 =	simm.s32 $0x15400;
	[sflag:s5] =	ssyncadd.s32 $0xFFFFC000  }
0x54: {  	[spmem:s2] =	stream.indirect.scatter.add.f32 [tilespmem:s3], [sflag:$0x3], $0x80, s14, s1, $0xb8;
	[tilespmem:$0x1E800] =	vst v63  }
0x55: {  	_ =	swait.ge [sflag:s30], $0x4000  }
0x56: {  	[sflag:s30] =	ssyncset.done $0x0  }
0x57: {  	s17 =	simm.s32 $0x14100;
	[sflag:s30] =	ssyncadd.s32 $0xFFFFC000  }
0x58: {  	[tilespmem:s3], [sflag:$0x1] =	stream.indirect.gather [hbm4b:s16+s1], $0x80, s17, s1, $0xb8;
	[tilespmem:$0x1E800] =	vst v63  }
0x59: {  	_ =	swait.ge [sflag:s6], $0x4000  }
0x5a: {  	[sflag:s6] =	ssyncset.done $0x0  }
0x5b: {  	s21 =	simm.s32 $0x15480;
	[sflag:s6] =	ssyncadd.s32 $0xFFFFC000  }
0x5c: {  	[spmem:s2] =	stream.indirect.scatter.add.f32 [tilespmem:s4], [sflag:$0x3], $0x80, s21, s1, $0xb8;
	[tilespmem:$0x1E800] =	vst v63  }
0x5d: {  	_ =	swait.ge [sflag:s30], $0x4000  }
0x5e: {  	s9 =	simm.s32 $0x800;
	s8 =	simm.s32 $0x100;
	[sflag:s30] =	ssyncset.done $0x0  }
.LBB2_4:
0x5f: {  	s10 =	sadd.s32 $0x14080, s8  }
0x60: {  	[sflag:s30] =	ssyncadd.s32 $0xFFFFC000;
	s11 =	smov.u32 s9;
	s12 =	sadd.s32 $0x400, s9  }
0x61: {  	[tilespmem:s4], [sflag:$0x2] =	stream.indirect.gather [hbm4b:s16+s1], $0x80, s10, s1, $0xb8;
	[tilespmem:$0x1E800] =	vst v63  }
0x62: {  	p1 =	sne.s32 s9, $0x4800;
	_ =	swait.ge [sflag:s5], $0x4000  }
0x63: {  	[sflag:s5] =	ssyncset.done $0x0  }
0x64: {  	s9 =	sadd.s32 $0x15400, s8;
	[sflag:s5] =	ssyncadd.s32 $0xFFFFC000  }
0x65: {  	[spmem:s2] =	stream.indirect.scatter.add.f32 [tilespmem:s3], [sflag:$0x3], $0x80, s9, s1, $0xb8;
	[tilespmem:$0x1E800] =	vst v63  }
0x66: {  	_ =	swait.ge [sflag:s30], $0x4000  }
0x67: {  	[sflag:s30] =	ssyncset.done $0x0  }
0x68: {  	s9 =	sadd.s32 $0x14100, s8;
	[sflag:s30] =	ssyncadd.s32 $0xFFFFC000  }
0x69: {  	[tilespmem:s3], [sflag:$0x1] =	stream.indirect.gather [hbm4b:s16+s1], $0x80, s9, s1, $0xb8;
	[tilespmem:$0x1E800] =	vst v63  }
0x6a: {  	_ =	swait.ge [sflag:s6], $0x4000  }
.Ltmp1:
0x6b: {  	[sflag:s6] =	ssyncset.done $0x0;
	(pc) =	sbr.rel @p1 .LBB2_4-.Ltmp1, $4  }
0x6c: {  	s8 =	sadd.s32 $0x15480, s8;
	[sflag:s6] =	ssyncadd.s32 $0xFFFFC000  }
0x6d: {  	[spmem:s2] =	stream.indirect.scatter.add.f32 [tilespmem:s4], [sflag:$0x3], $0x80, s8, s1, $0xb8;
	[tilespmem:$0x1E800] =	vst v63  }
0x6e: {  	_ =	swait.ge [sflag:s30], $0x4000  }
0x6f: {  	s9 =	smov.u32 s12;
	s8 =	sshra.s32 s11, $0x2;
	[sflag:s30] =	ssyncset.done $0x0  }
0x70: {  	s9 =	sadd.s32 $0x14080, s8;
	[sflag:s30] =	ssyncadd.s32 $0xFFFFC000  }
0x71: {  	[tilespmem:s4], [sflag:$0x2] =	stream.indirect.gather [hbm4b:s16+s1], $0x80, s9, s1, $0xb8;
	[tilespmem:$0x1E800] =	vst v63  }
0x72: {  	_ =	swait.ge [sflag:s5], $0x4000  }
0x73: {  	[sflag:s5] =	ssyncset.done $0x0  }
0x74: {  	s13 =	sadd.s32 $0x15400, s8;
	[sflag:s5] =	ssyncadd.s32 $0xFFFFC000  }
0x75: {  	[spmem:s2] =	stream.indirect.scatter.add.f32 [tilespmem:s3], [sflag:$0x3], $0x80, s13, s1, $0xb8;
	[tilespmem:$0x1E800] =	vst v63  }
0x76: {  	_ =	swait.ge [sflag:s30], $0x4000  }
0x77: {  	[sflag:s30] =	ssyncset.done $0x0  }
0x78: {  	s14 =	sadd.s32 $0x14100, s8;
	[sflag:s30] =	ssyncadd.s32 $0xFFFFC000  }
0x79: {  	[tilespmem:s3], [sflag:$0x1] =	stream.indirect.gather [hbm4b:s16+s1], $0x80, s14, s1, $0xb8;
	[tilespmem:$0x1E800] =	vst v63  }
0x7a: {  	_ =	swait.ge [sflag:s6], $0x4000  }
0x7b: {  	[sflag:s6] =	ssyncset.done $0x0  }
0x7c: {  	s17 =	sadd.s32 $0x15480, s8;
	[sflag:s6] =	ssyncadd.s32 $0xFFFFC000  }
0x7d: {  	[spmem:s2] =	stream.indirect.scatter.add.f32 [tilespmem:s4], [sflag:$0x3], $0x80, s17, s1, $0xb8;
	[tilespmem:$0x1E800] =	vst v63  }
0x7e: {  	_ =	swait.ge [sflag:s30], $0x4000  }
0x7f: {  	[sflag:s30] =	ssyncset.done $0x0  }
0x80: {  	s21 =	simm.s32 $0x15380;
	[sflag:s30] =	ssyncadd.s32 $0xFFFFC000  }
0x81: {  	[tilespmem:s4], [sflag:$0x2] =	stream.indirect.gather [hbm4b:s16+s1], $0x80, s21, s1, $0xb8;
	[tilespmem:$0x1E800] =	vst v63  }
0x82: {  	_ =	swait.ge [sflag:s5], $0x4000  }
0x83: {  	[sflag:s5] =	ssyncset.done $0x0  }
0x84: {  	[sflag:s5] =	ssyncadd.s32 $0xFFFFC000  }
0x85: {  	[spmem:s2] =	stream.indirect.scatter.add.f32 [tilespmem:s3], [sflag:$0x3], $0x80, s7, s1, $0xb8;
	[tilespmem:$0x1E800] =	vst v63  }
0x86: {  	_ =	swait.ge [sflag:s30], $0x4000  }
0x87: {  	[sflag:s30] =	ssyncset.done $0x0  }
0x88: {  	[sflag:s30] =	ssyncadd.s32 $0xFFFFC000  }
0x89: {  	_ =	swait.ge [sflag:s6], $0x4000  }
0x8a: {  	[sflag:s6] =	ssyncset.done $0x0  }
0x8b: {  	s9 =	simm.s32 $0x16780;
	[sflag:s6] =	ssyncadd.s32 $0xFFFFC000  }
0x8c: {  	[spmem:s2] =	stream.indirect.scatter.add.f32 [tilespmem:s4], [sflag:$0x3], $0x80, s9, s1, $0xb8;
	[tilespmem:$0x1E800] =	vst v63  }
0x8d: {  	_ =	swait.ge [sflag:s30], $0x4000  }
0x8e: {  	[sflag:s30] =	ssyncset.done $0x0  }
0x8f: {  	s10 =	simm.s32 $0x0;
	s11 =	rddreg [dreg:$0x6];
	[sflag:s30] =	ssyncadd.s32 $0xFFFFC000  }
0x90: {  	[tilespmem:s29], [sflag:$0x3] =	stream.linear.gather [hbm4b:s11+s10], $0x1380, $0x38;
	[tilespmem:$0x1E800] =	vst v63  }
0x91: {  	_ =	swait.ge [sflag:s30], $0x1380  }
0x92: {  	[sflag:s30] =	ssyncset.done $0x0  }
0x93: {  	s12 =	rddreg [dreg:$0x7];
	[sflag:s30] =	ssyncadd.s32 $0xFFFFEC80  }
0x94: {  	[tilespmem:s31], [sflag:$0x3] =	stream.linear.gather [hbm4b:s12+s10], $0x1380, $0x38;
	[tilespmem:$0x1E800] =	vst v63  }
0x95: {  	_ =	swait.ge [sflag:s30], $0x1380  }
0x96: {  	[sflag:s30] =	ssyncset.done $0x0  }
0x97: {  	[sflag:s30] =	ssyncadd.s32 $0xFFFFEC80  }
0x98: {  	[tilespmem:s3], [sflag:$0x1] =	stream.indirect.gather [hbm4b:s16+s1], $0x80, s29, s1, $0xb8;
	[tilespmem:$0x1E800] =	vst v63  }
0x99: {  	s13 =	simm.s32 $0x14080  }
0x9a: {  	[tilespmem:s4], [sflag:$0x2] =	stream.indirect.gather [hbm4b:s16+s1], $0x80, s13, s1, $0xb8;
	[tilespmem:$0x1E800] =	vst v63  }
0x9b: {  	_ =	swait.ge [sflag:s5], $0x4000  }
0x9c: {  	[sflag:s5] =	ssyncset.done $0x0  }
0x9d: {  	s14 =	simm.s32 $0x15400;
	[sflag:s5] =	ssyncadd.s32 $0xFFFFC000  }
0x9e: {  	[spmem:s2] =	stream.indirect.scatter.add.f32 [tilespmem:s3], [sflag:$0x3], $0x80, s14, s1, $0xb8;
	[tilespmem:$0x1E800] =	vst v63  }
0x9f: {  	_ =	swait.ge [sflag:s30], $0x4000  }
0xa0: {  	[sflag:s30] =	ssyncset.done $0x0  }
0xa1: {  	s17 =	simm.s32 $0x14100;
	[sflag:s30] =	ssyncadd.s32 $0xFFFFC000  }
0xa2: {  	[tilespmem:s3], [sflag:$0x1] =	stream.indirect.gather [hbm4b:s16+s1], $0x80, s17, s1, $0xb8;
	[tilespmem:$0x1E800] =	vst v63  }
0xa3: {  	_ =	swait.ge [sflag:s6], $0x4000  }
0xa4: {  	[sflag:s6] =	ssyncset.done $0x0  }
0xa5: {  	s21 =	simm.s32 $0x15480;
	[sflag:s6] =	ssyncadd.s32 $0xFFFFC000  }
0xa6: {  	[spmem:s2] =	stream.indirect.scatter.add.f32 [tilespmem:s4], [sflag:$0x3], $0x80, s21, s1, $0xb8;
	[tilespmem:$0x1E800] =	vst v63  }
0xa7: {  	_ =	swait.ge [sflag:s30], $0x4000  }
0xa8: {  	s8 =	simm.s32 $0x100;
	s9 =	simm.s32 $0x800;
	[sflag:s30] =	ssyncset.done $0x0  }
.LBB2_6:
0xa9: {  	s10 =	sadd.s32 $0x14080, s8  }
0xaa: {  	[sflag:s30] =	ssyncadd.s32 $0xFFFFC000;
	s11 =	smov.u32 s9;
	s12 =	sadd.s32 $0x400, s9  }
0xab: {  	[tilespmem:s4], [sflag:$0x2] =	stream.indirect.gather [hbm4b:s16+s1], $0x80, s10, s1, $0xb8;
	[tilespmem:$0x1E800] =	vst v63  }
0xac: {  	p1 =	sne.s32 s9, $0x4800;
	_ =	swait.ge [sflag:s5], $0x4000  }
0xad: {  	[sflag:s5] =	ssyncset.done $0x0  }
0xae: {  	s9 =	sadd.s32 $0x15400, s8;
	[sflag:s5] =	ssyncadd.s32 $0xFFFFC000  }
0xaf: {  	[spmem:s2] =	stream.indirect.scatter.add.f32 [tilespmem:s3], [sflag:$0x3], $0x80, s9, s1, $0xb8;
	[tilespmem:$0x1E800] =	vst v63  }
0xb0: {  	_ =	swait.ge [sflag:s30], $0x4000  }
0xb1: {  	[sflag:s30] =	ssyncset.done $0x0  }
0xb2: {  	s9 =	sadd.s32 $0x14100, s8;
	[sflag:s30] =	ssyncadd.s32 $0xFFFFC000  }
0xb3: {  	[tilespmem:s3], [sflag:$0x1] =	stream.indirect.gather [hbm4b:s16+s1], $0x80, s9, s1, $0xb8;
	[tilespmem:$0x1E800] =	vst v63  }
0xb4: {  	_ =	swait.ge [sflag:s6], $0x4000  }
.Ltmp2:
0xb5: {  	[sflag:s6] =	ssyncset.done $0x0;
	(pc) =	sbr.rel @p1 .LBB2_6-.Ltmp2, $4  }
0xb6: {  	s8 =	sadd.s32 $0x15480, s8;
	[sflag:s6] =	ssyncadd.s32 $0xFFFFC000  }
0xb7: {  	[spmem:s2] =	stream.indirect.scatter.add.f32 [tilespmem:s4], [sflag:$0x3], $0x80, s8, s1, $0xb8;
	[tilespmem:$0x1E800] =	vst v63  }
0xb8: {  	_ =	swait.ge [sflag:s30], $0x4000  }
0xb9: {  	s9 =	smov.u32 s12;
	s8 =	sshra.s32 s11, $0x2;
	[sflag:s30] =	ssyncset.done $0x0  }
0xba: {  	s9 =	sadd.s32 $0x14080, s8;
	[sflag:s30] =	ssyncadd.s32 $0xFFFFC000  }
0xbb: {  	[tilespmem:s4], [sflag:$0x2] =	stream.indirect.gather [hbm4b:s16+s1], $0x80, s9, s1, $0xb8;
	[tilespmem:$0x1E800] =	vst v63  }
0xbc: {  	_ =	swait.ge [sflag:s5], $0x4000  }
0xbd: {  	[sflag:s5] =	ssyncset.done $0x0  }
0xbe: {  	s10 =	sadd.s32 $0x15400, s8;
	[sflag:s5] =	ssyncadd.s32 $0xFFFFC000  }
0xbf: {  	[spmem:s2] =	stream.indirect.scatter.add.f32 [tilespmem:s3], [sflag:$0x3], $0x80, s10, s1, $0xb8;
	[tilespmem:$0x1E800] =	vst v63  }
0xc0: {  	_ =	swait.ge [sflag:s30], $0x4000  }
0xc1: {  	[sflag:s30] =	ssyncset.done $0x0  }
0xc2: {  	s11 =	sadd.s32 $0x14100, s8;
	[sflag:s30] =	ssyncadd.s32 $0xFFFFC000  }
0xc3: {  	[tilespmem:s3], [sflag:$0x1] =	stream.indirect.gather [hbm4b:s16+s1], $0x80, s11, s1, $0xb8;
	[tilespmem:$0x1E800] =	vst v63  }
0xc4: {  	_ =	swait.ge [sflag:s6], $0x4000  }
0xc5: {  	[sflag:s6] =	ssyncset.done $0x0  }
0xc6: {  	s12 =	sadd.s32 $0x15480, s8;
	[sflag:s6] =	ssyncadd.s32 $0xFFFFC000  }
0xc7: {  	[spmem:s2] =	stream.indirect.scatter.add.f32 [tilespmem:s4], [sflag:$0x3], $0x80, s12, s1, $0xb8;
	[tilespmem:$0x1E800] =	vst v63  }
0xc8: {  	_ =	swait.ge [sflag:s30], $0x4000  }
0xc9: {  	[sflag:s30] =	ssyncset.done $0x0  }
0xca: {  	[sflag:s30] =	ssyncadd.s32 $0xFFFFC000  }
0xcb: {  	_ =	swait.ge [sflag:s5], $0x4000  }
0xcc: {  	[sflag:s5] =	ssyncset.done $0x0  }
0xcd: {  	[sflag:s5] =	ssyncadd.s32 $0xFFFFC000  }
0xce: {  	[spmem:s2] =	stream.indirect.scatter.add.f32 [tilespmem:s3], [sflag:$0x3], $0x80, s7, s1, $0xb8;
	[tilespmem:$0x1E800] =	vst v63  }
0xcf: {  	_ =	swait.ge [sflag:s30], $0x4000  }
0xd0: {  	[sflag:s30] =	ssyncset.done $0x0  }
0xd1: {  	[sflag:s30] =	ssyncadd.s32 $0xFFFFC000  }
0xd2: {  	s13 =	sshll.u32 s0, $0x6;
	[bflag:$0x0] =	sbarrier.arrive $0xFFFF  }
0xd3: {  	s14 =	sshrl.u32 s18, $0x3;
	s8 =	sor.u32 $0x1C03, s13;
	s10 =	rddreg [dreg:$0x8]  }
0xd4: {  	[hbm:s10], [sflag:s8] =	dma.local [spmem:s14], $0x500  }
0xd5: {  	_ =	swait.ge [sflag:s30], $0x500  }
0xd6: {  	[sflag:s30] =	ssyncset.done $0x0;
	s17 =	rddreg [dreg:$0x9]  }
0xd7: {  	s21 =	rddreg [dreg:$0x11];
	[sflag:s30] =	ssyncadd.s32 $0xFFFFFB00  }
0xd8: {  	[hbm:s17], [sflag:s8] =	dma.local [spmem:s21], $0x500  }
0xd9: {  	_ =	swait.ge [sflag:s30], $0x500  }
0xda: {  	[sflag:s30] =	ssyncset.done $0x0  }
0xdb: {  	s10 =	rddreg [dreg:$0xa];
	[sflag:s30] =	ssyncadd.s32 $0xFFFFFB00  }
0xdc: {  	[hbm:s10], [sflag:s8] =	dma.local [spmem:s22], $0x500  }
0xdd: {  	_ =	swait.ge [sflag:s30], $0x500  }
0xde: {  	[sflag:s30] =	ssyncset.done $0x0  }
0xdf: {  	s11 =	rddreg [dreg:$0xb];
	[sflag:s30] =	ssyncadd.s32 $0xFFFFFB00  }
0xe0: {  	[hbm:s11], [sflag:s8] =	dma.local [spmem:s23], $0x500  }
0xe1: {  	_ =	swait.ge [sflag:s30], $0x500  }
0xe2: {  	[sflag:s30] =	ssyncset.done $0x0  }
0xe3: {  	s12 =	rddreg [dreg:$0xc];
	[sflag:s30] =	ssyncadd.s32 $0xFFFFFB00  }
0xe4: {  	[hbm:s12], [sflag:s8] =	dma.local [spmem:s24], $0x500  }
0xe5: {  	_ =	swait.ge [sflag:s30], $0x500  }
0xe6: {  	[sflag:s30] =	ssyncset.done $0x0  }
0xe7: {  	s13 =	rddreg [dreg:$0xd];
	[sflag:s30] =	ssyncadd.s32 $0xFFFFFB00  }
0xe8: {  	[hbm:s13], [sflag:s8] =	dma.local [spmem:s25], $0x500  }
0xe9: {  	_ =	swait.ge [sflag:s30], $0x500  }
0xea: {  	[sflag:s30] =	ssyncset.done $0x0  }
0xeb: {  	s14 =	rddreg [dreg:$0xe];
	[sflag:s30] =	ssyncadd.s32 $0xFFFFFB00  }
0xec: {  	[hbm:s14], [sflag:s8] =	dma.local [spmem:s26], $0x500  }
0xed: {  	_ =	swait.ge [sflag:s30], $0x500  }
0xee: {  	[sflag:s30] =	ssyncset.done $0x0  }
0xef: {  	s17 =	rddreg [dreg:$0xf];
	[sflag:s30] =	ssyncadd.s32 $0xFFFFFB00  }
0xf0: {  	[hbm:s17], [sflag:s8] =	dma.local [spmem:s28], $0x500  }
0xf1: {  	_ =	swait.ge [sflag:s30], $0x500  }
0xf2: {  	s15 =	sadd.s32 $0x1, s15;
	s21 =	rddreg [dreg:$0x10]  }
0xf3: {  	p1 =	sne.s32 s15, s21  }
.Ltmp3:
0xf4: {  	_ = 	snop;
	(pc) =	sbr.rel @p1 .LBB2_1-.Ltmp3, $3  }
0xf5: {  	_ =	sdelay $0x1  }
0xf6: {  	[sflag:s30] =	ssyncset.done $0x0  }
0xf7: {  	[sflag:s30] =	ssyncadd.s32 $0xFFFFFB00  }
0xf8: {  	_ =	sfence.sel $0x180000  }
0xf9: {  	[bflag:$0x0] =	sbarrier.arrive $0xFFFF  }
0xfa: {  	_ =	strace $0x90000050  }
0xfb: {  	[bflag:$0x2] =	sbarrier.arrive $0xFFFF  }
0xfc: {  	p0 =	sne.s32 s0, $0x0;
	s0 =	rddreg [dreg:$0x3]  }
0xfd: {  	s0 =	sadd.s32 @!p0 $0x100000, s0  }
0xfe: {  	[sflag:s0] =	ssyncadd.tile.s32 @!p0 $0x1;
	_ =	shalt  }
.Lfunc_end2:
_tile_overlayer_lowered:
.L_overlay_start_2:
0xff: {  	(tag) =	ssettag $0x2  }
0x100: {  	s0 =	rddreg [dreg:$0x0];
	s2 =	stileid.u32  }
0x101: {  	s1 =	rddreg [dreg:$0x1];
	p0 =	sne.s32 s2, $0x0  }
0x102: {  	s3 =	rddreg [dreg:$0x2];
	[bflag:$0x3] =	sbarrier.arrive $0xFFFF;
	s2 =	simm.s32 @!p0 $0x1C03  }
0x103: {  	[timem:s3], [sflag:s2] =	dma.local @!p0 [hbm:s0], s1  }
0x104: {  	s0 =	simm.s32 @!p0 $0x3  }
0x105: {  	_ =	swait.ge @!p0 [sflag:s0], s1  }
0x106: {  	s1 =	ssub.s32 @!p0 $0x0, s1;
	[sflag:s0] =	ssyncset.done @!p0 $0x0  }
0x107: {  	[sflag:s0] =	ssyncadd.s32 @!p0 s1  }
0x108: {  	[bflag:$0x3] =	sbarrier.arrive $0xFFFF  }
0x109: {  	_ =	shalt  }

</sc_bundles>
